<compile_context>
chip_gen: v7x
topology: tpu7x:2x2x1
jax: 0.10.2.dev20260603
libtpu: 0.0.44.dev20260713+nightly
codegen_flags: <defaults>
</compile_context>

<pallas_src>
import functools

import jax
import jax.numpy as jnp
from jax import lax
from jax.experimental import pallas as pl
from jax.experimental.pallas import tpu as pltpu
from jax.experimental.pallas import tpu_sc as plsc

NC = 2
NS = 16
NW = NC * NS
CHUNK = 128
CW = 16
ROW_BLOCK = 10000

_MESH = dict(core_axis_name="c", subcore_axis_name="s")


def _fill_loop(refs_vals, n):
  def row(r, carry):
    for ref, val in refs_vals:
      w = ref.shape[1]
      for c in range(w // 16):
        ref[r, pl.ds(c * 16, 16)] = jnp.full((16,), val, jnp.float32)
    return carry
  lax.fori_loop(0, n, row, 0)


def _counts_sc(dst_idx, acc_rows, T):
  stripe = acc_rows // NS
  GRP = 8

  @functools.partial(
      pl.kernel,
      out_type=jax.ShapeDtypeStruct((NC, acc_rows, CW), jnp.float32),
      mesh=plsc.VectorSubcoreMesh(**_MESH),
      scratch_types=[
          pltpu.VMEM((T, CHUNK), jnp.int32),
          pltpu.VMEM((CHUNK, CW), jnp.float32),
          pltpu.VMEM((CHUNK, CW), jnp.float32),
          pltpu.VMEM_SHARED((acc_rows, CW), jnp.float32),
          pltpu.SemaphoreType.DMA,
          pltpu.SemaphoreType.DMA,
      ],
      compiler_params=pltpu.CompilerParams(use_tc_tiling_on_sc=False),
  )
  def k(dst_hbm, cout_hbm, idx_d, ones_v, czero_v, cacc, semi, sem):
    cid = lax.axis_index("c")
    sid = lax.axis_index("s")
    wid = sid * NC + cid

    cp_d = pltpu.async_copy(dst_hbm.at[wid], idx_d, semi)
    _fill_loop([(ones_v, 1.0), (czero_v, 0.0)], CHUNK)
    for b in range(stripe // CHUNK):
      pltpu.sync_copy(czero_v, cacc.at[pl.ds(sid * stripe + b * CHUNK, CHUNK)])
    cp_d.wait()
    plsc.subcore_barrier()

    def body(g, carry):
      for b in range(GRP):
        pltpu.async_copy(ones_v, cacc.at[idx_d.at[g * GRP + b]], sem, add=True)
      for b in range(GRP):
        pltpu.make_async_copy(ones_v, cacc.at[idx_d.at[0]], sem).wait()
      return carry
    lax.fori_loop(0, T // GRP, body, 0)

    plsc.subcore_barrier()
    pltpu.sync_copy(cacc.at[pl.ds(sid * stripe, stripe)],
                    cout_hbm.at[cid].at[pl.ds(sid * stripe, stripe)])

  return k(dst_idx)


def _scatter_add_sc(table, dst_idx, src_idx, acc_rows, width, T, nbuf,
                    async_scatter):
  stripe = acc_rows // NS

  @functools.partial(
      pl.kernel,
      out_type=jax.ShapeDtypeStruct((NC, acc_rows, width), jnp.float32),
      mesh=plsc.VectorSubcoreMesh(**_MESH),
      scratch_types=[
          pltpu.VMEM((T, CHUNK), jnp.int32),
          pltpu.VMEM((T, CHUNK), jnp.int32),
      ] + [pltpu.VMEM((CHUNK, width), jnp.float32) for _ in range(nbuf)]
      + [pltpu.VMEM((CHUNK, width), jnp.float32)]
      + [pltpu.VMEM_SHARED((acc_rows, width), jnp.float32)]
      + [pltpu.SemaphoreType.DMA for _ in range(2 * nbuf + 1)],
      compiler_params=pltpu.CompilerParams(use_tc_tiling_on_sc=False),
  )
  def k(table_hbm, dst_hbm, src_hbm, out_hbm, idx_d, idx_s, *bufs):
    rows = bufs[:nbuf]
    zeros_v = bufs[nbuf]
    acc = bufs[nbuf + 1]
    gsems = bufs[nbuf + 2:2 * nbuf + 2]
    ssems = bufs[2 * nbuf + 2:3 * nbuf + 2]
    semi = bufs[3 * nbuf + 2]
    cid = lax.axis_index("c")
    sid = lax.axis_index("s")
    wid = sid * NC + cid

    cp_d = pltpu.async_copy(dst_hbm.at[wid], idx_d, semi)
    cp_s = pltpu.async_copy(src_hbm.at[wid], idx_s, semi)

    _fill_loop([(zeros_v, 0.0)], CHUNK)
    for b in range(stripe // CHUNK):
      pltpu.sync_copy(zeros_v, acc.at[pl.ds(sid * stripe + b * CHUNK, CHUNK)])
    cp_d.wait()
    cp_s.wait()
    plsc.subcore_barrier()

    def issue(t, buf, sem):
      pltpu.async_copy(table_hbm.at[idx_s.at[t]], buf, sem)

    def gdrain(buf, sem):
      pltpu.make_async_copy(table_hbm.at[idx_s.at[0]], buf, sem).wait()

    def fire_scatter(t, buf, sem):
      pltpu.async_copy(buf, acc.at[idx_d.at[t]], sem, add=True)

    def sdrain(buf, sem):
      pltpu.make_async_copy(buf, acc.at[idx_d.at[0]], sem).wait()

    for b in range(nbuf):
      issue(b, rows[b], gsems[b])

    if async_scatter:
      def body(g, carry):
        t0 = g * nbuf
        for b in range(nbuf):
          gdrain(rows[b], gsems[b])
          fire_scatter(t0 + b, rows[b], ssems[b])
        for b in range(nbuf):
          sdrain(rows[b], ssems[b])
          issue(t0 + nbuf + b, rows[b], gsems[b])
        return carry
      lax.fori_loop(0, T // nbuf - 1, body, 0)

      t0 = T - nbuf
      for b in range(nbuf):
        gdrain(rows[b], gsems[b])
        fire_scatter(t0 + b, rows[b], ssems[b])
      for b in range(nbuf):
        sdrain(rows[b], ssems[b])
    else:
      def body(g, carry):
        t0 = g * nbuf
        for b in range(nbuf):
          gdrain(rows[b], gsems[b])
          pltpu.sync_copy(rows[b], acc.at[idx_d.at[t0 + b]], add=True)
          issue(t0 + nbuf + b, rows[b], gsems[b])
        return carry
      lax.fori_loop(0, T // nbuf - 1, body, 0)

      t0 = T - nbuf
      for b in range(nbuf):
        gdrain(rows[b], gsems[b])
        pltpu.sync_copy(rows[b], acc.at[idx_d.at[t0 + b]], add=True)

    plsc.subcore_barrier()
    pltpu.sync_copy(acc.at[pl.ds(sid * stripe, stripe)],
                    out_hbm.at[cid].at[pl.ds(sid * stripe, stripe)])

  return k(table, dst_idx, src_idx)


def _mm1_kernel(x_ref, w0t_ref, w1t_ref, b0_ref, b1_ref, vw0_ref, table_ref):
  x = x_ref[...]
  vw0 = jnp.dot(x, w0t_ref[...], preferred_element_type=jnp.float32)
  vw1 = jnp.dot(x, w1t_ref[...], preferred_element_type=jnp.float32)
  vw0_ref[...] = vw0 + b0_ref[...]
  table_ref[...] = vw1 + b1_ref[...]


def _mid_kernel(vw0_ref, p_ref, c_ref, w0t_ref, w1t_ref, b0_ref, b1_ref,
                aux_ref, table_ref):
  p = p_ref[...]
  nbr = p[0] + p[1]
  c = c_ref[...]
  cnt = (c[0] + c[1])[:, 0:1]
  dinv = 1.0 / cnt
  h = jnp.maximum((vw0_ref[...] + nbr) * dinv, 0.0)
  hw0 = jnp.dot(h, w0t_ref[...], preferred_element_type=jnp.float32) + b0_ref[...]
  hw1 = jnp.dot(h, w1t_ref[...], preferred_element_type=jnp.float32) + b1_ref[...]
  r = h.shape[0]
  aux_ref[...] = jnp.concatenate(
      [hw0, dinv, jnp.zeros((r, 4), jnp.float32)], axis=1)
  table_ref[...] = jnp.concatenate(
      [hw1, jnp.zeros((r, 13), jnp.float32)], axis=1)


def _final_kernel(aux_ref, p_ref, out_ref):
  p = p_ref[...]
  s = p[0] + p[1]
  out_ref[...] = (aux_ref[:, :3] + s[:, :3]) * aux_ref[:, 3:4]


def kernel(features, w0_1, b0_1, w1_1, b1_1, w0_2, b0_2, w1_2, b1_2, edges):
  V = features.shape[0]
  E = edges.shape[0]
  E2 = 2 * E
  per_worker = -(-E2 // (NW * CHUNK))
  per_worker += (-per_worker) % 8
  pad_len = per_worker * NW * CHUNK - E2
  acc_rows = -(-(V + 1) // (NS * CHUNK)) * NS * CHUNK

  e0 = edges[:, 0]
  e1 = edges[:, 1]
  fill = jnp.arange(pad_len, dtype=jnp.int32)
  dst_idx = jnp.concatenate(
      [e0, e1, V + fill % (acc_rows - V)]).reshape(NW, per_worker, CHUNK)
  src_idx = jnp.concatenate(
      [e1, e0, fill % V]).reshape(NW, per_worker, CHUNK)

  grid = V // ROW_BLOCK

  c1 = _counts_sc(dst_idx, acc_rows, per_worker)

  vw0, table1 = pl.pallas_call(
      _mm1_kernel,
      grid=(grid,),
      in_specs=[
          pl.BlockSpec((ROW_BLOCK, 128), lambda i: (i, 0)),
          pl.BlockSpec((128, 64), lambda i: (0, 0)),
          pl.BlockSpec((128, 64), lambda i: (0, 0)),
          pl.BlockSpec((1, 64), lambda i: (0, 0)),
          pl.BlockSpec((1, 64), lambda i: (0, 0)),
      ],
      out_specs=[
          pl.BlockSpec((ROW_BLOCK, 64), lambda i: (i, 0)),
          pl.BlockSpec((ROW_BLOCK, 64), lambda i: (i, 0)),
      ],
      out_shape=[
          jax.ShapeDtypeStruct((V, 64), jnp.float32),
          jax.ShapeDtypeStruct((V, 64), jnp.float32),
      ],
  )(features, w0_1.T, w1_1.T, b0_1[None, :], b1_1[None, :])

  p1 = _scatter_add_sc(table1, dst_idx, src_idx, acc_rows, 64, per_worker, 4, False)

  aux, table2 = pl.pallas_call(
      _mid_kernel,
      grid=(grid,),
      in_specs=[
          pl.BlockSpec((ROW_BLOCK, 64), lambda i: (i, 0)),
          pl.BlockSpec((NC, ROW_BLOCK, 64), lambda i: (0, i, 0)),
          pl.BlockSpec((NC, ROW_BLOCK, CW), lambda i: (0, i, 0)),
          pl.BlockSpec((64, 3), lambda i: (0, 0)),
          pl.BlockSpec((64, 3), lambda i: (0, 0)),
          pl.BlockSpec((1, 3), lambda i: (0, 0)),
          pl.BlockSpec((1, 3), lambda i: (0, 0)),
      ],
      out_specs=[
          pl.BlockSpec((ROW_BLOCK, 8), lambda i: (i, 0)),
          pl.BlockSpec((ROW_BLOCK, 16), lambda i: (i, 0)),
      ],
      out_shape=[
          jax.ShapeDtypeStruct((V, 8), jnp.float32),
          jax.ShapeDtypeStruct((V, 16), jnp.float32),
      ],
  )(vw0, p1, c1, w0_2.T, w1_2.T, b0_2[None, :], b1_2[None, :])

  p2 = _scatter_add_sc(table2, dst_idx, src_idx, acc_rows, 16, per_worker, 8, True)

  out = pl.pallas_call(
      _final_kernel,
      grid=(grid,),
      in_specs=[
          pl.BlockSpec((ROW_BLOCK, 8), lambda i: (i, 0)),
          pl.BlockSpec((NC, ROW_BLOCK, 16), lambda i: (0, i, 0)),
      ],
      out_specs=pl.BlockSpec((ROW_BLOCK, 3), lambda i: (i, 0)),
      out_shape=jax.ShapeDtypeStruct((V, 3), jnp.float32),
  )(aux, p2)
  return out

# --- scband reference (transcript-rebuilt; emitter-appended) ---
"""Pipeline reference for scband-feature2-vertex-layer-10342281249418 (READ-ONLY COPY).

The authoritative reference and input builder live on the scoring server;
editing this copy changes nothing except your own understanding.
"""

import jax, jax.numpy as jnp
import numpy as np

V = 10000
E = 320000
D_IN = 128
D_HID = 64  # 2*128//2 -> 1*128//2
D_OUT = 3


def setup_inputs(seed: int = 0) -> dict:
    key = jax.random.key(seed)
    ks = jax.random.split(key, 12)
    features = jax.random.normal(ks[0], (V, D_IN), dtype=jnp.float32)
    edges = jax.random.randint(ks[1], (E, 2), 0, V, dtype=jnp.int32)
    # GraphConvNorm layer 1: in=128, out=64 (pytorch3d GraphConv has w0, w1 Linear layers)
    w0_1 = jax.random.normal(ks[2], (D_HID, D_IN), dtype=jnp.float32) * 0.01
    b0_1 = jnp.zeros((D_HID,), dtype=jnp.float32)
    w1_1 = jax.random.normal(ks[3], (D_HID, D_IN), dtype=jnp.float32) * 0.01
    b1_1 = jnp.zeros((D_HID,), dtype=jnp.float32)
    # GraphConvNorm last layer: in=64, out=3
    w0_2 = jax.random.normal(ks[4], (D_OUT, D_HID), dtype=jnp.float32) * 0.01
    b0_2 = jnp.zeros((D_OUT,), dtype=jnp.float32)
    w1_2 = jax.random.normal(ks[5], (D_OUT, D_HID), dtype=jnp.float32) * 0.01
    b1_2 = jnp.zeros((D_OUT,), dtype=jnp.float32)
    return {
        "features": features,
        "w0_1": w0_1, "b0_1": b0_1, "w1_1": w1_1, "b1_1": b1_1,
        "w0_2": w0_2, "b0_2": b0_2, "w1_2": w1_2, "b1_2": b1_2,
        "edges": edges,
    }


def _graph_conv_norm(verts, edges, w0, b0, w1, b1):
    # pytorch3d GraphConv (undirected): out = w0(verts) + sum_{j in N(i)} w1(verts_j)
    vw0 = verts @ w0.T + b0
    vw1 = verts @ w1.T + b1
    e0 = edges[:, 0]
    e1 = edges[:, 1]
    nbr = jnp.zeros_like(vw0)
    nbr = nbr.at[e0].add(vw1[e1])
    nbr = nbr.at[e1].add(vw1[e0])
    out = vw0 + nbr
    # GraphConvNorm: divide by degree (count of each vertex id appearing in edges)
    counts = jnp.bincount(edges.reshape(-1), length=verts.shape[0])
    d_inv = (1.0 / counts.astype(verts.dtype))[:, None]
    return d_inv * out


def reference(features, w0_1, b0_1, w1_1, b1_1, w0_2, b0_2, w1_2, b1_2, edges):
    h = _graph_conv_norm(features, edges, w0_1, b0_1, w1_1, b1_1)
    h = jax.nn.relu(h)
    out = _graph_conv_norm(h, edges, w0_2, b0_2, w1_2, b1_2)
    return out

if __name__ == "__main__":
    import jax
    _d = setup_inputs()
    print(jax.jit(kernel)(*tuple(_d.values())))

</pallas_src>

<mosaic_0001>
#map = affine_map<(d0, d1) -> (0, 0, 0)>
module attributes {stable_mosaic.version = 14 : i64} {
  func.func @k(%arg0: i32, %arg1: i32, %arg2: memref<32x160x128xi32, #tpu.memory_space<hbm>>, %arg3: memref<2x10240x16xf32, #tpu.memory_space<hbm>>, %arg4: memref<160x128xi32, #tpu.memory_space<vmem>>, %arg5: memref<128x16xf32, #tpu.memory_space<vmem>>, %arg6: memref<128x16xf32, #tpu.memory_space<vmem>>, %arg7: memref<10240x16xf32, #tpu.memory_space<vmem_shared>>, %arg8: memref<!tpu.dma_semaphore, #tpu.memory_space<semaphore_mem>>, %arg9: memref<!tpu.dma_semaphore, #tpu.memory_space<semaphore_mem>>) attributes {dimension_semantics = [#tpu.dimension_semantics<core_parallel>, #tpu.dimension_semantics<subcore_parallel>], iteration_bounds = array<i64: 2, 16>, scalar_prefetch = 0 : i64, scratch_operands = 6 : i64, tpu.core_type = #tpu.core_type<sc_vector_subcore>, window_params = [{transform_indices = #map}, {transform_indices = #map}]} {
    %mul3A = arith.constant 2 : i32
    %mul3A_0 = arith.muli %arg1, %mul3A : i32
    %add3A = arith.addi %mul3A_0, %arg0 : i32
    %dma_start3A = arith.constant 0 : i32
    %dma_start3A_1 = arith.constant 0 : i32
    %dma_start3A_2 = tpu.memref_slice %arg2[%add3A, %dma_start3A, %dma_start3A_1] : memref<32x160x128xi32, #tpu.memory_space<hbm>> -> memref<1x160x128xi32, #tpu.memory_space<hbm>>
    %dma_start3A_3 = tpu.memref_squeeze %dma_start3A_2 : memref<1x160x128xi32, #tpu.memory_space<hbm>> -> memref<160x128xi32, #tpu.memory_space<hbm>>
    %dma_start3A_4 = arith.constant 0 : i32
    %dma_start3A_5 = arith.constant 0 : i32
    %dma_start3A_6 = tpu.memref_slice %arg2[%add3A, %dma_start3A_4, %dma_start3A_5] : memref<32x160x128xi32, #tpu.memory_space<hbm>> -> memref<1x160x128xi32, #tpu.memory_space<hbm>>
    %dma_start3A_7 = tpu.memref_squeeze %dma_start3A_6 : memref<1x160x128xi32, #tpu.memory_space<hbm>> -> memref<160x128xi32, #tpu.memory_space<hbm>>
    tpu.enqueue_dma source(%dma_start3A_7 : memref<160x128xi32, #tpu.memory_space<hbm>>) target(%arg4 : memref<160x128xi32, #tpu.memory_space<vmem>>) target_semaphore(%arg8 : memref<!tpu.dma_semaphore, #tpu.memory_space<semaphore_mem>>)
    %scan3A = arith.constant 0 : i32
    %scan3A_8 = arith.constant 0 : i32
    %scan3A_9 = arith.constant 128 : i32
    %scan3A_10 = arith.addi %scan3A_8, %scan3A_9 : i32
    %scan3A_11 = arith.constant 1 : i32
    scf.for %scan3A_51 = %scan3A_8 to %scan3A_10 step %scan3A_11  : i32 {
      %broadcast_in_dim3A = arith.constant 1.000000e+00 : f32
      %broadcast_in_dim3A_52 = vector.broadcast %broadcast_in_dim3A : f32 to vector<16xf32>
      %swap3A = arith.index_cast %scan3A_51 : i32 to index
      %swap3A_53 = arith.constant 0 : index
      %swap3A_54 = tpu.vector_load %arg5[%swap3A, %swap3A_53] {strides = array<i32>} : memref<128x16xf32, #tpu.memory_space<vmem>>, vector<1x16xf32>,
      %swap3A_55 = vector.shape_cast %swap3A_54 : vector<1x16xf32> to vector<16xf32>
      %swap3A_56 = vector.shape_cast %broadcast_in_dim3A_52 : vector<16xf32> to vector<1x16xf32>
      tpu.vector_store %arg5[%swap3A, %swap3A_53], %swap3A_56 {strides = array<i32>} : memref<128x16xf32, #tpu.memory_space<vmem>>, vector<1x16xf32>,
      %broadcast_in_dim3A_57 = arith.constant 0.000000e+00 : f32
      %broadcast_in_dim3A_58 = vector.broadcast %broadcast_in_dim3A_57 : f32 to vector<16xf32>
      %swap3A_59 = arith.index_cast %scan3A_51 : i32 to index
      %swap3A_60 = arith.constant 0 : index
      %swap3A_61 = tpu.vector_load %arg6[%swap3A_59, %swap3A_60] {strides = array<i32>} : memref<128x16xf32, #tpu.memory_space<vmem>>, vector<1x16xf32>,
      %swap3A_62 = vector.shape_cast %swap3A_61 : vector<1x16xf32> to vector<16xf32>
      %swap3A_63 = vector.shape_cast %broadcast_in_dim3A_58 : vector<16xf32> to vector<1x16xf32>
      tpu.vector_store %arg6[%swap3A_59, %swap3A_60], %swap3A_63 {strides = array<i32>} : memref<128x16xf32, #tpu.memory_space<vmem>>, vector<1x16xf32>,
    }
    %scan3A_12 = arith.constant 128 : i32
    %mul3A_13 = arith.constant 640 : i32
    %mul3A_14 = arith.muli %arg1, %mul3A_13 : i32
    %add3A_15 = arith.constant 0 : i32
    %add3A_16 = arith.addi %mul3A_14, %add3A_15 : i32
    "tpu.region"() ({
      %run_scoped3A = tpu.sem_alloc : memref<!tpu.dma_semaphore, #tpu.memory_space<semaphore_mem>>
      %dma_start3A_51 = arith.constant 0 : i32
      %dma_start3A_52 = tpu.memref_slice %arg7[%add3A_16, %dma_start3A_51] : memref<10240x16xf32, #tpu.memory_space<vmem_shared>> -> memref<128x16xf32, #tpu.memory_space<vmem_shared>>
      %dma_start3A_53 = arith.constant 0 : i32
      %dma_start3A_54 = tpu.memref_slice %arg7[%add3A_16, %dma_start3A_53] : memref<10240x16xf32, #tpu.memory_space<vmem_shared>> -> memref<128x16xf32, #tpu.memory_space<vmem_shared>>
      tpu.enqueue_dma source(%arg6 : memref<128x16xf32, #tpu.memory_space<vmem>>) target(%dma_start3A_54 : memref<128x16xf32, #tpu.memory_space<vmem_shared>>) target_semaphore(%run_scoped3A : memref<!tpu.dma_semaphore, #tpu.memory_space<semaphore_mem>>)
      %dma_wait3A_55 = arith.constant 0 : i32
      %dma_wait3A_56 = tpu.memref_slice %arg7[%add3A_16, %dma_wait3A_55] : memref<10240x16xf32, #tpu.memory_space<vmem_shared>> -> memref<128x16xf32, #tpu.memory_space<vmem_shared>>
      %dma_wait3A_57 = arith.constant 0 : i32
      %dma_wait3A_58 = tpu.memref_slice %arg7[%add3A_16, %dma_wait3A_57] : memref<10240x16xf32, #tpu.memory_space<vmem_shared>> -> memref<128x16xf32, #tpu.memory_space<vmem_shared>>
      tpu.wait_dma2 semaphore(%run_scoped3A : memref<!tpu.dma_semaphore, #tpu.memory_space<semaphore_mem>>) src(%arg6 : memref<128x16xf32, #tpu.memory_space<vmem>>) dst(%dma_wait3A_58 : memref<128x16xf32, #tpu.memory_space<vmem_shared>>)
      tpu.yield
    }) : () -> ()
    %mul3A_17 = arith.constant 640 : i32
    %mul3A_18 = arith.muli %arg1, %mul3A_17 : i32
    %add3A_19 = arith.constant 128 : i32
    %add3A_20 = arith.addi %mul3A_18, %add3A_19 : i32
    "tpu.region"() ({
      %run_scoped3A = tpu.sem_alloc : memref<!tpu.dma_semaphore, #tpu.memory_space<semaphore_mem>>
      %dma_start3A_51 = arith.constant 0 : i32
      %dma_start3A_52 = tpu.memref_slice %arg7[%add3A_20, %dma_start3A_51] : memref<10240x16xf32, #tpu.memory_space<vmem_shared>> -> memref<128x16xf32, #tpu.memory_space<vmem_shared>>
      %dma_start3A_53 = arith.constant 0 : i32
      %dma_start3A_54 = tpu.memref_slice %arg7[%add3A_20, %dma_start3A_53] : memref<10240x16xf32, #tpu.memory_space<vmem_shared>> -> memref<128x16xf32, #tpu.memory_space<vmem_shared>>
      tpu.enqueue_dma source(%arg6 : memref<128x16xf32, #tpu.memory_space<vmem>>) target(%dma_start3A_54 : memref<128x16xf32, #tpu.memory_space<vmem_shared>>) target_semaphore(%run_scoped3A : memref<!tpu.dma_semaphore, #tpu.memory_space<semaphore_mem>>)
      %dma_wait3A_55 = arith.constant 0 : i32
      %dma_wait3A_56 = tpu.memref_slice %arg7[%add3A_20, %dma_wait3A_55] : memref<10240x16xf32, #tpu.memory_space<vmem_shared>> -> memref<128x16xf32, #tpu.memory_space<vmem_shared>>
      %dma_wait3A_57 = arith.constant 0 : i32
      %dma_wait3A_58 = tpu.memref_slice %arg7[%add3A_20, %dma_wait3A_57] : memref<10240x16xf32, #tpu.memory_space<vmem_shared>> -> memref<128x16xf32, #tpu.memory_space<vmem_shared>>
      tpu.wait_dma2 semaphore(%run_scoped3A : memref<!tpu.dma_semaphore, #tpu.memory_space<semaphore_mem>>) src(%arg6 : memref<128x16xf32, #tpu.memory_space<vmem>>) dst(%dma_wait3A_58 : memref<128x16xf32, #tpu.memory_space<vmem_shared>>)
      tpu.yield
    }) : () -> ()
    %mul3A_21 = arith.constant 640 : i32
    %mul3A_22 = arith.muli %arg1, %mul3A_21 : i32
    %add3A_23 = arith.constant 256 : i32
    %add3A_24 = arith.addi %mul3A_22, %add3A_23 : i32
    "tpu.region"() ({
      %run_scoped3A = tpu.sem_alloc : memref<!tpu.dma_semaphore, #tpu.memory_space<semaphore_mem>>
      %dma_start3A_51 = arith.constant 0 : i32
      %dma_start3A_52 = tpu.memref_slice %arg7[%add3A_24, %dma_start3A_51] : memref<10240x16xf32, #tpu.memory_space<vmem_shared>> -> memref<128x16xf32, #tpu.memory_space<vmem_shared>>
      %dma_start3A_53 = arith.constant 0 : i32
      %dma_start3A_54 = tpu.memref_slice %arg7[%add3A_24, %dma_start3A_53] : memref<10240x16xf32, #tpu.memory_space<vmem_shared>> -> memref<128x16xf32, #tpu.memory_space<vmem_shared>>
      tpu.enqueue_dma source(%arg6 : memref<128x16xf32, #tpu.memory_space<vmem>>) target(%dma_start3A_54 : memref<128x16xf32, #tpu.memory_space<vmem_shared>>) target_semaphore(%run_scoped3A : memref<!tpu.dma_semaphore, #tpu.memory_space<semaphore_mem>>)
      %dma_wait3A_55 = arith.constant 0 : i32
      %dma_wait3A_56 = tpu.memref_slice %arg7[%add3A_24, %dma_wait3A_55] : memref<10240x16xf32, #tpu.memory_space<vmem_shared>> -> memref<128x16xf32, #tpu.memory_space<vmem_shared>>
      %dma_wait3A_57 = arith.constant 0 : i32
      %dma_wait3A_58 = tpu.memref_slice %arg7[%add3A_24, %dma_wait3A_57] : memref<10240x16xf32, #tpu.memory_space<vmem_shared>> -> memref<128x16xf32, #tpu.memory_space<vmem_shared>>
      tpu.wait_dma2 semaphore(%run_scoped3A : memref<!tpu.dma_semaphore, #tpu.memory_space<semaphore_mem>>) src(%arg6 : memref<128x16xf32, #tpu.memory_space<vmem>>) dst(%dma_wait3A_58 : memref<128x16xf32, #tpu.memory_space<vmem_shared>>)
      tpu.yield
    }) : () -> ()
    %mul3A_25 = arith.constant 640 : i32
    %mul3A_26 = arith.muli %arg1, %mul3A_25 : i32
    %add3A_27 = arith.constant 384 : i32
    %add3A_28 = arith.addi %mul3A_26, %add3A_27 : i32
    "tpu.region"() ({
      %run_scoped3A = tpu.sem_alloc : memref<!tpu.dma_semaphore, #tpu.memory_space<semaphore_mem>>
      %dma_start3A_51 = arith.constant 0 : i32
      %dma_start3A_52 = tpu.memref_slice %arg7[%add3A_28, %dma_start3A_51] : memref<10240x16xf32, #tpu.memory_space<vmem_shared>> -> memref<128x16xf32, #tpu.memory_space<vmem_shared>>
      %dma_start3A_53 = arith.constant 0 : i32
      %dma_start3A_54 = tpu.memref_slice %arg7[%add3A_28, %dma_start3A_53] : memref<10240x16xf32, #tpu.memory_space<vmem_shared>> -> memref<128x16xf32, #tpu.memory_space<vmem_shared>>
      tpu.enqueue_dma source(%arg6 : memref<128x16xf32, #tpu.memory_space<vmem>>) target(%dma_start3A_54 : memref<128x16xf32, #tpu.memory_space<vmem_shared>>) target_semaphore(%run_scoped3A : memref<!tpu.dma_semaphore, #tpu.memory_space<semaphore_mem>>)
      %dma_wait3A_55 = arith.constant 0 : i32
      %dma_wait3A_56 = tpu.memref_slice %arg7[%add3A_28, %dma_wait3A_55] : memref<10240x16xf32, #tpu.memory_space<vmem_shared>> -> memref<128x16xf32, #tpu.memory_space<vmem_shared>>
      %dma_wait3A_57 = arith.constant 0 : i32
      %dma_wait3A_58 = tpu.memref_slice %arg7[%add3A_28, %dma_wait3A_57] : memref<10240x16xf32, #tpu.memory_space<vmem_shared>> -> memref<128x16xf32, #tpu.memory_space<vmem_shared>>
      tpu.wait_dma2 semaphore(%run_scoped3A : memref<!tpu.dma_semaphore, #tpu.memory_space<semaphore_mem>>) src(%arg6 : memref<128x16xf32, #tpu.memory_space<vmem>>) dst(%dma_wait3A_58 : memref<128x16xf32, #tpu.memory_space<vmem_shared>>)
      tpu.yield
    }) : () -> ()
    %mul3A_29 = arith.constant 640 : i32
    %mul3A_30 = arith.muli %arg1, %mul3A_29 : i32
    %add3A_31 = arith.constant 512 : i32
    %add3A_32 = arith.addi %mul3A_30, %add3A_31 : i32
    "tpu.region"() ({
      %run_scoped3A = tpu.sem_alloc : memref<!tpu.dma_semaphore, #tpu.memory_space<semaphore_mem>>
      %dma_start3A_51 = arith.constant 0 : i32
      %dma_start3A_52 = tpu.memref_slice %arg7[%add3A_32, %dma_start3A_51] : memref<10240x16xf32, #tpu.memory_space<vmem_shared>> -> memref<128x16xf32, #tpu.memory_space<vmem_shared>>
      %dma_start3A_53 = arith.constant 0 : i32
      %dma_start3A_54 = tpu.memref_slice %arg7[%add3A_32, %dma_start3A_53] : memref<10240x16xf32, #tpu.memory_space<vmem_shared>> -> memref<128x16xf32, #tpu.memory_space<vmem_shared>>
      tpu.enqueue_dma source(%arg6 : memref<128x16xf32, #tpu.memory_space<vmem>>) target(%dma_start3A_54 : memref<128x16xf32, #tpu.memory_space<vmem_shared>>) target_semaphore(%run_scoped3A : memref<!tpu.dma_semaphore, #tpu.memory_space<semaphore_mem>>)
      %dma_wait3A_55 = arith.constant 0 : i32
      %dma_wait3A_56 = tpu.memref_slice %arg7[%add3A_32, %dma_wait3A_55] : memref<10240x16xf32, #tpu.memory_space<vmem_shared>> -> memref<128x16xf32, #tpu.memory_space<vmem_shared>>
      %dma_wait3A_57 = arith.constant 0 : i32
      %dma_wait3A_58 = tpu.memref_slice %arg7[%add3A_32, %dma_wait3A_57] : memref<10240x16xf32, #tpu.memory_space<vmem_shared>> -> memref<128x16xf32, #tpu.memory_space<vmem_shared>>
      tpu.wait_dma2 semaphore(%run_scoped3A : memref<!tpu.dma_semaphore, #tpu.memory_space<semaphore_mem>>) src(%arg6 : memref<128x16xf32, #tpu.memory_space<vmem>>) dst(%dma_wait3A_58 : memref<128x16xf32, #tpu.memory_space<vmem_shared>>)
      tpu.yield
    }) : () -> ()
    %dma_wait3A = arith.constant 0 : i32
    %dma_wait3A_33 = arith.constant 0 : i32
    %dma_wait3A_34 = tpu.memref_slice %arg2[%add3A, %dma_wait3A, %dma_wait3A_33] : memref<32x160x128xi32, #tpu.memory_space<hbm>> -> memref<1x160x128xi32, #tpu.memory_space<hbm>>
    %dma_wait3A_35 = tpu.memref_squeeze %dma_wait3A_34 : memref<1x160x128xi32, #tpu.memory_space<hbm>> -> memref<160x128xi32, #tpu.memory_space<hbm>>
    %dma_wait3A_36 = arith.constant 0 : i32
    %dma_wait3A_37 = arith.constant 0 : i32
    %dma_wait3A_38 = tpu.memref_slice %arg2[%add3A, %dma_wait3A_36, %dma_wait3A_37] : memref<32x160x128xi32, #tpu.memory_space<hbm>> -> memref<1x160x128xi32, #tpu.memory_space<hbm>>
    %dma_wait3A_39 = tpu.memref_squeeze %dma_wait3A_38 : memref<1x160x128xi32, #tpu.memory_space<hbm>> -> memref<160x128xi32, #tpu.memory_space<hbm>>
    tpu.wait_dma2 semaphore(%arg8 : memref<!tpu.dma_semaphore, #tpu.memory_space<semaphore_mem>>) src(%dma_wait3A_39 : memref<160x128xi32, #tpu.memory_space<hbm>>) dst(%arg4 : memref<160x128xi32, #tpu.memory_space<vmem>>)
    %barrier3A = arith.constant 0 : index
    tpu.barrier barrier_id(%barrier3A)
    %scan3A_40 = arith.constant 0 : i32
    %scan3A_41 = arith.constant 0 : i32
    %scan3A_42 = arith.constant 20 : i32
    %scan3A_43 = arith.addi %scan3A_41, %scan3A_42 : i32
    %scan3A_44 = arith.constant 1 : i32
    scf.for %scan3A_51 = %scan3A_41 to %scan3A_43 step %scan3A_44  : i32 {
      %mul3A_52 = arith.constant 8 : i32
      %mul3A_53 = arith.muli %scan3A_51, %mul3A_52 : i32
      %add3A_54 = arith.constant 0 : i32
      %add3A_55 = arith.addi %mul3A_53, %add3A_54 : i32
      %dma_start3A_56 = arith.constant 0 : i32
      %dma_start3A_57 = tpu.memref_slice %arg4[%add3A_55, %dma_start3A_56] : memref<160x128xi32, #tpu.memory_space<vmem>> -> memref<1x128xi32, #tpu.memory_space<vmem>>
      %dma_start3A_58 = tpu.memref_squeeze %dma_start3A_57 : memref<1x128xi32, #tpu.memory_space<vmem>> -> memref<128xi32, #tpu.memory_space<vmem>>
      %dma_start3A_59 = arith.constant 0 : i32
      %dma_start3A_60 = arith.constant 0 : i32
      %dma_start3A_61 = tpu.memref_slice %arg7[%dma_start3A_59, %dma_start3A_60] : memref<10240x16xf32, #tpu.memory_space<vmem_shared>> -> memref<10240x16xf32, #tpu.memory_space<vmem_shared>>
      tpu.enqueue_indirect_dma source(%arg5 : memref<128x16xf32, #tpu.memory_space<vmem>>) target(%dma_start3A_61 : memref<10240x16xf32, #tpu.memory_space<vmem_shared>>) offsets(%dma_start3A_58 : memref<128xi32, #tpu.memory_space<vmem>>) semaphore(%arg9 : memref<!tpu.dma_semaphore, #tpu.memory_space<semaphore_mem>>) {add = true}
      %mul3A_62 = arith.constant 8 : i32
      %mul3A_63 = arith.muli %scan3A_51, %mul3A_62 : i32
      %add3A_64 = arith.constant 1 : i32
      %add3A_65 = arith.addi %mul3A_63, %add3A_64 : i32
      %dma_start3A_66 = arith.constant 0 : i32
      %dma_start3A_67 = tpu.memref_slice %arg4[%add3A_65, %dma_start3A_66] : memref<160x128xi32, #tpu.memory_space<vmem>> -> memref<1x128xi32, #tpu.memory_space<vmem>>
      %dma_start3A_68 = tpu.memref_squeeze %dma_start3A_67 : memref<1x128xi32, #tpu.memory_space<vmem>> -> memref<128xi32, #tpu.memory_space<vmem>>
      %dma_start3A_69 = arith.constant 0 : i32
      %dma_start3A_70 = arith.constant 0 : i32
      %dma_start3A_71 = tpu.memref_slice %arg7[%dma_start3A_69, %dma_start3A_70] : memref<10240x16xf32, #tpu.memory_space<vmem_shared>> -> memref<10240x16xf32, #tpu.memory_space<vmem_shared>>
      tpu.enqueue_indirect_dma source(%arg5 : memref<128x16xf32, #tpu.memory_space<vmem>>) target(%dma_start3A_71 : memref<10240x16xf32, #tpu.memory_space<vmem_shared>>) offsets(%dma_start3A_68 : memref<128xi32, #tpu.memory_space<vmem>>) semaphore(%arg9 : memref<!tpu.dma_semaphore, #tpu.memory_space<semaphore_mem>>) {add = true}
      %mul3A_72 = arith.constant 8 : i32
      %mul3A_73 = arith.muli %scan3A_51, %mul3A_72 : i32
      %add3A_74 = arith.constant 2 : i32
      %add3A_75 = arith.addi %mul3A_73, %add3A_74 : i32
      %dma_start3A_76 = arith.constant 0 : i32
      %dma_start3A_77 = tpu.memref_slice %arg4[%add3A_75, %dma_start3A_76] : memref<160x128xi32, #tpu.memory_space<vmem>> -> memref<1x128xi32, #tpu.memory_space<vmem>>
      %dma_start3A_78 = tpu.memref_squeeze %dma_start3A_77 : memref<1x128xi32, #tpu.memory_space<vmem>> -> memref<128xi32, #tpu.memory_space<vmem>>
      %dma_start3A_79 = arith.constant 0 : i32
      %dma_start3A_80 = arith.constant 0 : i32
      %dma_start3A_81 = tpu.memref_slice %arg7[%dma_start3A_79, %dma_start3A_80] : memref<10240x16xf32, #tpu.memory_space<vmem_shared>> -> memref<10240x16xf32, #tpu.memory_space<vmem_shared>>
      tpu.enqueue_indirect_dma source(%arg5 : memref<128x16xf32, #tpu.memory_space<vmem>>) target(%dma_start3A_81 : memref<10240x16xf32, #tpu.memory_space<vmem_shared>>) offsets(%dma_start3A_78 : memref<128xi32, #tpu.memory_space<vmem>>) semaphore(%arg9 : memref<!tpu.dma_semaphore, #tpu.memory_space<semaphore_mem>>) {add = true}
      %mul3A_82 = arith.constant 8 : i32
      %mul3A_83 = arith.muli %scan3A_51, %mul3A_82 : i32
      %add3A_84 = arith.constant 3 : i32
      %add3A_85 = arith.addi %mul3A_83, %add3A_84 : i32
      %dma_start3A_86 = arith.constant 0 : i32
      %dma_start3A_87 = tpu.memref_slice %arg4[%add3A_85, %dma_start3A_86] : memref<160x128xi32, #tpu.memory_space<vmem>> -> memref<1x128xi32, #tpu.memory_space<vmem>>
      %dma_start3A_88 = tpu.memref_squeeze %dma_start3A_87 : memref<1x128xi32, #tpu.memory_space<vmem>> -> memref<128xi32, #tpu.memory_space<vmem>>
      %dma_start3A_89 = arith.constant 0 : i32
      %dma_start3A_90 = arith.constant 0 : i32
      %dma_start3A_91 = tpu.memref_slice %arg7[%dma_start3A_89, %dma_start3A_90] : memref<10240x16xf32, #tpu.memory_space<vmem_shared>> -> memref<10240x16xf32, #tpu.memory_space<vmem_shared>>
      tpu.enqueue_indirect_dma source(%arg5 : memref<128x16xf32, #tpu.memory_space<vmem>>) target(%dma_start3A_91 : memref<10240x16xf32, #tpu.memory_space<vmem_shared>>) offsets(%dma_start3A_88 : memref<128xi32, #tpu.memory_space<vmem>>) semaphore(%arg9 : memref<!tpu.dma_semaphore, #tpu.memory_space<semaphore_mem>>) {add = true}
      %mul3A_92 = arith.constant 8 : i32
      %mul3A_93 = arith.muli %scan3A_51, %mul3A_92 : i32
      %add3A_94 = arith.constant 4 : i32
      %add3A_95 = arith.addi %mul3A_93, %add3A_94 : i32
      %dma_start3A_96 = arith.constant 0 : i32
      %dma_start3A_97 = tpu.memref_slice %arg4[%add3A_95, %dma_start3A_96] : memref<160x128xi32, #tpu.memory_space<vmem>> -> memref<1x128xi32, #tpu.memory_space<vmem>>
      %dma_start3A_98 = tpu.memref_squeeze %dma_start3A_97 : memref<1x128xi32, #tpu.memory_space<vmem>> -> memref<128xi32, #tpu.memory_space<vmem>>
      %dma_start3A_99 = arith.constant 0 : i32
      %dma_start3A_100 = arith.constant 0 : i32
      %dma_start3A_101 = tpu.memref_slice %arg7[%dma_start3A_99, %dma_start3A_100] : memref<10240x16xf32, #tpu.memory_space<vmem_shared>> -> memref<10240x16xf32, #tpu.memory_space<vmem_shared>>
      tpu.enqueue_indirect_dma source(%arg5 : memref<128x16xf32, #tpu.memory_space<vmem>>) target(%dma_start3A_101 : memref<10240x16xf32, #tpu.memory_space<vmem_shared>>) offsets(%dma_start3A_98 : memref<128xi32, #tpu.memory_space<vmem>>) semaphore(%arg9 : memref<!tpu.dma_semaphore, #tpu.memory_space<semaphore_mem>>) {add = true}
      %mul3A_102 = arith.constant 8 : i32
      %mul3A_103 = arith.muli %scan3A_51, %mul3A_102 : i32
      %add3A_104 = arith.constant 5 : i32
      %add3A_105 = arith.addi %mul3A_103, %add3A_104 : i32
      %dma_start3A_106 = arith.constant 0 : i32
      %dma_start3A_107 = tpu.memref_slice %arg4[%add3A_105, %dma_start3A_106] : memref<160x128xi32, #tpu.memory_space<vmem>> -> memref<1x128xi32, #tpu.memory_space<vmem>>
      %dma_start3A_108 = tpu.memref_squeeze %dma_start3A_107 : memref<1x128xi32, #tpu.memory_space<vmem>> -> memref<128xi32, #tpu.memory_space<vmem>>
      %dma_start3A_109 = arith.constant 0 : i32
      %dma_start3A_110 = arith.constant 0 : i32
      %dma_start3A_111 = tpu.memref_slice %arg7[%dma_start3A_109, %dma_start3A_110] : memref<10240x16xf32, #tpu.memory_space<vmem_shared>> -> memref<10240x16xf32, #tpu.memory_space<vmem_shared>>
      tpu.enqueue_indirect_dma source(%arg5 : memref<128x16xf32, #tpu.memory_space<vmem>>) target(%dma_start3A_111 : memref<10240x16xf32, #tpu.memory_space<vmem_shared>>) offsets(%dma_start3A_108 : memref<128xi32, #tpu.memory_space<vmem>>) semaphore(%arg9 : memref<!tpu.dma_semaphore, #tpu.memory_space<semaphore_mem>>) {add = true}
      %mul3A_112 = arith.constant 8 : i32
      %mul3A_113 = arith.muli %scan3A_51, %mul3A_112 : i32
      %add3A_114 = arith.constant 6 : i32
      %add3A_115 = arith.addi %mul3A_113, %add3A_114 : i32
      %dma_start3A_116 = arith.constant 0 : i32
      %dma_start3A_117 = tpu.memref_slice %arg4[%add3A_115, %dma_start3A_116] : memref<160x128xi32, #tpu.memory_space<vmem>> -> memref<1x128xi32, #tpu.memory_space<vmem>>
      %dma_start3A_118 = tpu.memref_squeeze %dma_start3A_117 : memref<1x128xi32, #tpu.memory_space<vmem>> -> memref<128xi32, #tpu.memory_space<vmem>>
      %dma_start3A_119 = arith.constant 0 : i32
      %dma_start3A_120 = arith.constant 0 : i32
      %dma_start3A_121 = tpu.memref_slice %arg7[%dma_start3A_119, %dma_start3A_120] : memref<10240x16xf32, #tpu.memory_space<vmem_shared>> -> memref<10240x16xf32, #tpu.memory_space<vmem_shared>>
      tpu.enqueue_indirect_dma source(%arg5 : memref<128x16xf32, #tpu.memory_space<vmem>>) target(%dma_start3A_121 : memref<10240x16xf32, #tpu.memory_space<vmem_shared>>) offsets(%dma_start3A_118 : memref<128xi32, #tpu.memory_space<vmem>>) semaphore(%arg9 : memref<!tpu.dma_semaphore, #tpu.memory_space<semaphore_mem>>) {add = true}
      %mul3A_122 = arith.constant 8 : i32
      %mul3A_123 = arith.muli %scan3A_51, %mul3A_122 : i32
      %add3A_124 = arith.constant 7 : i32
      %add3A_125 = arith.addi %mul3A_123, %add3A_124 : i32
      %dma_start3A_126 = arith.constant 0 : i32
      %dma_start3A_127 = tpu.memref_slice %arg4[%add3A_125, %dma_start3A_126] : memref<160x128xi32, #tpu.memory_space<vmem>> -> memref<1x128xi32, #tpu.memory_space<vmem>>
      %dma_start3A_128 = tpu.memref_squeeze %dma_start3A_127 : memref<1x128xi32, #tpu.memory_space<vmem>> -> memref<128xi32, #tpu.memory_space<vmem>>
      %dma_start3A_129 = arith.constant 0 : i32
      %dma_start3A_130 = arith.constant 0 : i32
      %dma_start3A_131 = tpu.memref_slice %arg7[%dma_start3A_129, %dma_start3A_130] : memref<10240x16xf32, #tpu.memory_space<vmem_shared>> -> memref<10240x16xf32, #tpu.memory_space<vmem_shared>>
      tpu.enqueue_indirect_dma source(%arg5 : memref<128x16xf32, #tpu.memory_space<vmem>>) target(%dma_start3A_131 : memref<10240x16xf32, #tpu.memory_space<vmem_shared>>) offsets(%dma_start3A_128 : memref<128xi32, #tpu.memory_space<vmem>>) semaphore(%arg9 : memref<!tpu.dma_semaphore, #tpu.memory_space<semaphore_mem>>) {add = true}
      %dma_wait3A_132 = arith.constant 0 : i32
      %dma_wait3A_133 = arith.constant 0 : i32
      %dma_wait3A_134 = tpu.memref_slice %arg4[%dma_wait3A_132, %dma_wait3A_133] : memref<160x128xi32, #tpu.memory_space<vmem>> -> memref<1x128xi32, #tpu.memory_space<vmem>>
      %dma_wait3A_135 = tpu.memref_squeeze %dma_wait3A_134 : memref<1x128xi32, #tpu.memory_space<vmem>> -> memref<128xi32, #tpu.memory_space<vmem>>
      %dma_wait3A_136 = arith.constant 0 : i32
      %dma_wait3A_137 = arith.constant 0 : i32
      %dma_wait3A_138 = tpu.memref_slice %arg7[%dma_wait3A_136, %dma_wait3A_137] : memref<10240x16xf32, #tpu.memory_space<vmem_shared>> -> memref<10240x16xf32, #tpu.memory_space<vmem_shared>>
      tpu.wait_indirect_dma semaphore(%arg9 : memref<!tpu.dma_semaphore, #tpu.memory_space<semaphore_mem>>) src(%arg5 : memref<128x16xf32, #tpu.memory_space<vmem>>) dst(%dma_wait3A_138 : memref<10240x16xf32, #tpu.memory_space<vmem_shared>>)
      %dma_wait3A_139 = arith.constant 0 : i32
      %dma_wait3A_140 = arith.constant 0 : i32
      %dma_wait3A_141 = tpu.memref_slice %arg4[%dma_wait3A_139, %dma_wait3A_140] : memref<160x128xi32, #tpu.memory_space<vmem>> -> memref<1x128xi32, #tpu.memory_space<vmem>>
      %dma_wait3A_142 = tpu.memref_squeeze %dma_wait3A_141 : memref<1x128xi32, #tpu.memory_space<vmem>> -> memref<128xi32, #tpu.memory_space<vmem>>
      %dma_wait3A_143 = arith.constant 0 : i32
      %dma_wait3A_144 = arith.constant 0 : i32
      %dma_wait3A_145 = tpu.memref_slice %arg7[%dma_wait3A_143, %dma_wait3A_144] : memref<10240x16xf32, #tpu.memory_space<vmem_shared>> -> memref<10240x16xf32, #tpu.memory_space<vmem_shared>>
      tpu.wait_indirect_dma semaphore(%arg9 : memref<!tpu.dma_semaphore, #tpu.memory_space<semaphore_mem>>) src(%arg5 : memref<128x16xf32, #tpu.memory_space<vmem>>) dst(%dma_wait3A_145 : memref<10240x16xf32, #tpu.memory_space<vmem_shared>>)
      %dma_wait3A_146 = arith.constant 0 : i32
      %dma_wait3A_147 = arith.constant 0 : i32
      %dma_wait3A_148 = tpu.memref_slice %arg4[%dma_wait3A_146, %dma_wait3A_147] : memref<160x128xi32, #tpu.memory_space<vmem>> -> memref<1x128xi32, #tpu.memory_space<vmem>>
      %dma_wait3A_149 = tpu.memref_squeeze %dma_wait3A_148 : memref<1x128xi32, #tpu.memory_space<vmem>> -> memref<128xi32, #tpu.memory_space<vmem>>
      %dma_wait3A_150 = arith.constant 0 : i32
      %dma_wait3A_151 = arith.constant 0 : i32
      %dma_wait3A_152 = tpu.memref_slice %arg7[%dma_wait3A_150, %dma_wait3A_151] : memref<10240x16xf32, #tpu.memory_space<vmem_shared>> -> memref<10240x16xf32, #tpu.memory_space<vmem_shared>>
      tpu.wait_indirect_dma semaphore(%arg9 : memref<!tpu.dma_semaphore, #tpu.memory_space<semaphore_mem>>) src(%arg5 : memref<128x16xf32, #tpu.memory_space<vmem>>) dst(%dma_wait3A_152 : memref<10240x16xf32, #tpu.memory_space<vmem_shared>>)
      %dma_wait3A_153 = arith.constant 0 : i32
      %dma_wait3A_154 = arith.constant 0 : i32
      %dma_wait3A_155 = tpu.memref_slice %arg4[%dma_wait3A_153, %dma_wait3A_154] : memref<160x128xi32, #tpu.memory_space<vmem>> -> memref<1x128xi32, #tpu.memory_space<vmem>>
      %dma_wait3A_156 = tpu.memref_squeeze %dma_wait3A_155 : memref<1x128xi32, #tpu.memory_space<vmem>> -> memref<128xi32, #tpu.memory_space<vmem>>
      %dma_wait3A_157 = arith.constant 0 : i32
      %dma_wait3A_158 = arith.constant 0 : i32
      %dma_wait3A_159 = tpu.memref_slice %arg7[%dma_wait3A_157, %dma_wait3A_158] : memref<10240x16xf32, #tpu.memory_space<vmem_shared>> -> memref<10240x16xf32, #tpu.memory_space<vmem_shared>>
      tpu.wait_indirect_dma semaphore(%arg9 : memref<!tpu.dma_semaphore, #tpu.memory_space<semaphore_mem>>) src(%arg5 : memref<128x16xf32, #tpu.memory_space<vmem>>) dst(%dma_wait3A_159 : memref<10240x16xf32, #tpu.memory_space<vmem_shared>>)
      %dma_wait3A_160 = arith.constant 0 : i32
      %dma_wait3A_161 = arith.constant 0 : i32
      %dma_wait3A_162 = tpu.memref_slice %arg4[%dma_wait3A_160, %dma_wait3A_161] : memref<160x128xi32, #tpu.memory_space<vmem>> -> memref<1x128xi32, #tpu.memory_space<vmem>>
      %dma_wait3A_163 = tpu.memref_squeeze %dma_wait3A_162 : memref<1x128xi32, #tpu.memory_space<vmem>> -> memref<128xi32, #tpu.memory_space<vmem>>
      %dma_wait3A_164 = arith.constant 0 : i32
      %dma_wait3A_165 = arith.constant 0 : i32
      %dma_wait3A_166 = tpu.memref_slice %arg7[%dma_wait3A_164, %dma_wait3A_165] : memref<10240x16xf32, #tpu.memory_space<vmem_shared>> -> memref<10240x16xf32, #tpu.memory_space<vmem_shared>>
      tpu.wait_indirect_dma semaphore(%arg9 : memref<!tpu.dma_semaphore, #tpu.memory_space<semaphore_mem>>) src(%arg5 : memref<128x16xf32, #tpu.memory_space<vmem>>) dst(%dma_wait3A_166 : memref<10240x16xf32, #tpu.memory_space<vmem_shared>>)
      %dma_wait3A_167 = arith.constant 0 : i32
      %dma_wait3A_168 = arith.constant 0 : i32
      %dma_wait3A_169 = tpu.memref_slice %arg4[%dma_wait3A_167, %dma_wait3A_168] : memref<160x128xi32, #tpu.memory_space<vmem>> -> memref<1x128xi32, #tpu.memory_space<vmem>>
      %dma_wait3A_170 = tpu.memref_squeeze %dma_wait3A_169 : memref<1x128xi32, #tpu.memory_space<vmem>> -> memref<128xi32, #tpu.memory_space<vmem>>
      %dma_wait3A_171 = arith.constant 0 : i32
      %dma_wait3A_172 = arith.constant 0 : i32
      %dma_wait3A_173 = tpu.memref_slice %arg7[%dma_wait3A_171, %dma_wait3A_172] : memref<10240x16xf32, #tpu.memory_space<vmem_shared>> -> memref<10240x16xf32, #tpu.memory_space<vmem_shared>>
      tpu.wait_indirect_dma semaphore(%arg9 : memref<!tpu.dma_semaphore, #tpu.memory_space<semaphore_mem>>) src(%arg5 : memref<128x16xf32, #tpu.memory_space<vmem>>) dst(%dma_wait3A_173 : memref<10240x16xf32, #tpu.memory_space<vmem_shared>>)
      %dma_wait3A_174 = arith.constant 0 : i32
      %dma_wait3A_175 = arith.constant 0 : i32
      %dma_wait3A_176 = tpu.memref_slice %arg4[%dma_wait3A_174, %dma_wait3A_175] : memref<160x128xi32, #tpu.memory_space<vmem>> -> memref<1x128xi32, #tpu.memory_space<vmem>>
      %dma_wait3A_177 = tpu.memref_squeeze %dma_wait3A_176 : memref<1x128xi32, #tpu.memory_space<vmem>> -> memref<128xi32, #tpu.memory_space<vmem>>
      %dma_wait3A_178 = arith.constant 0 : i32
      %dma_wait3A_179 = arith.constant 0 : i32
      %dma_wait3A_180 = tpu.memref_slice %arg7[%dma_wait3A_178, %dma_wait3A_179] : memref<10240x16xf32, #tpu.memory_space<vmem_shared>> -> memref<10240x16xf32, #tpu.memory_space<vmem_shared>>
      tpu.wait_indirect_dma semaphore(%arg9 : memref<!tpu.dma_semaphore, #tpu.memory_space<semaphore_mem>>) src(%arg5 : memref<128x16xf32, #tpu.memory_space<vmem>>) dst(%dma_wait3A_180 : memref<10240x16xf32, #tpu.memory_space<vmem_shared>>)
      %dma_wait3A_181 = arith.constant 0 : i32
      %dma_wait3A_182 = arith.constant 0 : i32
      %dma_wait3A_183 = tpu.memref_slice %arg4[%dma_wait3A_181, %dma_wait3A_182] : memref<160x128xi32, #tpu.memory_space<vmem>> -> memref<1x128xi32, #tpu.memory_space<vmem>>
      %dma_wait3A_184 = tpu.memref_squeeze %dma_wait3A_183 : memref<1x128xi32, #tpu.memory_space<vmem>> -> memref<128xi32, #tpu.memory_space<vmem>>
      %dma_wait3A_185 = arith.constant 0 : i32
      %dma_wait3A_186 = arith.constant 0 : i32
      %dma_wait3A_187 = tpu.memref_slice %arg7[%dma_wait3A_185, %dma_wait3A_186] : memref<10240x16xf32, #tpu.memory_space<vmem_shared>> -> memref<10240x16xf32, #tpu.memory_space<vmem_shared>>
      tpu.wait_indirect_dma semaphore(%arg9 : memref<!tpu.dma_semaphore, #tpu.memory_space<semaphore_mem>>) src(%arg5 : memref<128x16xf32, #tpu.memory_space<vmem>>) dst(%dma_wait3A_187 : memref<10240x16xf32, #tpu.memory_space<vmem_shared>>)
    }
    %scan3A_45 = arith.constant 20 : i32
    %barrier3A_46 = arith.constant 0 : index
    tpu.barrier barrier_id(%barrier3A_46)
    %mul3A_47 = arith.constant 640 : i32
    %mul3A_48 = arith.muli %arg1, %mul3A_47 : i32
    %mul3A_49 = arith.constant 640 : i32
    %mul3A_50 = arith.muli %arg1, %mul3A_49 : i32
    "tpu.region"() ({
      %run_scoped3A = tpu.sem_alloc : memref<!tpu.dma_semaphore, #tpu.memory_space<semaphore_mem>>
      %dma_start3A_51 = arith.constant 0 : i32
      %dma_start3A_52 = arith.constant 0 : i32
      %dma_start3A_53 = tpu.memref_slice %arg3[%arg0, %dma_start3A_51, %dma_start3A_52] : memref<2x10240x16xf32, #tpu.memory_space<hbm>> -> memref<1x10240x16xf32, #tpu.memory_space<hbm>>
      %dma_start3A_54 = tpu.memref_squeeze %dma_start3A_53 : memref<1x10240x16xf32, #tpu.memory_space<hbm>> -> memref<10240x16xf32, #tpu.memory_space<hbm>>
      %dma_start3A_55 = arith.constant 0 : i32
      %dma_start3A_56 = tpu.memref_slice %dma_start3A_54[%mul3A_50, %dma_start3A_55] : memref<10240x16xf32, #tpu.memory_space<hbm>> -> memref<640x16xf32, #tpu.memory_space<hbm>>
      %dma_start3A_57 = arith.constant 0 : i32
      %dma_start3A_58 = tpu.memref_slice %arg7[%mul3A_48, %dma_start3A_57] : memref<10240x16xf32, #tpu.memory_space<vmem_shared>> -> memref<640x16xf32, #tpu.memory_space<vmem_shared>>
      tpu.enqueue_dma source(%dma_start3A_58 : memref<640x16xf32, #tpu.memory_space<vmem_shared>>) target(%dma_start3A_56 : memref<640x16xf32, #tpu.memory_space<hbm>>) target_semaphore(%run_scoped3A : memref<!tpu.dma_semaphore, #tpu.memory_space<semaphore_mem>>)
      %dma_wait3A_59 = arith.constant 0 : i32
      %dma_wait3A_60 = arith.constant 0 : i32
      %dma_wait3A_61 = tpu.memref_slice %arg3[%arg0, %dma_wait3A_59, %dma_wait3A_60] : memref<2x10240x16xf32, #tpu.memory_space<hbm>> -> memref<1x10240x16xf32, #tpu.memory_space<hbm>>
      %dma_wait3A_62 = tpu.memref_squeeze %dma_wait3A_61 : memref<1x10240x16xf32, #tpu.memory_space<hbm>> -> memref<10240x16xf32, #tpu.memory_space<hbm>>
      %dma_wait3A_63 = arith.constant 0 : i32
      %dma_wait3A_64 = tpu.memref_slice %dma_wait3A_62[%mul3A_50, %dma_wait3A_63] : memref<10240x16xf32, #tpu.memory_space<hbm>> -> memref<640x16xf32, #tpu.memory_space<hbm>>
      %dma_wait3A_65 = arith.constant 0 : i32
      %dma_wait3A_66 = tpu.memref_slice %arg7[%mul3A_48, %dma_wait3A_65] : memref<10240x16xf32, #tpu.memory_space<vmem_shared>> -> memref<640x16xf32, #tpu.memory_space<vmem_shared>>
      tpu.wait_dma2 semaphore(%run_scoped3A : memref<!tpu.dma_semaphore, #tpu.memory_space<semaphore_mem>>) src(%dma_wait3A_66 : memref<640x16xf32, #tpu.memory_space<vmem_shared>>) dst(%dma_wait3A_64 : memref<640x16xf32, #tpu.memory_space<hbm>>)
      tpu.yield
    }) : () -> ()
    return
  }
}

#map = affine_map<(d0, d1) -> (0, 0)>
#map1 = affine_map<(d0, d1) -> (0, 0, 0)>
module attributes {stable_mosaic.version = 14 : i64} {
  func.func @k(%arg0: i32, %arg1: i32, %arg2: memref<10000x64xf32, #tpu.memory_space<hbm>>, %arg3: memref<32x160x128xi32, #tpu.memory_space<hbm>>, %arg4: memref<32x160x128xi32, #tpu.memory_space<hbm>>, %arg5: memref<2x10240x64xf32, #tpu.memory_space<hbm>>, %arg6: memref<160x128xi32, #tpu.memory_space<vmem>>, %arg7: memref<160x128xi32, #tpu.memory_space<vmem>>, %arg8: memref<128x64xf32, #tpu.memory_space<vmem>>, %arg9: memref<128x64xf32, #tpu.memory_space<vmem>>, %arg10: memref<128x64xf32, #tpu.memory_space<vmem>>, %arg11: memref<128x64xf32, #tpu.memory_space<vmem>>, %arg12: memref<128x64xf32, #tpu.memory_space<vmem>>, %arg13: memref<10240x64xf32, #tpu.memory_space<vmem_shared>>, %arg14: memref<!tpu.dma_semaphore, #tpu.memory_space<semaphore_mem>>, %arg15: memref<!tpu.dma_semaphore, #tpu.memory_space<semaphore_mem>>, %arg16: memref<!tpu.dma_semaphore, #tpu.memory_space<semaphore_mem>>, %arg17: memref<!tpu.dma_semaphore, #tpu.memory_space<semaphore_mem>>, %arg18: memref<!tpu.dma_semaphore, #tpu.memory_space<semaphore_mem>>, %arg19: memref<!tpu.dma_semaphore, #tpu.memory_space<semaphore_mem>>, %arg20: memref<!tpu.dma_semaphore, #tpu.memory_space<semaphore_mem>>, %arg21: memref<!tpu.dma_semaphore, #tpu.memory_space<semaphore_mem>>, %arg22: memref<!tpu.dma_semaphore, #tpu.memory_space<semaphore_mem>>) attributes {dimension_semantics = [#tpu.dimension_semantics<core_parallel>, #tpu.dimension_semantics<subcore_parallel>], iteration_bounds = array<i64: 2, 16>, scalar_prefetch = 0 : i64, scratch_operands = 17 : i64, tpu.core_type = #tpu.core_type<sc_vector_subcore>, window_params = [{transform_indices = #map}, {transform_indices = #map1}, {transform_indices = #map1}, {transform_indices = #map1}]} {
    %mul3A = arith.constant 2 : i32
    %mul3A_0 = arith.muli %arg1, %mul3A : i32
    %add3A = arith.addi %mul3A_0, %arg0 : i32
    %dma_start3A = arith.constant 0 : i32
    %dma_start3A_1 = arith.constant 0 : i32
    %dma_start3A_2 = tpu.memref_slice %arg3[%add3A, %dma_start3A, %dma_start3A_1] : memref<32x160x128xi32, #tpu.memory_space<hbm>> -> memref<1x160x128xi32, #tpu.memory_space<hbm>>
    %dma_start3A_3 = tpu.memref_squeeze %dma_start3A_2 : memref<1x160x128xi32, #tpu.memory_space<hbm>> -> memref<160x128xi32, #tpu.memory_space<hbm>>
    %dma_start3A_4 = arith.constant 0 : i32
    %dma_start3A_5 = arith.constant 0 : i32
    %dma_start3A_6 = tpu.memref_slice %arg3[%add3A, %dma_start3A_4, %dma_start3A_5] : memref<32x160x128xi32, #tpu.memory_space<hbm>> -> memref<1x160x128xi32, #tpu.memory_space<hbm>>
    %dma_start3A_7 = tpu.memref_squeeze %dma_start3A_6 : memref<1x160x128xi32, #tpu.memory_space<hbm>> -> memref<160x128xi32, #tpu.memory_space<hbm>>
    tpu.enqueue_dma source(%dma_start3A_7 : memref<160x128xi32, #tpu.memory_space<hbm>>) target(%arg6 : memref<160x128xi32, #tpu.memory_space<vmem>>) target_semaphore(%arg22 : memref<!tpu.dma_semaphore, #tpu.memory_space<semaphore_mem>>)
    %dma_start3A_8 = arith.constant 0 : i32
    %dma_start3A_9 = arith.constant 0 : i32
    %dma_start3A_10 = tpu.memref_slice %arg4[%add3A, %dma_start3A_8, %dma_start3A_9] : memref<32x160x128xi32, #tpu.memory_space<hbm>> -> memref<1x160x128xi32, #tpu.memory_space<hbm>>
    %dma_start3A_11 = tpu.memref_squeeze %dma_start3A_10 : memref<1x160x128xi32, #tpu.memory_space<hbm>> -> memref<160x128xi32, #tpu.memory_space<hbm>>
    %dma_start3A_12 = arith.constant 0 : i32
    %dma_start3A_13 = arith.constant 0 : i32
    %dma_start3A_14 = tpu.memref_slice %arg4[%add3A, %dma_start3A_12, %dma_start3A_13] : memref<32x160x128xi32, #tpu.memory_space<hbm>> -> memref<1x160x128xi32, #tpu.memory_space<hbm>>
    %dma_start3A_15 = tpu.memref_squeeze %dma_start3A_14 : memref<1x160x128xi32, #tpu.memory_space<hbm>> -> memref<160x128xi32, #tpu.memory_space<hbm>>
    tpu.enqueue_dma source(%dma_start3A_15 : memref<160x128xi32, #tpu.memory_space<hbm>>) target(%arg7 : memref<160x128xi32, #tpu.memory_space<vmem>>) target_semaphore(%arg22 : memref<!tpu.dma_semaphore, #tpu.memory_space<semaphore_mem>>)
    %scan3A = arith.constant 0 : i32
    %scan3A_16 = arith.constant 0 : i32
    %scan3A_17 = arith.constant 128 : i32
    %scan3A_18 = arith.addi %scan3A_16, %scan3A_17 : i32
    %scan3A_19 = arith.constant 1 : i32
    scf.for %scan3A_126 = %scan3A_16 to %scan3A_18 step %scan3A_19  : i32 {
      %broadcast_in_dim3A = arith.constant 0.000000e+00 : f32
      %broadcast_in_dim3A_127 = vector.broadcast %broadcast_in_dim3A : f32 to vector<16xf32>
      %swap3A = arith.index_cast %scan3A_126 : i32 to index
      %swap3A_128 = arith.constant 0 : index
      %swap3A_129 = tpu.vector_load %arg12[%swap3A, %swap3A_128] {strides = array<i32>} : memref<128x64xf32, #tpu.memory_space<vmem>>, vector<1x16xf32>,
      %swap3A_130 = vector.shape_cast %swap3A_129 : vector<1x16xf32> to vector<16xf32>
      %swap3A_131 = vector.shape_cast %broadcast_in_dim3A_127 : vector<16xf32> to vector<1x16xf32>
      tpu.vector_store %arg12[%swap3A, %swap3A_128], %swap3A_131 {strides = array<i32>} : memref<128x64xf32, #tpu.memory_space<vmem>>, vector<1x16xf32>,
      %broadcast_in_dim3A_132 = arith.constant 0.000000e+00 : f32
      %broadcast_in_dim3A_133 = vector.broadcast %broadcast_in_dim3A_132 : f32 to vector<16xf32>
      %swap3A_134 = arith.index_cast %scan3A_126 : i32 to index
      %swap3A_135 = arith.constant 16 : index
      %swap3A_136 = tpu.vector_load %arg12[%swap3A_134, %swap3A_135] {strides = array<i32>} : memref<128x64xf32, #tpu.memory_space<vmem>>, vector<1x16xf32>,
      %swap3A_137 = vector.shape_cast %swap3A_136 : vector<1x16xf32> to vector<16xf32>
      %swap3A_138 = vector.shape_cast %broadcast_in_dim3A_133 : vector<16xf32> to vector<1x16xf32>
      tpu.vector_store %arg12[%swap3A_134, %swap3A_135], %swap3A_138 {strides = array<i32>} : memref<128x64xf32, #tpu.memory_space<vmem>>, vector<1x16xf32>,
      %broadcast_in_dim3A_139 = arith.constant 0.000000e+00 : f32
      %broadcast_in_dim3A_140 = vector.broadcast %broadcast_in_dim3A_139 : f32 to vector<16xf32>
      %swap3A_141 = arith.index_cast %scan3A_126 : i32 to index
      %swap3A_142 = arith.constant 32 : index
      %swap3A_143 = tpu.vector_load %arg12[%swap3A_141, %swap3A_142] {strides = array<i32>} : memref<128x64xf32, #tpu.memory_space<vmem>>, vector<1x16xf32>,
      %swap3A_144 = vector.shape_cast %swap3A_143 : vector<1x16xf32> to vector<16xf32>
      %swap3A_145 = vector.shape_cast %broadcast_in_dim3A_140 : vector<16xf32> to vector<1x16xf32>
      tpu.vector_store %arg12[%swap3A_141, %swap3A_142], %swap3A_145 {strides = array<i32>} : memref<128x64xf32, #tpu.memory_space<vmem>>, vector<1x16xf32>,
      %broadcast_in_dim3A_146 = arith.constant 0.000000e+00 : f32
      %broadcast_in_dim3A_147 = vector.broadcast %broadcast_in_dim3A_146 : f32 to vector<16xf32>
      %swap3A_148 = arith.index_cast %scan3A_126 : i32 to index
      %swap3A_149 = arith.constant 48 : index
      %swap3A_150 = tpu.vector_load %arg12[%swap3A_148, %swap3A_149] {strides = array<i32>} : memref<128x64xf32, #tpu.memory_space<vmem>>, vector<1x16xf32>,
      %swap3A_151 = vector.shape_cast %swap3A_150 : vector<1x16xf32> to vector<16xf32>
      %swap3A_152 = vector.shape_cast %broadcast_in_dim3A_147 : vector<16xf32> to vector<1x16xf32>
      tpu.vector_store %arg12[%swap3A_148, %swap3A_149], %swap3A_152 {strides = array<i32>} : memref<128x64xf32, #tpu.memory_space<vmem>>, vector<1x16xf32>,
    }
    %scan3A_20 = arith.constant 128 : i32
    %mul3A_21 = arith.constant 640 : i32
    %mul3A_22 = arith.muli %arg1, %mul3A_21 : i32
    %add3A_23 = arith.constant 0 : i32
    %add3A_24 = arith.addi %mul3A_22, %add3A_23 : i32
    "tpu.region"() ({
      %run_scoped3A_126 = tpu.sem_alloc : memref<!tpu.dma_semaphore, #tpu.memory_space<semaphore_mem>>
      %dma_start3A_127 = arith.constant 0 : i32
      %dma_start3A_128 = tpu.memref_slice %arg13[%add3A_24, %dma_start3A_127] : memref<10240x64xf32, #tpu.memory_space<vmem_shared>> -> memref<128x64xf32, #tpu.memory_space<vmem_shared>>
      %dma_start3A_129 = arith.constant 0 : i32
      %dma_start3A_130 = tpu.memref_slice %arg13[%add3A_24, %dma_start3A_129] : memref<10240x64xf32, #tpu.memory_space<vmem_shared>> -> memref<128x64xf32, #tpu.memory_space<vmem_shared>>
      tpu.enqueue_dma source(%arg12 : memref<128x64xf32, #tpu.memory_space<vmem>>) target(%dma_start3A_130 : memref<128x64xf32, #tpu.memory_space<vmem_shared>>) target_semaphore(%run_scoped3A_126 : memref<!tpu.dma_semaphore, #tpu.memory_space<semaphore_mem>>)
      %dma_wait3A_131 = arith.constant 0 : i32
      %dma_wait3A_132 = tpu.memref_slice %arg13[%add3A_24, %dma_wait3A_131] : memref<10240x64xf32, #tpu.memory_space<vmem_shared>> -> memref<128x64xf32, #tpu.memory_space<vmem_shared>>
      %dma_wait3A_133 = arith.constant 0 : i32
      %dma_wait3A_134 = tpu.memref_slice %arg13[%add3A_24, %dma_wait3A_133] : memref<10240x64xf32, #tpu.memory_space<vmem_shared>> -> memref<128x64xf32, #tpu.memory_space<vmem_shared>>
      tpu.wait_dma2 semaphore(%run_scoped3A_126 : memref<!tpu.dma_semaphore, #tpu.memory_space<semaphore_mem>>) src(%arg12 : memref<128x64xf32, #tpu.memory_space<vmem>>) dst(%dma_wait3A_134 : memref<128x64xf32, #tpu.memory_space<vmem_shared>>)
      tpu.yield
    }) : () -> ()
    %mul3A_25 = arith.constant 640 : i32
    %mul3A_26 = arith.muli %arg1, %mul3A_25 : i32
    %add3A_27 = arith.constant 128 : i32
    %add3A_28 = arith.addi %mul3A_26, %add3A_27 : i32
    "tpu.region"() ({
      %run_scoped3A_126 = tpu.sem_alloc : memref<!tpu.dma_semaphore, #tpu.memory_space<semaphore_mem>>
      %dma_start3A_127 = arith.constant 0 : i32
      %dma_start3A_128 = tpu.memref_slice %arg13[%add3A_28, %dma_start3A_127] : memref<10240x64xf32, #tpu.memory_space<vmem_shared>> -> memref<128x64xf32, #tpu.memory_space<vmem_shared>>
      %dma_start3A_129 = arith.constant 0 : i32
      %dma_start3A_130 = tpu.memref_slice %arg13[%add3A_28, %dma_start3A_129] : memref<10240x64xf32, #tpu.memory_space<vmem_shared>> -> memref<128x64xf32, #tpu.memory_space<vmem_shared>>
      tpu.enqueue_dma source(%arg12 : memref<128x64xf32, #tpu.memory_space<vmem>>) target(%dma_start3A_130 : memref<128x64xf32, #tpu.memory_space<vmem_shared>>) target_semaphore(%run_scoped3A_126 : memref<!tpu.dma_semaphore, #tpu.memory_space<semaphore_mem>>)
      %dma_wait3A_131 = arith.constant 0 : i32
      %dma_wait3A_132 = tpu.memref_slice %arg13[%add3A_28, %dma_wait3A_131] : memref<10240x64xf32, #tpu.memory_space<vmem_shared>> -> memref<128x64xf32, #tpu.memory_space<vmem_shared>>
      %dma_wait3A_133 = arith.constant 0 : i32
      %dma_wait3A_134 = tpu.memref_slice %arg13[%add3A_28, %dma_wait3A_133] : memref<10240x64xf32, #tpu.memory_space<vmem_shared>> -> memref<128x64xf32, #tpu.memory_space<vmem_shared>>
      tpu.wait_dma2 semaphore(%run_scoped3A_126 : memref<!tpu.dma_semaphore, #tpu.memory_space<semaphore_mem>>) src(%arg12 : memref<128x64xf32, #tpu.memory_space<vmem>>) dst(%dma_wait3A_134 : memref<128x64xf32, #tpu.memory_space<vmem_shared>>)
      tpu.yield
    }) : () -> ()
    %mul3A_29 = arith.constant 640 : i32
    %mul3A_30 = arith.muli %arg1, %mul3A_29 : i32
    %add3A_31 = arith.constant 256 : i32
    %add3A_32 = arith.addi %mul3A_30, %add3A_31 : i32
    "tpu.region"() ({
      %run_scoped3A_126 = tpu.sem_alloc : memref<!tpu.dma_semaphore, #tpu.memory_space<semaphore_mem>>
      %dma_start3A_127 = arith.constant 0 : i32
      %dma_start3A_128 = tpu.memref_slice %arg13[%add3A_32, %dma_start3A_127] : memref<10240x64xf32, #tpu.memory_space<vmem_shared>> -> memref<128x64xf32, #tpu.memory_space<vmem_shared>>
      %dma_start3A_129 = arith.constant 0 : i32
      %dma_start3A_130 = tpu.memref_slice %arg13[%add3A_32, %dma_start3A_129] : memref<10240x64xf32, #tpu.memory_space<vmem_shared>> -> memref<128x64xf32, #tpu.memory_space<vmem_shared>>
      tpu.enqueue_dma source(%arg12 : memref<128x64xf32, #tpu.memory_space<vmem>>) target(%dma_start3A_130 : memref<128x64xf32, #tpu.memory_space<vmem_shared>>) target_semaphore(%run_scoped3A_126 : memref<!tpu.dma_semaphore, #tpu.memory_space<semaphore_mem>>)
      %dma_wait3A_131 = arith.constant 0 : i32
      %dma_wait3A_132 = tpu.memref_slice %arg13[%add3A_32, %dma_wait3A_131] : memref<10240x64xf32, #tpu.memory_space<vmem_shared>> -> memref<128x64xf32, #tpu.memory_space<vmem_shared>>
      %dma_wait3A_133 = arith.constant 0 : i32
      %dma_wait3A_134 = tpu.memref_slice %arg13[%add3A_32, %dma_wait3A_133] : memref<10240x64xf32, #tpu.memory_space<vmem_shared>> -> memref<128x64xf32, #tpu.memory_space<vmem_shared>>
      tpu.wait_dma2 semaphore(%run_scoped3A_126 : memref<!tpu.dma_semaphore, #tpu.memory_space<semaphore_mem>>) src(%arg12 : memref<128x64xf32, #tpu.memory_space<vmem>>) dst(%dma_wait3A_134 : memref<128x64xf32, #tpu.memory_space<vmem_shared>>)
      tpu.yield
    }) : () -> ()
    %mul3A_33 = arith.constant 640 : i32
    %mul3A_34 = arith.muli %arg1, %mul3A_33 : i32
    %add3A_35 = arith.constant 384 : i32
    %add3A_36 = arith.addi %mul3A_34, %add3A_35 : i32
    "tpu.region"() ({
      %run_scoped3A_126 = tpu.sem_alloc : memref<!tpu.dma_semaphore, #tpu.memory_space<semaphore_mem>>
      %dma_start3A_127 = arith.constant 0 : i32
      %dma_start3A_128 = tpu.memref_slice %arg13[%add3A_36, %dma_start3A_127] : memref<10240x64xf32, #tpu.memory_space<vmem_shared>> -> memref<128x64xf32, #tpu.memory_space<vmem_shared>>
      %dma_start3A_129 = arith.constant 0 : i32
      %dma_start3A_130 = tpu.memref_slice %arg13[%add3A_36, %dma_start3A_129] : memref<10240x64xf32, #tpu.memory_space<vmem_shared>> -> memref<128x64xf32, #tpu.memory_space<vmem_shared>>
      tpu.enqueue_dma source(%arg12 : memref<128x64xf32, #tpu.memory_space<vmem>>) target(%dma_start3A_130 : memref<128x64xf32, #tpu.memory_space<vmem_shared>>) target_semaphore(%run_scoped3A_126 : memref<!tpu.dma_semaphore, #tpu.memory_space<semaphore_mem>>)
      %dma_wait3A_131 = arith.constant 0 : i32
      %dma_wait3A_132 = tpu.memref_slice %arg13[%add3A_36, %dma_wait3A_131] : memref<10240x64xf32, #tpu.memory_space<vmem_shared>> -> memref<128x64xf32, #tpu.memory_space<vmem_shared>>
      %dma_wait3A_133 = arith.constant 0 : i32
      %dma_wait3A_134 = tpu.memref_slice %arg13[%add3A_36, %dma_wait3A_133] : memref<10240x64xf32, #tpu.memory_space<vmem_shared>> -> memref<128x64xf32, #tpu.memory_space<vmem_shared>>
      tpu.wait_dma2 semaphore(%run_scoped3A_126 : memref<!tpu.dma_semaphore, #tpu.memory_space<semaphore_mem>>) src(%arg12 : memref<128x64xf32, #tpu.memory_space<vmem>>) dst(%dma_wait3A_134 : memref<128x64xf32, #tpu.memory_space<vmem_shared>>)
      tpu.yield
    }) : () -> ()
    %mul3A_37 = arith.constant 640 : i32
    %mul3A_38 = arith.muli %arg1, %mul3A_37 : i32
    %add3A_39 = arith.constant 512 : i32
    %add3A_40 = arith.addi %mul3A_38, %add3A_39 : i32
    "tpu.region"() ({
      %run_scoped3A_126 = tpu.sem_alloc : memref<!tpu.dma_semaphore, #tpu.memory_space<semaphore_mem>>
      %dma_start3A_127 = arith.constant 0 : i32
      %dma_start3A_128 = tpu.memref_slice %arg13[%add3A_40, %dma_start3A_127] : memref<10240x64xf32, #tpu.memory_space<vmem_shared>> -> memref<128x64xf32, #tpu.memory_space<vmem_shared>>
      %dma_start3A_129 = arith.constant 0 : i32
      %dma_start3A_130 = tpu.memref_slice %arg13[%add3A_40, %dma_start3A_129] : memref<10240x64xf32, #tpu.memory_space<vmem_shared>> -> memref<128x64xf32, #tpu.memory_space<vmem_shared>>
      tpu.enqueue_dma source(%arg12 : memref<128x64xf32, #tpu.memory_space<vmem>>) target(%dma_start3A_130 : memref<128x64xf32, #tpu.memory_space<vmem_shared>>) target_semaphore(%run_scoped3A_126 : memref<!tpu.dma_semaphore, #tpu.memory_space<semaphore_mem>>)
      %dma_wait3A_131 = arith.constant 0 : i32
      %dma_wait3A_132 = tpu.memref_slice %arg13[%add3A_40, %dma_wait3A_131] : memref<10240x64xf32, #tpu.memory_space<vmem_shared>> -> memref<128x64xf32, #tpu.memory_space<vmem_shared>>
      %dma_wait3A_133 = arith.constant 0 : i32
      %dma_wait3A_134 = tpu.memref_slice %arg13[%add3A_40, %dma_wait3A_133] : memref<10240x64xf32, #tpu.memory_space<vmem_shared>> -> memref<128x64xf32, #tpu.memory_space<vmem_shared>>
      tpu.wait_dma2 semaphore(%run_scoped3A_126 : memref<!tpu.dma_semaphore, #tpu.memory_space<semaphore_mem>>) src(%arg12 : memref<128x64xf32, #tpu.memory_space<vmem>>) dst(%dma_wait3A_134 : memref<128x64xf32, #tpu.memory_space<vmem_shared>>)
      tpu.yield
    }) : () -> ()
    %dma_wait3A = arith.constant 0 : i32
    %dma_wait3A_41 = arith.constant 0 : i32
    %dma_wait3A_42 = tpu.memref_slice %arg3[%add3A, %dma_wait3A, %dma_wait3A_41] : memref<32x160x128xi32, #tpu.memory_space<hbm>> -> memref<1x160x128xi32, #tpu.memory_space<hbm>>
    %dma_wait3A_43 = tpu.memref_squeeze %dma_wait3A_42 : memref<1x160x128xi32, #tpu.memory_space<hbm>> -> memref<160x128xi32, #tpu.memory_space<hbm>>
    %dma_wait3A_44 = arith.constant 0 : i32
    %dma_wait3A_45 = arith.constant 0 : i32
    %dma_wait3A_46 = tpu.memref_slice %arg3[%add3A, %dma_wait3A_44, %dma_wait3A_45] : memref<32x160x128xi32, #tpu.memory_space<hbm>> -> memref<1x160x128xi32, #tpu.memory_space<hbm>>
    %dma_wait3A_47 = tpu.memref_squeeze %dma_wait3A_46 : memref<1x160x128xi32, #tpu.memory_space<hbm>> -> memref<160x128xi32, #tpu.memory_space<hbm>>
    tpu.wait_dma2 semaphore(%arg22 : memref<!tpu.dma_semaphore, #tpu.memory_space<semaphore_mem>>) src(%dma_wait3A_47 : memref<160x128xi32, #tpu.memory_space<hbm>>) dst(%arg6 : memref<160x128xi32, #tpu.memory_space<vmem>>)
    %dma_wait3A_48 = arith.constant 0 : i32
    %dma_wait3A_49 = arith.constant 0 : i32
    %dma_wait3A_50 = tpu.memref_slice %arg4[%add3A, %dma_wait3A_48, %dma_wait3A_49] : memref<32x160x128xi32, #tpu.memory_space<hbm>> -> memref<1x160x128xi32, #tpu.memory_space<hbm>>
    %dma_wait3A_51 = tpu.memref_squeeze %dma_wait3A_50 : memref<1x160x128xi32, #tpu.memory_space<hbm>> -> memref<160x128xi32, #tpu.memory_space<hbm>>
    %dma_wait3A_52 = arith.constant 0 : i32
    %dma_wait3A_53 = arith.constant 0 : i32
    %dma_wait3A_54 = tpu.memref_slice %arg4[%add3A, %dma_wait3A_52, %dma_wait3A_53] : memref<32x160x128xi32, #tpu.memory_space<hbm>> -> memref<1x160x128xi32, #tpu.memory_space<hbm>>
    %dma_wait3A_55 = tpu.memref_squeeze %dma_wait3A_54 : memref<1x160x128xi32, #tpu.memory_space<hbm>> -> memref<160x128xi32, #tpu.memory_space<hbm>>
    tpu.wait_dma2 semaphore(%arg22 : memref<!tpu.dma_semaphore, #tpu.memory_space<semaphore_mem>>) src(%dma_wait3A_55 : memref<160x128xi32, #tpu.memory_space<hbm>>) dst(%arg7 : memref<160x128xi32, #tpu.memory_space<vmem>>)
    %barrier3A = arith.constant 0 : index
    tpu.barrier barrier_id(%barrier3A)
    %dma_start3A_56 = arith.constant 0 : i32
    %dma_start3A_57 = arith.constant 0 : i32
    %dma_start3A_58 = tpu.memref_slice %arg7[%dma_start3A_56, %dma_start3A_57] : memref<160x128xi32, #tpu.memory_space<vmem>> -> memref<1x128xi32, #tpu.memory_space<vmem>>
    %dma_start3A_59 = tpu.memref_squeeze %dma_start3A_58 : memref<1x128xi32, #tpu.memory_space<vmem>> -> memref<128xi32, #tpu.memory_space<vmem>>
    %dma_start3A_60 = arith.constant 0 : i32
    %dma_start3A_61 = arith.constant 0 : i32
    %dma_start3A_62 = tpu.memref_slice %arg2[%dma_start3A_60, %dma_start3A_61] : memref<10000x64xf32, #tpu.memory_space<hbm>> -> memref<10000x64xf32, #tpu.memory_space<hbm>>
    tpu.enqueue_indirect_dma source(%dma_start3A_62 : memref<10000x64xf32, #tpu.memory_space<hbm>>) target(%arg8 : memref<128x64xf32, #tpu.memory_space<vmem>>) offsets(%dma_start3A_59 : memref<128xi32, #tpu.memory_space<vmem>>) semaphore(%arg14 : memref<!tpu.dma_semaphore, #tpu.memory_space<semaphore_mem>>)
    %dma_start3A_63 = arith.constant 1 : i32
    %dma_start3A_64 = arith.constant 0 : i32
    %dma_start3A_65 = tpu.memref_slice %arg7[%dma_start3A_63, %dma_start3A_64] : memref<160x128xi32, #tpu.memory_space<vmem>> -> memref<1x128xi32, #tpu.memory_space<vmem>>
    %dma_start3A_66 = tpu.memref_squeeze %dma_start3A_65 : memref<1x128xi32, #tpu.memory_space<vmem>> -> memref<128xi32, #tpu.memory_space<vmem>>
    %dma_start3A_67 = arith.constant 0 : i32
    %dma_start3A_68 = arith.constant 0 : i32
    %dma_start3A_69 = tpu.memref_slice %arg2[%dma_start3A_67, %dma_start3A_68] : memref<10000x64xf32, #tpu.memory_space<hbm>> -> memref<10000x64xf32, #tpu.memory_space<hbm>>
    tpu.enqueue_indirect_dma source(%dma_start3A_69 : memref<10000x64xf32, #tpu.memory_space<hbm>>) target(%arg9 : memref<128x64xf32, #tpu.memory_space<vmem>>) offsets(%dma_start3A_66 : memref<128xi32, #tpu.memory_space<vmem>>) semaphore(%arg15 : memref<!tpu.dma_semaphore, #tpu.memory_space<semaphore_mem>>)
    %dma_start3A_70 = arith.constant 2 : i32
    %dma_start3A_71 = arith.constant 0 : i32
    %dma_start3A_72 = tpu.memref_slice %arg7[%dma_start3A_70, %dma_start3A_71] : memref<160x128xi32, #tpu.memory_space<vmem>> -> memref<1x128xi32, #tpu.memory_space<vmem>>
    %dma_start3A_73 = tpu.memref_squeeze %dma_start3A_72 : memref<1x128xi32, #tpu.memory_space<vmem>> -> memref<128xi32, #tpu.memory_space<vmem>>
    %dma_start3A_74 = arith.constant 0 : i32
    %dma_start3A_75 = arith.constant 0 : i32
    %dma_start3A_76 = tpu.memref_slice %arg2[%dma_start3A_74, %dma_start3A_75] : memref<10000x64xf32, #tpu.memory_space<hbm>> -> memref<10000x64xf32, #tpu.memory_space<hbm>>
    tpu.enqueue_indirect_dma source(%dma_start3A_76 : memref<10000x64xf32, #tpu.memory_space<hbm>>) target(%arg10 : memref<128x64xf32, #tpu.memory_space<vmem>>) offsets(%dma_start3A_73 : memref<128xi32, #tpu.memory_space<vmem>>) semaphore(%arg16 : memref<!tpu.dma_semaphore, #tpu.memory_space<semaphore_mem>>)
    %dma_start3A_77 = arith.constant 3 : i32
    %dma_start3A_78 = arith.constant 0 : i32
    %dma_start3A_79 = tpu.memref_slice %arg7[%dma_start3A_77, %dma_start3A_78] : memref<160x128xi32, #tpu.memory_space<vmem>> -> memref<1x128xi32, #tpu.memory_space<vmem>>
    %dma_start3A_80 = tpu.memref_squeeze %dma_start3A_79 : memref<1x128xi32, #tpu.memory_space<vmem>> -> memref<128xi32, #tpu.memory_space<vmem>>
    %dma_start3A_81 = arith.constant 0 : i32
    %dma_start3A_82 = arith.constant 0 : i32
    %dma_start3A_83 = tpu.memref_slice %arg2[%dma_start3A_81, %dma_start3A_82] : memref<10000x64xf32, #tpu.memory_space<hbm>> -> memref<10000x64xf32, #tpu.memory_space<hbm>>
    tpu.enqueue_indirect_dma source(%dma_start3A_83 : memref<10000x64xf32, #tpu.memory_space<hbm>>) target(%arg11 : memref<128x64xf32, #tpu.memory_space<vmem>>) offsets(%dma_start3A_80 : memref<128xi32, #tpu.memory_space<vmem>>) semaphore(%arg17 : memref<!tpu.dma_semaphore, #tpu.memory_space<semaphore_mem>>)
    %scan3A_84 = arith.constant 0 : i32
    %scan3A_85 = arith.constant 0 : i32
    %scan3A_86 = arith.constant 39 : i32
    %scan3A_87 = arith.addi %scan3A_85, %scan3A_86 : i32
    %scan3A_88 = arith.constant 1 : i32
    scf.for %scan3A_126 = %scan3A_85 to %scan3A_87 step %scan3A_88  : i32 {
      %mul3A_127 = arith.constant 4 : i32
      %mul3A_128 = arith.muli %scan3A_126, %mul3A_127 : i32
      %dma_wait3A_129 = arith.constant 0 : i32
      %dma_wait3A_130 = arith.constant 0 : i32
      %dma_wait3A_131 = tpu.memref_slice %arg7[%dma_wait3A_129, %dma_wait3A_130] : memref<160x128xi32, #tpu.memory_space<vmem>> -> memref<1x128xi32, #tpu.memory_space<vmem>>
      %dma_wait3A_132 = tpu.memref_squeeze %dma_wait3A_131 : memref<1x128xi32, #tpu.memory_space<vmem>> -> memref<128xi32, #tpu.memory_space<vmem>>
      %dma_wait3A_133 = arith.constant 0 : i32
      %dma_wait3A_134 = arith.constant 0 : i32
      %dma_wait3A_135 = tpu.memref_slice %arg2[%dma_wait3A_133, %dma_wait3A_134] : memref<10000x64xf32, #tpu.memory_space<hbm>> -> memref<10000x64xf32, #tpu.memory_space<hbm>>
      tpu.wait_indirect_dma semaphore(%arg14 : memref<!tpu.dma_semaphore, #tpu.memory_space<semaphore_mem>>) src(%dma_wait3A_135 : memref<10000x64xf32, #tpu.memory_space<hbm>>) dst(%arg8 : memref<128x64xf32, #tpu.memory_space<vmem>>)
      %add3A_136 = arith.constant 0 : i32
      %add3A_137 = arith.addi %mul3A_128, %add3A_136 : i32
      "tpu.region"() ({
        %run_scoped3A_205 = tpu.sem_alloc : memref<!tpu.dma_semaphore, #tpu.memory_space<semaphore_mem>>
        %dma_start3A_206 = arith.constant 0 : i32
        %dma_start3A_207 = tpu.memref_slice %arg6[%add3A_137, %dma_start3A_206] : memref<160x128xi32, #tpu.memory_space<vmem>> -> memref<1x128xi32, #tpu.memory_space<vmem>>
        %dma_start3A_208 = tpu.memref_squeeze %dma_start3A_207 : memref<1x128xi32, #tpu.memory_space<vmem>> -> memref<128xi32, #tpu.memory_space<vmem>>
        %dma_start3A_209 = arith.constant 0 : i32
        %dma_start3A_210 = arith.constant 0 : i32
        %dma_start3A_211 = tpu.memref_slice %arg13[%dma_start3A_209, %dma_start3A_210] : memref<10240x64xf32, #tpu.memory_space<vmem_shared>> -> memref<10240x64xf32, #tpu.memory_space<vmem_shared>>
        tpu.enqueue_indirect_dma source(%arg8 : memref<128x64xf32, #tpu.memory_space<vmem>>) target(%dma_start3A_211 : memref<10240x64xf32, #tpu.memory_space<vmem_shared>>) offsets(%dma_start3A_208 : memref<128xi32, #tpu.memory_space<vmem>>) semaphore(%run_scoped3A_205 : memref<!tpu.dma_semaphore, #tpu.memory_space<semaphore_mem>>) {add = true}
        %dma_wait3A_212 = arith.constant 0 : i32
        %dma_wait3A_213 = tpu.memref_slice %arg6[%add3A_137, %dma_wait3A_212] : memref<160x128xi32, #tpu.memory_space<vmem>> -> memref<1x128xi32, #tpu.memory_space<vmem>>
        %dma_wait3A_214 = tpu.memref_squeeze %dma_wait3A_213 : memref<1x128xi32, #tpu.memory_space<vmem>> -> memref<128xi32, #tpu.memory_space<vmem>>
        %dma_wait3A_215 = arith.constant 0 : i32
        %dma_wait3A_216 = arith.constant 0 : i32
        %dma_wait3A_217 = tpu.memref_slice %arg13[%dma_wait3A_215, %dma_wait3A_216] : memref<10240x64xf32, #tpu.memory_space<vmem_shared>> -> memref<10240x64xf32, #tpu.memory_space<vmem_shared>>
        tpu.wait_indirect_dma semaphore(%run_scoped3A_205 : memref<!tpu.dma_semaphore, #tpu.memory_space<semaphore_mem>>) src(%arg8 : memref<128x64xf32, #tpu.memory_space<vmem>>) dst(%dma_wait3A_217 : memref<10240x64xf32, #tpu.memory_space<vmem_shared>>)
        tpu.yield
      }) : () -> ()
      %add3A_138 = arith.constant 4 : i32
      %add3A_139 = arith.addi %mul3A_128, %add3A_138 : i32
      %add3A_140 = arith.constant 0 : i32
      %add3A_141 = arith.addi %add3A_139, %add3A_140 : i32
      %dma_start3A_142 = arith.constant 0 : i32
      %dma_start3A_143 = tpu.memref_slice %arg7[%add3A_141, %dma_start3A_142] : memref<160x128xi32, #tpu.memory_space<vmem>> -> memref<1x128xi32, #tpu.memory_space<vmem>>
      %dma_start3A_144 = tpu.memref_squeeze %dma_start3A_143 : memref<1x128xi32, #tpu.memory_space<vmem>> -> memref<128xi32, #tpu.memory_space<vmem>>
      %dma_start3A_145 = arith.constant 0 : i32
      %dma_start3A_146 = arith.constant 0 : i32
      %dma_start3A_147 = tpu.memref_slice %arg2[%dma_start3A_145, %dma_start3A_146] : memref<10000x64xf32, #tpu.memory_space<hbm>> -> memref<10000x64xf32, #tpu.memory_space<hbm>>
      tpu.enqueue_indirect_dma source(%dma_start3A_147 : memref<10000x64xf32, #tpu.memory_space<hbm>>) target(%arg8 : memref<128x64xf32, #tpu.memory_space<vmem>>) offsets(%dma_start3A_144 : memref<128xi32, #tpu.memory_space<vmem>>) semaphore(%arg14 : memref<!tpu.dma_semaphore, #tpu.memory_space<semaphore_mem>>)
      %dma_wait3A_148 = arith.constant 0 : i32
      %dma_wait3A_149 = arith.constant 0 : i32
      %dma_wait3A_150 = tpu.memref_slice %arg7[%dma_wait3A_148, %dma_wait3A_149] : memref<160x128xi32, #tpu.memory_space<vmem>> -> memref<1x128xi32, #tpu.memory_space<vmem>>
      %dma_wait3A_151 = tpu.memref_squeeze %dma_wait3A_150 : memref<1x128xi32, #tpu.memory_space<vmem>> -> memref<128xi32, #tpu.memory_space<vmem>>
      %dma_wait3A_152 = arith.constant 0 : i32
      %dma_wait3A_153 = arith.constant 0 : i32
      %dma_wait3A_154 = tpu.memref_slice %arg2[%dma_wait3A_152, %dma_wait3A_153] : memref<10000x64xf32, #tpu.memory_space<hbm>> -> memref<10000x64xf32, #tpu.memory_space<hbm>>
      tpu.wait_indirect_dma semaphore(%arg15 : memref<!tpu.dma_semaphore, #tpu.memory_space<semaphore_mem>>) src(%dma_wait3A_154 : memref<10000x64xf32, #tpu.memory_space<hbm>>) dst(%arg9 : memref<128x64xf32, #tpu.memory_space<vmem>>)
      %add3A_155 = arith.constant 1 : i32
      %add3A_156 = arith.addi %mul3A_128, %add3A_155 : i32
      "tpu.region"() ({
        %run_scoped3A_205 = tpu.sem_alloc : memref<!tpu.dma_semaphore, #tpu.memory_space<semaphore_mem>>
        %dma_start3A_206 = arith.constant 0 : i32
        %dma_start3A_207 = tpu.memref_slice %arg6[%add3A_156, %dma_start3A_206] : memref<160x128xi32, #tpu.memory_space<vmem>> -> memref<1x128xi32, #tpu.memory_space<vmem>>
        %dma_start3A_208 = tpu.memref_squeeze %dma_start3A_207 : memref<1x128xi32, #tpu.memory_space<vmem>> -> memref<128xi32, #tpu.memory_space<vmem>>
        %dma_start3A_209 = arith.constant 0 : i32
        %dma_start3A_210 = arith.constant 0 : i32
        %dma_start3A_211 = tpu.memref_slice %arg13[%dma_start3A_209, %dma_start3A_210] : memref<10240x64xf32, #tpu.memory_space<vmem_shared>> -> memref<10240x64xf32, #tpu.memory_space<vmem_shared>>
        tpu.enqueue_indirect_dma source(%arg9 : memref<128x64xf32, #tpu.memory_space<vmem>>) target(%dma_start3A_211 : memref<10240x64xf32, #tpu.memory_space<vmem_shared>>) offsets(%dma_start3A_208 : memref<128xi32, #tpu.memory_space<vmem>>) semaphore(%run_scoped3A_205 : memref<!tpu.dma_semaphore, #tpu.memory_space<semaphore_mem>>) {add = true}
        %dma_wait3A_212 = arith.constant 0 : i32
        %dma_wait3A_213 = tpu.memref_slice %arg6[%add3A_156, %dma_wait3A_212] : memref<160x128xi32, #tpu.memory_space<vmem>> -> memref<1x128xi32, #tpu.memory_space<vmem>>
        %dma_wait3A_214 = tpu.memref_squeeze %dma_wait3A_213 : memref<1x128xi32, #tpu.memory_space<vmem>> -> memref<128xi32, #tpu.memory_space<vmem>>
        %dma_wait3A_215 = arith.constant 0 : i32
        %dma_wait3A_216 = arith.constant 0 : i32
        %dma_wait3A_217 = tpu.memref_slice %arg13[%dma_wait3A_215, %dma_wait3A_216] : memref<10240x64xf32, #tpu.memory_space<vmem_shared>> -> memref<10240x64xf32, #tpu.memory_space<vmem_shared>>
        tpu.wait_indirect_dma semaphore(%run_scoped3A_205 : memref<!tpu.dma_semaphore, #tpu.memory_space<semaphore_mem>>) src(%arg9 : memref<128x64xf32, #tpu.memory_space<vmem>>) dst(%dma_wait3A_217 : memref<10240x64xf32, #tpu.memory_space<vmem_shared>>)
        tpu.yield
      }) : () -> ()
      %add3A_157 = arith.constant 4 : i32
      %add3A_158 = arith.addi %mul3A_128, %add3A_157 : i32
      %add3A_159 = arith.constant 1 : i32
      %add3A_160 = arith.addi %add3A_158, %add3A_159 : i32
      %dma_start3A_161 = arith.constant 0 : i32
      %dma_start3A_162 = tpu.memref_slice %arg7[%add3A_160, %dma_start3A_161] : memref<160x128xi32, #tpu.memory_space<vmem>> -> memref<1x128xi32, #tpu.memory_space<vmem>>
      %dma_start3A_163 = tpu.memref_squeeze %dma_start3A_162 : memref<1x128xi32, #tpu.memory_space<vmem>> -> memref<128xi32, #tpu.memory_space<vmem>>
      %dma_start3A_164 = arith.constant 0 : i32
      %dma_start3A_165 = arith.constant 0 : i32
      %dma_start3A_166 = tpu.memref_slice %arg2[%dma_start3A_164, %dma_start3A_165] : memref<10000x64xf32, #tpu.memory_space<hbm>> -> memref<10000x64xf32, #tpu.memory_space<hbm>>
      tpu.enqueue_indirect_dma source(%dma_start3A_166 : memref<10000x64xf32, #tpu.memory_space<hbm>>) target(%arg9 : memref<128x64xf32, #tpu.memory_space<vmem>>) offsets(%dma_start3A_163 : memref<128xi32, #tpu.memory_space<vmem>>) semaphore(%arg15 : memref<!tpu.dma_semaphore, #tpu.memory_space<semaphore_mem>>)
      %dma_wait3A_167 = arith.constant 0 : i32
      %dma_wait3A_168 = arith.constant 0 : i32
      %dma_wait3A_169 = tpu.memref_slice %arg7[%dma_wait3A_167, %dma_wait3A_168] : memref<160x128xi32, #tpu.memory_space<vmem>> -> memref<1x128xi32, #tpu.memory_space<vmem>>
      %dma_wait3A_170 = tpu.memref_squeeze %dma_wait3A_169 : memref<1x128xi32, #tpu.memory_space<vmem>> -> memref<128xi32, #tpu.memory_space<vmem>>
      %dma_wait3A_171 = arith.constant 0 : i32
      %dma_wait3A_172 = arith.constant 0 : i32
      %dma_wait3A_173 = tpu.memref_slice %arg2[%dma_wait3A_171, %dma_wait3A_172] : memref<10000x64xf32, #tpu.memory_space<hbm>> -> memref<10000x64xf32, #tpu.memory_space<hbm>>
      tpu.wait_indirect_dma semaphore(%arg16 : memref<!tpu.dma_semaphore, #tpu.memory_space<semaphore_mem>>) src(%dma_wait3A_173 : memref<10000x64xf32, #tpu.memory_space<hbm>>) dst(%arg10 : memref<128x64xf32, #tpu.memory_space<vmem>>)
      %add3A_174 = arith.constant 2 : i32
      %add3A_175 = arith.addi %mul3A_128, %add3A_174 : i32
      "tpu.region"() ({
        %run_scoped3A_205 = tpu.sem_alloc : memref<!tpu.dma_semaphore, #tpu.memory_space<semaphore_mem>>
        %dma_start3A_206 = arith.constant 0 : i32
        %dma_start3A_207 = tpu.memref_slice %arg6[%add3A_175, %dma_start3A_206] : memref<160x128xi32, #tpu.memory_space<vmem>> -> memref<1x128xi32, #tpu.memory_space<vmem>>
        %dma_start3A_208 = tpu.memref_squeeze %dma_start3A_207 : memref<1x128xi32, #tpu.memory_space<vmem>> -> memref<128xi32, #tpu.memory_space<vmem>>
        %dma_start3A_209 = arith.constant 0 : i32
        %dma_start3A_210 = arith.constant 0 : i32
        %dma_start3A_211 = tpu.memref_slice %arg13[%dma_start3A_209, %dma_start3A_210] : memref<10240x64xf32, #tpu.memory_space<vmem_shared>> -> memref<10240x64xf32, #tpu.memory_space<vmem_shared>>
        tpu.enqueue_indirect_dma source(%arg10 : memref<128x64xf32, #tpu.memory_space<vmem>>) target(%dma_start3A_211 : memref<10240x64xf32, #tpu.memory_space<vmem_shared>>) offsets(%dma_start3A_208 : memref<128xi32, #tpu.memory_space<vmem>>) semaphore(%run_scoped3A_205 : memref<!tpu.dma_semaphore, #tpu.memory_space<semaphore_mem>>) {add = true}
        %dma_wait3A_212 = arith.constant 0 : i32
        %dma_wait3A_213 = tpu.memref_slice %arg6[%add3A_175, %dma_wait3A_212] : memref<160x128xi32, #tpu.memory_space<vmem>> -> memref<1x128xi32, #tpu.memory_space<vmem>>
        %dma_wait3A_214 = tpu.memref_squeeze %dma_wait3A_213 : memref<1x128xi32, #tpu.memory_space<vmem>> -> memref<128xi32, #tpu.memory_space<vmem>>
        %dma_wait3A_215 = arith.constant 0 : i32
        %dma_wait3A_216 = arith.constant 0 : i32
        %dma_wait3A_217 = tpu.memref_slice %arg13[%dma_wait3A_215, %dma_wait3A_216] : memref<10240x64xf32, #tpu.memory_space<vmem_shared>> -> memref<10240x64xf32, #tpu.memory_space<vmem_shared>>
        tpu.wait_indirect_dma semaphore(%run_scoped3A_205 : memref<!tpu.dma_semaphore, #tpu.memory_space<semaphore_mem>>) src(%arg10 : memref<128x64xf32, #tpu.memory_space<vmem>>) dst(%dma_wait3A_217 : memref<10240x64xf32, #tpu.memory_space<vmem_shared>>)
        tpu.yield
      }) : () -> ()
      %add3A_176 = arith.constant 4 : i32
      %add3A_177 = arith.addi %mul3A_128, %add3A_176 : i32
      %add3A_178 = arith.constant 2 : i32
      %add3A_179 = arith.addi %add3A_177, %add3A_178 : i32
      %dma_start3A_180 = arith.constant 0 : i32
      %dma_start3A_181 = tpu.memref_slice %arg7[%add3A_179, %dma_start3A_180] : memref<160x128xi32, #tpu.memory_space<vmem>> -> memref<1x128xi32, #tpu.memory_space<vmem>>
      %dma_start3A_182 = tpu.memref_squeeze %dma_start3A_181 : memref<1x128xi32, #tpu.memory_space<vmem>> -> memref<128xi32, #tpu.memory_space<vmem>>
      %dma_start3A_183 = arith.constant 0 : i32
      %dma_start3A_184 = arith.constant 0 : i32
      %dma_start3A_185 = tpu.memref_slice %arg2[%dma_start3A_183, %dma_start3A_184] : memref<10000x64xf32, #tpu.memory_space<hbm>> -> memref<10000x64xf32, #tpu.memory_space<hbm>>
      tpu.enqueue_indirect_dma source(%dma_start3A_185 : memref<10000x64xf32, #tpu.memory_space<hbm>>) target(%arg10 : memref<128x64xf32, #tpu.memory_space<vmem>>) offsets(%dma_start3A_182 : memref<128xi32, #tpu.memory_space<vmem>>) semaphore(%arg16 : memref<!tpu.dma_semaphore, #tpu.memory_space<semaphore_mem>>)
      %dma_wait3A_186 = arith.constant 0 : i32
      %dma_wait3A_187 = arith.constant 0 : i32
      %dma_wait3A_188 = tpu.memref_slice %arg7[%dma_wait3A_186, %dma_wait3A_187] : memref<160x128xi32, #tpu.memory_space<vmem>> -> memref<1x128xi32, #tpu.memory_space<vmem>>
      %dma_wait3A_189 = tpu.memref_squeeze %dma_wait3A_188 : memref<1x128xi32, #tpu.memory_space<vmem>> -> memref<128xi32, #tpu.memory_space<vmem>>
      %dma_wait3A_190 = arith.constant 0 : i32
      %dma_wait3A_191 = arith.constant 0 : i32
      %dma_wait3A_192 = tpu.memref_slice %arg2[%dma_wait3A_190, %dma_wait3A_191] : memref<10000x64xf32, #tpu.memory_space<hbm>> -> memref<10000x64xf32, #tpu.memory_space<hbm>>
      tpu.wait_indirect_dma semaphore(%arg17 : memref<!tpu.dma_semaphore, #tpu.memory_space<semaphore_mem>>) src(%dma_wait3A_192 : memref<10000x64xf32, #tpu.memory_space<hbm>>) dst(%arg11 : memref<128x64xf32, #tpu.memory_space<vmem>>)
      %add3A_193 = arith.constant 3 : i32
      %add3A_194 = arith.addi %mul3A_128, %add3A_193 : i32
      "tpu.region"() ({
        %run_scoped3A_205 = tpu.sem_alloc : memref<!tpu.dma_semaphore, #tpu.memory_space<semaphore_mem>>
        %dma_start3A_206 = arith.constant 0 : i32
        %dma_start3A_207 = tpu.memref_slice %arg6[%add3A_194, %dma_start3A_206] : memref<160x128xi32, #tpu.memory_space<vmem>> -> memref<1x128xi32, #tpu.memory_space<vmem>>
        %dma_start3A_208 = tpu.memref_squeeze %dma_start3A_207 : memref<1x128xi32, #tpu.memory_space<vmem>> -> memref<128xi32, #tpu.memory_space<vmem>>
        %dma_start3A_209 = arith.constant 0 : i32
        %dma_start3A_210 = arith.constant 0 : i32
        %dma_start3A_211 = tpu.memref_slice %arg13[%dma_start3A_209, %dma_start3A_210] : memref<10240x64xf32, #tpu.memory_space<vmem_shared>> -> memref<10240x64xf32, #tpu.memory_space<vmem_shared>>
        tpu.enqueue_indirect_dma source(%arg11 : memref<128x64xf32, #tpu.memory_space<vmem>>) target(%dma_start3A_211 : memref<10240x64xf32, #tpu.memory_space<vmem_shared>>) offsets(%dma_start3A_208 : memref<128xi32, #tpu.memory_space<vmem>>) semaphore(%run_scoped3A_205 : memref<!tpu.dma_semaphore, #tpu.memory_space<semaphore_mem>>) {add = true}
        %dma_wait3A_212 = arith.constant 0 : i32
        %dma_wait3A_213 = tpu.memref_slice %arg6[%add3A_194, %dma_wait3A_212] : memref<160x128xi32, #tpu.memory_space<vmem>> -> memref<1x128xi32, #tpu.memory_space<vmem>>
        %dma_wait3A_214 = tpu.memref_squeeze %dma_wait3A_213 : memref<1x128xi32, #tpu.memory_space<vmem>> -> memref<128xi32, #tpu.memory_space<vmem>>
        %dma_wait3A_215 = arith.constant 0 : i32
        %dma_wait3A_216 = arith.constant 0 : i32
        %dma_wait3A_217 = tpu.memref_slice %arg13[%dma_wait3A_215, %dma_wait3A_216] : memref<10240x64xf32, #tpu.memory_space<vmem_shared>> -> memref<10240x64xf32, #tpu.memory_space<vmem_shared>>
        tpu.wait_indirect_dma semaphore(%run_scoped3A_205 : memref<!tpu.dma_semaphore, #tpu.memory_space<semaphore_mem>>) src(%arg11 : memref<128x64xf32, #tpu.memory_space<vmem>>) dst(%dma_wait3A_217 : memref<10240x64xf32, #tpu.memory_space<vmem_shared>>)
        tpu.yield
      }) : () -> ()
      %add3A_195 = arith.constant 4 : i32
      %add3A_196 = arith.addi %mul3A_128, %add3A_195 : i32
      %add3A_197 = arith.constant 3 : i32
      %add3A_198 = arith.addi %add3A_196, %add3A_197 : i32
      %dma_start3A_199 = arith.constant 0 : i32
      %dma_start3A_200 = tpu.memref_slice %arg7[%add3A_198, %dma_start3A_199] : memref<160x128xi32, #tpu.memory_space<vmem>> -> memref<1x128xi32, #tpu.memory_space<vmem>>
      %dma_start3A_201 = tpu.memref_squeeze %dma_start3A_200 : memref<1x128xi32, #tpu.memory_space<vmem>> -> memref<128xi32, #tpu.memory_space<vmem>>
      %dma_start3A_202 = arith.constant 0 : i32
      %dma_start3A_203 = arith.constant 0 : i32
      %dma_start3A_204 = tpu.memref_slice %arg2[%dma_start3A_202, %dma_start3A_203] : memref<10000x64xf32, #tpu.memory_space<hbm>> -> memref<10000x64xf32, #tpu.memory_space<hbm>>
      tpu.enqueue_indirect_dma source(%dma_start3A_204 : memref<10000x64xf32, #tpu.memory_space<hbm>>) target(%arg11 : memref<128x64xf32, #tpu.memory_space<vmem>>) offsets(%dma_start3A_201 : memref<128xi32, #tpu.memory_space<vmem>>) semaphore(%arg17 : memref<!tpu.dma_semaphore, #tpu.memory_space<semaphore_mem>>)
    }
    %scan3A_89 = arith.constant 39 : i32
    %dma_wait3A_90 = arith.constant 0 : i32
    %dma_wait3A_91 = arith.constant 0 : i32
    %dma_wait3A_92 = tpu.memref_slice %arg7[%dma_wait3A_90, %dma_wait3A_91] : memref<160x128xi32, #tpu.memory_space<vmem>> -> memref<1x128xi32, #tpu.memory_space<vmem>>
    %dma_wait3A_93 = tpu.memref_squeeze %dma_wait3A_92 : memref<1x128xi32, #tpu.memory_space<vmem>> -> memref<128xi32, #tpu.memory_space<vmem>>
    %dma_wait3A_94 = arith.constant 0 : i32
    %dma_wait3A_95 = arith.constant 0 : i32
    %dma_wait3A_96 = tpu.memref_slice %arg2[%dma_wait3A_94, %dma_wait3A_95] : memref<10000x64xf32, #tpu.memory_space<hbm>> -> memref<10000x64xf32, #tpu.memory_space<hbm>>
    tpu.wait_indirect_dma semaphore(%arg14 : memref<!tpu.dma_semaphore, #tpu.memory_space<semaphore_mem>>) src(%dma_wait3A_96 : memref<10000x64xf32, #tpu.memory_space<hbm>>) dst(%arg8 : memref<128x64xf32, #tpu.memory_space<vmem>>)
    %run_scoped3A = arith.constant 156 : i32
    "tpu.region"() ({
      %run_scoped3A_126 = tpu.sem_alloc : memref<!tpu.dma_semaphore, #tpu.memory_space<semaphore_mem>>
      %dma_start3A_127 = arith.constant 0 : i32
      %dma_start3A_128 = tpu.memref_slice %arg6[%run_scoped3A, %dma_start3A_127] : memref<160x128xi32, #tpu.memory_space<vmem>> -> memref<1x128xi32, #tpu.memory_space<vmem>>
      %dma_start3A_129 = tpu.memref_squeeze %dma_start3A_128 : memref<1x128xi32, #tpu.memory_space<vmem>> -> memref<128xi32, #tpu.memory_space<vmem>>
      %dma_start3A_130 = arith.constant 0 : i32
      %dma_start3A_131 = arith.constant 0 : i32
      %dma_start3A_132 = tpu.memref_slice %arg13[%dma_start3A_130, %dma_start3A_131] : memref<10240x64xf32, #tpu.memory_space<vmem_shared>> -> memref<10240x64xf32, #tpu.memory_space<vmem_shared>>
      tpu.enqueue_indirect_dma source(%arg8 : memref<128x64xf32, #tpu.memory_space<vmem>>) target(%dma_start3A_132 : memref<10240x64xf32, #tpu.memory_space<vmem_shared>>) offsets(%dma_start3A_129 : memref<128xi32, #tpu.memory_space<vmem>>) semaphore(%run_scoped3A_126 : memref<!tpu.dma_semaphore, #tpu.memory_space<semaphore_mem>>) {add = true}
      %dma_wait3A_133 = arith.constant 0 : i32
      %dma_wait3A_134 = tpu.memref_slice %arg6[%run_scoped3A, %dma_wait3A_133] : memref<160x128xi32, #tpu.memory_space<vmem>> -> memref<1x128xi32, #tpu.memory_space<vmem>>
      %dma_wait3A_135 = tpu.memref_squeeze %dma_wait3A_134 : memref<1x128xi32, #tpu.memory_space<vmem>> -> memref<128xi32, #tpu.memory_space<vmem>>
      %dma_wait3A_136 = arith.constant 0 : i32
      %dma_wait3A_137 = arith.constant 0 : i32
      %dma_wait3A_138 = tpu.memref_slice %arg13[%dma_wait3A_136, %dma_wait3A_137] : memref<10240x64xf32, #tpu.memory_space<vmem_shared>> -> memref<10240x64xf32, #tpu.memory_space<vmem_shared>>
      tpu.wait_indirect_dma semaphore(%run_scoped3A_126 : memref<!tpu.dma_semaphore, #tpu.memory_space<semaphore_mem>>) src(%arg8 : memref<128x64xf32, #tpu.memory_space<vmem>>) dst(%dma_wait3A_138 : memref<10240x64xf32, #tpu.memory_space<vmem_shared>>)
      tpu.yield
    }) : () -> ()
    %dma_wait3A_97 = arith.constant 0 : i32
    %dma_wait3A_98 = arith.constant 0 : i32
    %dma_wait3A_99 = tpu.memref_slice %arg7[%dma_wait3A_97, %dma_wait3A_98] : memref<160x128xi32, #tpu.memory_space<vmem>> -> memref<1x128xi32, #tpu.memory_space<vmem>>
    %dma_wait3A_100 = tpu.memref_squeeze %dma_wait3A_99 : memref<1x128xi32, #tpu.memory_space<vmem>> -> memref<128xi32, #tpu.memory_space<vmem>>
    %dma_wait3A_101 = arith.constant 0 : i32
    %dma_wait3A_102 = arith.constant 0 : i32
    %dma_wait3A_103 = tpu.memref_slice %arg2[%dma_wait3A_101, %dma_wait3A_102] : memref<10000x64xf32, #tpu.memory_space<hbm>> -> memref<10000x64xf32, #tpu.memory_space<hbm>>
    tpu.wait_indirect_dma semaphore(%arg15 : memref<!tpu.dma_semaphore, #tpu.memory_space<semaphore_mem>>) src(%dma_wait3A_103 : memref<10000x64xf32, #tpu.memory_space<hbm>>) dst(%arg9 : memref<128x64xf32, #tpu.memory_space<vmem>>)
    %run_scoped3A_104 = arith.constant 157 : i32
    "tpu.region"() ({
      %run_scoped3A_126 = tpu.sem_alloc : memref<!tpu.dma_semaphore, #tpu.memory_space<semaphore_mem>>
      %dma_start3A_127 = arith.constant 0 : i32
      %dma_start3A_128 = tpu.memref_slice %arg6[%run_scoped3A_104, %dma_start3A_127] : memref<160x128xi32, #tpu.memory_space<vmem>> -> memref<1x128xi32, #tpu.memory_space<vmem>>
      %dma_start3A_129 = tpu.memref_squeeze %dma_start3A_128 : memref<1x128xi32, #tpu.memory_space<vmem>> -> memref<128xi32, #tpu.memory_space<vmem>>
      %dma_start3A_130 = arith.constant 0 : i32
      %dma_start3A_131 = arith.constant 0 : i32
      %dma_start3A_132 = tpu.memref_slice %arg13[%dma_start3A_130, %dma_start3A_131] : memref<10240x64xf32, #tpu.memory_space<vmem_shared>> -> memref<10240x64xf32, #tpu.memory_space<vmem_shared>>
      tpu.enqueue_indirect_dma source(%arg9 : memref<128x64xf32, #tpu.memory_space<vmem>>) target(%dma_start3A_132 : memref<10240x64xf32, #tpu.memory_space<vmem_shared>>) offsets(%dma_start3A_129 : memref<128xi32, #tpu.memory_space<vmem>>) semaphore(%run_scoped3A_126 : memref<!tpu.dma_semaphore, #tpu.memory_space<semaphore_mem>>) {add = true}
      %dma_wait3A_133 = arith.constant 0 : i32
      %dma_wait3A_134 = tpu.memref_slice %arg6[%run_scoped3A_104, %dma_wait3A_133] : memref<160x128xi32, #tpu.memory_space<vmem>> -> memref<1x128xi32, #tpu.memory_space<vmem>>
      %dma_wait3A_135 = tpu.memref_squeeze %dma_wait3A_134 : memref<1x128xi32, #tpu.memory_space<vmem>> -> memref<128xi32, #tpu.memory_space<vmem>>
      %dma_wait3A_136 = arith.constant 0 : i32
      %dma_wait3A_137 = arith.constant 0 : i32
      %dma_wait3A_138 = tpu.memref_slice %arg13[%dma_wait3A_136, %dma_wait3A_137] : memref<10240x64xf32, #tpu.memory_space<vmem_shared>> -> memref<10240x64xf32, #tpu.memory_space<vmem_shared>>
      tpu.wait_indirect_dma semaphore(%run_scoped3A_126 : memref<!tpu.dma_semaphore, #tpu.memory_space<semaphore_mem>>) src(%arg9 : memref<128x64xf32, #tpu.memory_space<vmem>>) dst(%dma_wait3A_138 : memref<10240x64xf32, #tpu.memory_space<vmem_shared>>)
      tpu.yield
    }) : () -> ()
    %dma_wait3A_105 = arith.constant 0 : i32
    %dma_wait3A_106 = arith.constant 0 : i32
    %dma_wait3A_107 = tpu.memref_slice %arg7[%dma_wait3A_105, %dma_wait3A_106] : memref<160x128xi32, #tpu.memory_space<vmem>> -> memref<1x128xi32, #tpu.memory_space<vmem>>
    %dma_wait3A_108 = tpu.memref_squeeze %dma_wait3A_107 : memref<1x128xi32, #tpu.memory_space<vmem>> -> memref<128xi32, #tpu.memory_space<vmem>>
    %dma_wait3A_109 = arith.constant 0 : i32
    %dma_wait3A_110 = arith.constant 0 : i32
    %dma_wait3A_111 = tpu.memref_slice %arg2[%dma_wait3A_109, %dma_wait3A_110] : memref<10000x64xf32, #tpu.memory_space<hbm>> -> memref<10000x64xf32, #tpu.memory_space<hbm>>
    tpu.wait_indirect_dma semaphore(%arg16 : memref<!tpu.dma_semaphore, #tpu.memory_space<semaphore_mem>>) src(%dma_wait3A_111 : memref<10000x64xf32, #tpu.memory_space<hbm>>) dst(%arg10 : memref<128x64xf32, #tpu.memory_space<vmem>>)
    %run_scoped3A_112 = arith.constant 158 : i32
    "tpu.region"() ({
      %run_scoped3A_126 = tpu.sem_alloc : memref<!tpu.dma_semaphore, #tpu.memory_space<semaphore_mem>>
      %dma_start3A_127 = arith.constant 0 : i32
      %dma_start3A_128 = tpu.memref_slice %arg6[%run_scoped3A_112, %dma_start3A_127] : memref<160x128xi32, #tpu.memory_space<vmem>> -> memref<1x128xi32, #tpu.memory_space<vmem>>
      %dma_start3A_129 = tpu.memref_squeeze %dma_start3A_128 : memref<1x128xi32, #tpu.memory_space<vmem>> -> memref<128xi32, #tpu.memory_space<vmem>>
      %dma_start3A_130 = arith.constant 0 : i32
      %dma_start3A_131 = arith.constant 0 : i32
      %dma_start3A_132 = tpu.memref_slice %arg13[%dma_start3A_130, %dma_start3A_131] : memref<10240x64xf32, #tpu.memory_space<vmem_shared>> -> memref<10240x64xf32, #tpu.memory_space<vmem_shared>>
      tpu.enqueue_indirect_dma source(%arg10 : memref<128x64xf32, #tpu.memory_space<vmem>>) target(%dma_start3A_132 : memref<10240x64xf32, #tpu.memory_space<vmem_shared>>) offsets(%dma_start3A_129 : memref<128xi32, #tpu.memory_space<vmem>>) semaphore(%run_scoped3A_126 : memref<!tpu.dma_semaphore, #tpu.memory_space<semaphore_mem>>) {add = true}
      %dma_wait3A_133 = arith.constant 0 : i32
      %dma_wait3A_134 = tpu.memref_slice %arg6[%run_scoped3A_112, %dma_wait3A_133] : memref<160x128xi32, #tpu.memory_space<vmem>> -> memref<1x128xi32, #tpu.memory_space<vmem>>
      %dma_wait3A_135 = tpu.memref_squeeze %dma_wait3A_134 : memref<1x128xi32, #tpu.memory_space<vmem>> -> memref<128xi32, #tpu.memory_space<vmem>>
      %dma_wait3A_136 = arith.constant 0 : i32
      %dma_wait3A_137 = arith.constant 0 : i32
      %dma_wait3A_138 = tpu.memref_slice %arg13[%dma_wait3A_136, %dma_wait3A_137] : memref<10240x64xf32, #tpu.memory_space<vmem_shared>> -> memref<10240x64xf32, #tpu.memory_space<vmem_shared>>
      tpu.wait_indirect_dma semaphore(%run_scoped3A_126 : memref<!tpu.dma_semaphore, #tpu.memory_space<semaphore_mem>>) src(%arg10 : memref<128x64xf32, #tpu.memory_space<vmem>>) dst(%dma_wait3A_138 : memref<10240x64xf32, #tpu.memory_space<vmem_shared>>)
      tpu.yield
    }) : () -> ()
    %dma_wait3A_113 = arith.constant 0 : i32
    %dma_wait3A_114 = arith.constant 0 : i32
    %dma_wait3A_115 = tpu.memref_slice %arg7[%dma_wait3A_113, %dma_wait3A_114] : memref<160x128xi32, #tpu.memory_space<vmem>> -> memref<1x128xi32, #tpu.memory_space<vmem>>
    %dma_wait3A_116 = tpu.memref_squeeze %dma_wait3A_115 : memref<1x128xi32, #tpu.memory_space<vmem>> -> memref<128xi32, #tpu.memory_space<vmem>>
    %dma_wait3A_117 = arith.constant 0 : i32
    %dma_wait3A_118 = arith.constant 0 : i32
    %dma_wait3A_119 = tpu.memref_slice %arg2[%dma_wait3A_117, %dma_wait3A_118] : memref<10000x64xf32, #tpu.memory_space<hbm>> -> memref<10000x64xf32, #tpu.memory_space<hbm>>
    tpu.wait_indirect_dma semaphore(%arg17 : memref<!tpu.dma_semaphore, #tpu.memory_space<semaphore_mem>>) src(%dma_wait3A_119 : memref<10000x64xf32, #tpu.memory_space<hbm>>) dst(%arg11 : memref<128x64xf32, #tpu.memory_space<vmem>>)
    %run_scoped3A_120 = arith.constant 159 : i32
    "tpu.region"() ({
      %run_scoped3A_126 = tpu.sem_alloc : memref<!tpu.dma_semaphore, #tpu.memory_space<semaphore_mem>>
      %dma_start3A_127 = arith.constant 0 : i32
      %dma_start3A_128 = tpu.memref_slice %arg6[%run_scoped3A_120, %dma_start3A_127] : memref<160x128xi32, #tpu.memory_space<vmem>> -> memref<1x128xi32, #tpu.memory_space<vmem>>
      %dma_start3A_129 = tpu.memref_squeeze %dma_start3A_128 : memref<1x128xi32, #tpu.memory_space<vmem>> -> memref<128xi32, #tpu.memory_space<vmem>>
      %dma_start3A_130 = arith.constant 0 : i32
      %dma_start3A_131 = arith.constant 0 : i32
      %dma_start3A_132 = tpu.memref_slice %arg13[%dma_start3A_130, %dma_start3A_131] : memref<10240x64xf32, #tpu.memory_space<vmem_shared>> -> memref<10240x64xf32, #tpu.memory_space<vmem_shared>>
      tpu.enqueue_indirect_dma source(%arg11 : memref<128x64xf32, #tpu.memory_space<vmem>>) target(%dma_start3A_132 : memref<10240x64xf32, #tpu.memory_space<vmem_shared>>) offsets(%dma_start3A_129 : memref<128xi32, #tpu.memory_space<vmem>>) semaphore(%run_scoped3A_126 : memref<!tpu.dma_semaphore, #tpu.memory_space<semaphore_mem>>) {add = true}
      %dma_wait3A_133 = arith.constant 0 : i32
      %dma_wait3A_134 = tpu.memref_slice %arg6[%run_scoped3A_120, %dma_wait3A_133] : memref<160x128xi32, #tpu.memory_space<vmem>> -> memref<1x128xi32, #tpu.memory_space<vmem>>
      %dma_wait3A_135 = tpu.memref_squeeze %dma_wait3A_134 : memref<1x128xi32, #tpu.memory_space<vmem>> -> memref<128xi32, #tpu.memory_space<vmem>>
      %dma_wait3A_136 = arith.constant 0 : i32
      %dma_wait3A_137 = arith.constant 0 : i32
      %dma_wait3A_138 = tpu.memref_slice %arg13[%dma_wait3A_136, %dma_wait3A_137] : memref<10240x64xf32, #tpu.memory_space<vmem_shared>> -> memref<10240x64xf32, #tpu.memory_space<vmem_shared>>
      tpu.wait_indirect_dma semaphore(%run_scoped3A_126 : memref<!tpu.dma_semaphore, #tpu.memory_space<semaphore_mem>>) src(%arg11 : memref<128x64xf32, #tpu.memory_space<vmem>>) dst(%dma_wait3A_138 : memref<10240x64xf32, #tpu.memory_space<vmem_shared>>)
      tpu.yield
    }) : () -> ()
    %barrier3A_121 = arith.constant 0 : index
    tpu.barrier barrier_id(%barrier3A_121)
    %mul3A_122 = arith.constant 640 : i32
    %mul3A_123 = arith.muli %arg1, %mul3A_122 : i32
    %mul3A_124 = arith.constant 640 : i32
    %mul3A_125 = arith.muli %arg1, %mul3A_124 : i32
    "tpu.region"() ({
      %run_scoped3A_126 = tpu.sem_alloc : memref<!tpu.dma_semaphore, #tpu.memory_space<semaphore_mem>>
      %dma_start3A_127 = arith.constant 0 : i32
      %dma_start3A_128 = arith.constant 0 : i32
      %dma_start3A_129 = tpu.memref_slice %arg5[%arg0, %dma_start3A_127, %dma_start3A_128] : memref<2x10240x64xf32, #tpu.memory_space<hbm>> -> memref<1x10240x64xf32, #tpu.memory_space<hbm>>
      %dma_start3A_130 = tpu.memref_squeeze %dma_start3A_129 : memref<1x10240x64xf32, #tpu.memory_space<hbm>> -> memref<10240x64xf32, #tpu.memory_space<hbm>>
      %dma_start3A_131 = arith.constant 0 : i32
      %dma_start3A_132 = tpu.memref_slice %dma_start3A_130[%mul3A_125, %dma_start3A_131] : memref<10240x64xf32, #tpu.memory_space<hbm>> -> memref<640x64xf32, #tpu.memory_space<hbm>>
      %dma_start3A_133 = arith.constant 0 : i32
      %dma_start3A_134 = tpu.memref_slice %arg13[%mul3A_123, %dma_start3A_133] : memref<10240x64xf32, #tpu.memory_space<vmem_shared>> -> memref<640x64xf32, #tpu.memory_space<vmem_shared>>
      tpu.enqueue_dma source(%dma_start3A_134 : memref<640x64xf32, #tpu.memory_space<vmem_shared>>) target(%dma_start3A_132 : memref<640x64xf32, #tpu.memory_space<hbm>>) target_semaphore(%run_scoped3A_126 : memref<!tpu.dma_semaphore, #tpu.memory_space<semaphore_mem>>)
      %dma_wait3A_135 = arith.constant 0 : i32
      %dma_wait3A_136 = arith.constant 0 : i32
      %dma_wait3A_137 = tpu.memref_slice %arg5[%arg0, %dma_wait3A_135, %dma_wait3A_136] : memref<2x10240x64xf32, #tpu.memory_space<hbm>> -> memref<1x10240x64xf32, #tpu.memory_space<hbm>>
      %dma_wait3A_138 = tpu.memref_squeeze %dma_wait3A_137 : memref<1x10240x64xf32, #tpu.memory_space<hbm>> -> memref<10240x64xf32, #tpu.memory_space<hbm>>
      %dma_wait3A_139 = arith.constant 0 : i32
      %dma_wait3A_140 = tpu.memref_slice %dma_wait3A_138[%mul3A_125, %dma_wait3A_139] : memref<10240x64xf32, #tpu.memory_space<hbm>> -> memref<640x64xf32, #tpu.memory_space<hbm>>
      %dma_wait3A_141 = arith.constant 0 : i32
      %dma_wait3A_142 = tpu.memref_slice %arg13[%mul3A_123, %dma_wait3A_141] : memref<10240x64xf32, #tpu.memory_space<vmem_shared>> -> memref<640x64xf32, #tpu.memory_space<vmem_shared>>
      tpu.wait_dma2 semaphore(%run_scoped3A_126 : memref<!tpu.dma_semaphore, #tpu.memory_space<semaphore_mem>>) src(%dma_wait3A_142 : memref<640x64xf32, #tpu.memory_space<vmem_shared>>) dst(%dma_wait3A_140 : memref<640x64xf32, #tpu.memory_space<hbm>>)
      tpu.yield
    }) : () -> ()
    return
  }
}

#map = affine_map<(d0, d1) -> (0, 0)>
#map1 = affine_map<(d0, d1) -> (0, 0, 0)>
module attributes {stable_mosaic.version = 14 : i64} {
  func.func @k(%arg0: i32, %arg1: i32, %arg2: memref<10000x16xf32, #tpu.memory_space<hbm>>, %arg3: memref<32x160x128xi32, #tpu.memory_space<hbm>>, %arg4: memref<32x160x128xi32, #tpu.memory_space<hbm>>, %arg5: memref<2x10240x16xf32, #tpu.memory_space<hbm>>, %arg6: memref<160x128xi32, #tpu.memory_space<vmem>>, %arg7: memref<160x128xi32, #tpu.memory_space<vmem>>, %arg8: memref<128x16xf32, #tpu.memory_space<vmem>>, %arg9: memref<128x16xf32, #tpu.memory_space<vmem>>, %arg10: memref<128x16xf32, #tpu.memory_space<vmem>>, %arg11: memref<128x16xf32, #tpu.memory_space<vmem>>, %arg12: memref<128x16xf32, #tpu.memory_space<vmem>>, %arg13: memref<128x16xf32, #tpu.memory_space<vmem>>, %arg14: memref<128x16xf32, #tpu.memory_space<vmem>>, %arg15: memref<128x16xf32, #tpu.memory_space<vmem>>, %arg16: memref<128x16xf32, #tpu.memory_space<vmem>>, %arg17: memref<10240x16xf32, #tpu.memory_space<vmem_shared>>, %arg18: memref<!tpu.dma_semaphore, #tpu.memory_space<semaphore_mem>>, %arg19: memref<!tpu.dma_semaphore, #tpu.memory_space<semaphore_mem>>, %arg20: memref<!tpu.dma_semaphore, #tpu.memory_space<semaphore_mem>>, %arg21: memref<!tpu.dma_semaphore, #tpu.memory_space<semaphore_mem>>, %arg22: memref<!tpu.dma_semaphore, #tpu.memory_space<semaphore_mem>>, %arg23: memref<!tpu.dma_semaphore, #tpu.memory_space<semaphore_mem>>, %arg24: memref<!tpu.dma_semaphore, #tpu.memory_space<semaphore_mem>>, %arg25: memref<!tpu.dma_semaphore, #tpu.memory_space<semaphore_mem>>, %arg26: memref<!tpu.dma_semaphore, #tpu.memory_space<semaphore_mem>>, %arg27: memref<!tpu.dma_semaphore, #tpu.memory_space<semaphore_mem>>, %arg28: memref<!tpu.dma_semaphore, #tpu.memory_space<semaphore_mem>>, %arg29: memref<!tpu.dma_semaphore, #tpu.memory_space<semaphore_mem>>, %arg30: memref<!tpu.dma_semaphore, #tpu.memory_space<semaphore_mem>>, %arg31: memref<!tpu.dma_semaphore, #tpu.memory_space<semaphore_mem>>, %arg32: memref<!tpu.dma_semaphore, #tpu.memory_space<semaphore_mem>>, %arg33: memref<!tpu.dma_semaphore, #tpu.memory_space<semaphore_mem>>, %arg34: memref<!tpu.dma_semaphore, #tpu.memory_space<semaphore_mem>>) attributes {dimension_semantics = [#tpu.dimension_semantics<core_parallel>, #tpu.dimension_semantics<subcore_parallel>], iteration_bounds = array<i64: 2, 16>, scalar_prefetch = 0 : i64, scratch_operands = 29 : i64, tpu.core_type = #tpu.core_type<sc_vector_subcore>, window_params = [{transform_indices = #map}, {transform_indices = #map1}, {transform_indices = #map1}, {transform_indices = #map1}]} {
    %mul3A = arith.constant 2 : i32
    %mul3A_0 = arith.muli %arg1, %mul3A : i32
    %add3A = arith.addi %mul3A_0, %arg0 : i32
    %dma_start3A = arith.constant 0 : i32
    %dma_start3A_1 = arith.constant 0 : i32
    %dma_start3A_2 = tpu.memref_slice %arg3[%add3A, %dma_start3A, %dma_start3A_1] : memref<32x160x128xi32, #tpu.memory_space<hbm>> -> memref<1x160x128xi32, #tpu.memory_space<hbm>>
    %dma_start3A_3 = tpu.memref_squeeze %dma_start3A_2 : memref<1x160x128xi32, #tpu.memory_space<hbm>> -> memref<160x128xi32, #tpu.memory_space<hbm>>
    %dma_start3A_4 = arith.constant 0 : i32
    %dma_start3A_5 = arith.constant 0 : i32
    %dma_start3A_6 = tpu.memref_slice %arg3[%add3A, %dma_start3A_4, %dma_start3A_5] : memref<32x160x128xi32, #tpu.memory_space<hbm>> -> memref<1x160x128xi32, #tpu.memory_space<hbm>>
    %dma_start3A_7 = tpu.memref_squeeze %dma_start3A_6 : memref<1x160x128xi32, #tpu.memory_space<hbm>> -> memref<160x128xi32, #tpu.memory_space<hbm>>
    tpu.enqueue_dma source(%dma_start3A_7 : memref<160x128xi32, #tpu.memory_space<hbm>>) target(%arg6 : memref<160x128xi32, #tpu.memory_space<vmem>>) target_semaphore(%arg34 : memref<!tpu.dma_semaphore, #tpu.memory_space<semaphore_mem>>)
    %dma_start3A_8 = arith.constant 0 : i32
    %dma_start3A_9 = arith.constant 0 : i32
    %dma_start3A_10 = tpu.memref_slice %arg4[%add3A, %dma_start3A_8, %dma_start3A_9] : memref<32x160x128xi32, #tpu.memory_space<hbm>> -> memref<1x160x128xi32, #tpu.memory_space<hbm>>
    %dma_start3A_11 = tpu.memref_squeeze %dma_start3A_10 : memref<1x160x128xi32, #tpu.memory_space<hbm>> -> memref<160x128xi32, #tpu.memory_space<hbm>>
    %dma_start3A_12 = arith.constant 0 : i32
    %dma_start3A_13 = arith.constant 0 : i32
    %dma_start3A_14 = tpu.memref_slice %arg4[%add3A, %dma_start3A_12, %dma_start3A_13] : memref<32x160x128xi32, #tpu.memory_space<hbm>> -> memref<1x160x128xi32, #tpu.memory_space<hbm>>
    %dma_start3A_15 = tpu.memref_squeeze %dma_start3A_14 : memref<1x160x128xi32, #tpu.memory_space<hbm>> -> memref<160x128xi32, #tpu.memory_space<hbm>>
    tpu.enqueue_dma source(%dma_start3A_15 : memref<160x128xi32, #tpu.memory_space<hbm>>) target(%arg7 : memref<160x128xi32, #tpu.memory_space<vmem>>) target_semaphore(%arg34 : memref<!tpu.dma_semaphore, #tpu.memory_space<semaphore_mem>>)
    %scan3A = arith.constant 0 : i32
    %scan3A_16 = arith.constant 0 : i32
    %scan3A_17 = arith.constant 128 : i32
    %scan3A_18 = arith.addi %scan3A_16, %scan3A_17 : i32
    %scan3A_19 = arith.constant 1 : i32
    scf.for %scan3A_291 = %scan3A_16 to %scan3A_18 step %scan3A_19  : i32 {
      %broadcast_in_dim3A = arith.constant 0.000000e+00 : f32
      %broadcast_in_dim3A_292 = vector.broadcast %broadcast_in_dim3A : f32 to vector<16xf32>
      %swap3A = arith.index_cast %scan3A_291 : i32 to index
      %swap3A_293 = arith.constant 0 : index
      %swap3A_294 = tpu.vector_load %arg16[%swap3A, %swap3A_293] {strides = array<i32>} : memref<128x16xf32, #tpu.memory_space<vmem>>, vector<1x16xf32>,
      %swap3A_295 = vector.shape_cast %swap3A_294 : vector<1x16xf32> to vector<16xf32>
      %swap3A_296 = vector.shape_cast %broadcast_in_dim3A_292 : vector<16xf32> to vector<1x16xf32>
      tpu.vector_store %arg16[%swap3A, %swap3A_293], %swap3A_296 {strides = array<i32>} : memref<128x16xf32, #tpu.memory_space<vmem>>, vector<1x16xf32>,
    }
    %scan3A_20 = arith.constant 128 : i32
    %mul3A_21 = arith.constant 640 : i32
    %mul3A_22 = arith.muli %arg1, %mul3A_21 : i32
    %add3A_23 = arith.constant 0 : i32
    %add3A_24 = arith.addi %mul3A_22, %add3A_23 : i32
    "tpu.region"() ({
      %run_scoped3A = tpu.sem_alloc : memref<!tpu.dma_semaphore, #tpu.memory_space<semaphore_mem>>
      %dma_start3A_291 = arith.constant 0 : i32
      %dma_start3A_292 = tpu.memref_slice %arg17[%add3A_24, %dma_start3A_291] : memref<10240x16xf32, #tpu.memory_space<vmem_shared>> -> memref<128x16xf32, #tpu.memory_space<vmem_shared>>
      %dma_start3A_293 = arith.constant 0 : i32
      %dma_start3A_294 = tpu.memref_slice %arg17[%add3A_24, %dma_start3A_293] : memref<10240x16xf32, #tpu.memory_space<vmem_shared>> -> memref<128x16xf32, #tpu.memory_space<vmem_shared>>
      tpu.enqueue_dma source(%arg16 : memref<128x16xf32, #tpu.memory_space<vmem>>) target(%dma_start3A_294 : memref<128x16xf32, #tpu.memory_space<vmem_shared>>) target_semaphore(%run_scoped3A : memref<!tpu.dma_semaphore, #tpu.memory_space<semaphore_mem>>)
      %dma_wait3A_295 = arith.constant 0 : i32
      %dma_wait3A_296 = tpu.memref_slice %arg17[%add3A_24, %dma_wait3A_295] : memref<10240x16xf32, #tpu.memory_space<vmem_shared>> -> memref<128x16xf32, #tpu.memory_space<vmem_shared>>
      %dma_wait3A_297 = arith.constant 0 : i32
      %dma_wait3A_298 = tpu.memref_slice %arg17[%add3A_24, %dma_wait3A_297] : memref<10240x16xf32, #tpu.memory_space<vmem_shared>> -> memref<128x16xf32, #tpu.memory_space<vmem_shared>>
      tpu.wait_dma2 semaphore(%run_scoped3A : memref<!tpu.dma_semaphore, #tpu.memory_space<semaphore_mem>>) src(%arg16 : memref<128x16xf32, #tpu.memory_space<vmem>>) dst(%dma_wait3A_298 : memref<128x16xf32, #tpu.memory_space<vmem_shared>>)
      tpu.yield
    }) : () -> ()
    %mul3A_25 = arith.constant 640 : i32
    %mul3A_26 = arith.muli %arg1, %mul3A_25 : i32
    %add3A_27 = arith.constant 128 : i32
    %add3A_28 = arith.addi %mul3A_26, %add3A_27 : i32
    "tpu.region"() ({
      %run_scoped3A = tpu.sem_alloc : memref<!tpu.dma_semaphore, #tpu.memory_space<semaphore_mem>>
      %dma_start3A_291 = arith.constant 0 : i32
      %dma_start3A_292 = tpu.memref_slice %arg17[%add3A_28, %dma_start3A_291] : memref<10240x16xf32, #tpu.memory_space<vmem_shared>> -> memref<128x16xf32, #tpu.memory_space<vmem_shared>>
      %dma_start3A_293 = arith.constant 0 : i32
      %dma_start3A_294 = tpu.memref_slice %arg17[%add3A_28, %dma_start3A_293] : memref<10240x16xf32, #tpu.memory_space<vmem_shared>> -> memref<128x16xf32, #tpu.memory_space<vmem_shared>>
      tpu.enqueue_dma source(%arg16 : memref<128x16xf32, #tpu.memory_space<vmem>>) target(%dma_start3A_294 : memref<128x16xf32, #tpu.memory_space<vmem_shared>>) target_semaphore(%run_scoped3A : memref<!tpu.dma_semaphore, #tpu.memory_space<semaphore_mem>>)
      %dma_wait3A_295 = arith.constant 0 : i32
      %dma_wait3A_296 = tpu.memref_slice %arg17[%add3A_28, %dma_wait3A_295] : memref<10240x16xf32, #tpu.memory_space<vmem_shared>> -> memref<128x16xf32, #tpu.memory_space<vmem_shared>>
      %dma_wait3A_297 = arith.constant 0 : i32
      %dma_wait3A_298 = tpu.memref_slice %arg17[%add3A_28, %dma_wait3A_297] : memref<10240x16xf32, #tpu.memory_space<vmem_shared>> -> memref<128x16xf32, #tpu.memory_space<vmem_shared>>
      tpu.wait_dma2 semaphore(%run_scoped3A : memref<!tpu.dma_semaphore, #tpu.memory_space<semaphore_mem>>) src(%arg16 : memref<128x16xf32, #tpu.memory_space<vmem>>) dst(%dma_wait3A_298 : memref<128x16xf32, #tpu.memory_space<vmem_shared>>)
      tpu.yield
    }) : () -> ()
    %mul3A_29 = arith.constant 640 : i32
    %mul3A_30 = arith.muli %arg1, %mul3A_29 : i32
    %add3A_31 = arith.constant 256 : i32
    %add3A_32 = arith.addi %mul3A_30, %add3A_31 : i32
    "tpu.region"() ({
      %run_scoped3A = tpu.sem_alloc : memref<!tpu.dma_semaphore, #tpu.memory_space<semaphore_mem>>
      %dma_start3A_291 = arith.constant 0 : i32
      %dma_start3A_292 = tpu.memref_slice %arg17[%add3A_32, %dma_start3A_291] : memref<10240x16xf32, #tpu.memory_space<vmem_shared>> -> memref<128x16xf32, #tpu.memory_space<vmem_shared>>
      %dma_start3A_293 = arith.constant 0 : i32
      %dma_start3A_294 = tpu.memref_slice %arg17[%add3A_32, %dma_start3A_293] : memref<10240x16xf32, #tpu.memory_space<vmem_shared>> -> memref<128x16xf32, #tpu.memory_space<vmem_shared>>
      tpu.enqueue_dma source(%arg16 : memref<128x16xf32, #tpu.memory_space<vmem>>) target(%dma_start3A_294 : memref<128x16xf32, #tpu.memory_space<vmem_shared>>) target_semaphore(%run_scoped3A : memref<!tpu.dma_semaphore, #tpu.memory_space<semaphore_mem>>)
      %dma_wait3A_295 = arith.constant 0 : i32
      %dma_wait3A_296 = tpu.memref_slice %arg17[%add3A_32, %dma_wait3A_295] : memref<10240x16xf32, #tpu.memory_space<vmem_shared>> -> memref<128x16xf32, #tpu.memory_space<vmem_shared>>
      %dma_wait3A_297 = arith.constant 0 : i32
      %dma_wait3A_298 = tpu.memref_slice %arg17[%add3A_32, %dma_wait3A_297] : memref<10240x16xf32, #tpu.memory_space<vmem_shared>> -> memref<128x16xf32, #tpu.memory_space<vmem_shared>>
      tpu.wait_dma2 semaphore(%run_scoped3A : memref<!tpu.dma_semaphore, #tpu.memory_space<semaphore_mem>>) src(%arg16 : memref<128x16xf32, #tpu.memory_space<vmem>>) dst(%dma_wait3A_298 : memref<128x16xf32, #tpu.memory_space<vmem_shared>>)
      tpu.yield
    }) : () -> ()
    %mul3A_33 = arith.constant 640 : i32
    %mul3A_34 = arith.muli %arg1, %mul3A_33 : i32
    %add3A_35 = arith.constant 384 : i32
    %add3A_36 = arith.addi %mul3A_34, %add3A_35 : i32
    "tpu.region"() ({
      %run_scoped3A = tpu.sem_alloc : memref<!tpu.dma_semaphore, #tpu.memory_space<semaphore_mem>>
      %dma_start3A_291 = arith.constant 0 : i32
      %dma_start3A_292 = tpu.memref_slice %arg17[%add3A_36, %dma_start3A_291] : memref<10240x16xf32, #tpu.memory_space<vmem_shared>> -> memref<128x16xf32, #tpu.memory_space<vmem_shared>>
      %dma_start3A_293 = arith.constant 0 : i32
      %dma_start3A_294 = tpu.memref_slice %arg17[%add3A_36, %dma_start3A_293] : memref<10240x16xf32, #tpu.memory_space<vmem_shared>> -> memref<128x16xf32, #tpu.memory_space<vmem_shared>>
      tpu.enqueue_dma source(%arg16 : memref<128x16xf32, #tpu.memory_space<vmem>>) target(%dma_start3A_294 : memref<128x16xf32, #tpu.memory_space<vmem_shared>>) target_semaphore(%run_scoped3A : memref<!tpu.dma_semaphore, #tpu.memory_space<semaphore_mem>>)
      %dma_wait3A_295 = arith.constant 0 : i32
      %dma_wait3A_296 = tpu.memref_slice %arg17[%add3A_36, %dma_wait3A_295] : memref<10240x16xf32, #tpu.memory_space<vmem_shared>> -> memref<128x16xf32, #tpu.memory_space<vmem_shared>>
      %dma_wait3A_297 = arith.constant 0 : i32
      %dma_wait3A_298 = tpu.memref_slice %arg17[%add3A_36, %dma_wait3A_297] : memref<10240x16xf32, #tpu.memory_space<vmem_shared>> -> memref<128x16xf32, #tpu.memory_space<vmem_shared>>
      tpu.wait_dma2 semaphore(%run_scoped3A : memref<!tpu.dma_semaphore, #tpu.memory_space<semaphore_mem>>) src(%arg16 : memref<128x16xf32, #tpu.memory_space<vmem>>) dst(%dma_wait3A_298 : memref<128x16xf32, #tpu.memory_space<vmem_shared>>)
      tpu.yield
    }) : () -> ()
    %mul3A_37 = arith.constant 640 : i32
    %mul3A_38 = arith.muli %arg1, %mul3A_37 : i32
    %add3A_39 = arith.constant 512 : i32
    %add3A_40 = arith.addi %mul3A_38, %add3A_39 : i32
    "tpu.region"() ({
      %run_scoped3A = tpu.sem_alloc : memref<!tpu.dma_semaphore, #tpu.memory_space<semaphore_mem>>
      %dma_start3A_291 = arith.constant 0 : i32
      %dma_start3A_292 = tpu.memref_slice %arg17[%add3A_40, %dma_start3A_291] : memref<10240x16xf32, #tpu.memory_space<vmem_shared>> -> memref<128x16xf32, #tpu.memory_space<vmem_shared>>
      %dma_start3A_293 = arith.constant 0 : i32
      %dma_start3A_294 = tpu.memref_slice %arg17[%add3A_40, %dma_start3A_293] : memref<10240x16xf32, #tpu.memory_space<vmem_shared>> -> memref<128x16xf32, #tpu.memory_space<vmem_shared>>
      tpu.enqueue_dma source(%arg16 : memref<128x16xf32, #tpu.memory_space<vmem>>) target(%dma_start3A_294 : memref<128x16xf32, #tpu.memory_space<vmem_shared>>) target_semaphore(%run_scoped3A : memref<!tpu.dma_semaphore, #tpu.memory_space<semaphore_mem>>)
      %dma_wait3A_295 = arith.constant 0 : i32
      %dma_wait3A_296 = tpu.memref_slice %arg17[%add3A_40, %dma_wait3A_295] : memref<10240x16xf32, #tpu.memory_space<vmem_shared>> -> memref<128x16xf32, #tpu.memory_space<vmem_shared>>
      %dma_wait3A_297 = arith.constant 0 : i32
      %dma_wait3A_298 = tpu.memref_slice %arg17[%add3A_40, %dma_wait3A_297] : memref<10240x16xf32, #tpu.memory_space<vmem_shared>> -> memref<128x16xf32, #tpu.memory_space<vmem_shared>>
      tpu.wait_dma2 semaphore(%run_scoped3A : memref<!tpu.dma_semaphore, #tpu.memory_space<semaphore_mem>>) src(%arg16 : memref<128x16xf32, #tpu.memory_space<vmem>>) dst(%dma_wait3A_298 : memref<128x16xf32, #tpu.memory_space<vmem_shared>>)
      tpu.yield
    }) : () -> ()
    %dma_wait3A = arith.constant 0 : i32
    %dma_wait3A_41 = arith.constant 0 : i32
    %dma_wait3A_42 = tpu.memref_slice %arg3[%add3A, %dma_wait3A, %dma_wait3A_41] : memref<32x160x128xi32, #tpu.memory_space<hbm>> -> memref<1x160x128xi32, #tpu.memory_space<hbm>>
    %dma_wait3A_43 = tpu.memref_squeeze %dma_wait3A_42 : memref<1x160x128xi32, #tpu.memory_space<hbm>> -> memref<160x128xi32, #tpu.memory_space<hbm>>
    %dma_wait3A_44 = arith.constant 0 : i32
    %dma_wait3A_45 = arith.constant 0 : i32
    %dma_wait3A_46 = tpu.memref_slice %arg3[%add3A, %dma_wait3A_44, %dma_wait3A_45] : memref<32x160x128xi32, #tpu.memory_space<hbm>> -> memref<1x160x128xi32, #tpu.memory_space<hbm>>
    %dma_wait3A_47 = tpu.memref_squeeze %dma_wait3A_46 : memref<1x160x128xi32, #tpu.memory_space<hbm>> -> memref<160x128xi32, #tpu.memory_space<hbm>>
    tpu.wait_dma2 semaphore(%arg34 : memref<!tpu.dma_semaphore, #tpu.memory_space<semaphore_mem>>) src(%dma_wait3A_47 : memref<160x128xi32, #tpu.memory_space<hbm>>) dst(%arg6 : memref<160x128xi32, #tpu.memory_space<vmem>>)
    %dma_wait3A_48 = arith.constant 0 : i32
    %dma_wait3A_49 = arith.constant 0 : i32
    %dma_wait3A_50 = tpu.memref_slice %arg4[%add3A, %dma_wait3A_48, %dma_wait3A_49] : memref<32x160x128xi32, #tpu.memory_space<hbm>> -> memref<1x160x128xi32, #tpu.memory_space<hbm>>
    %dma_wait3A_51 = tpu.memref_squeeze %dma_wait3A_50 : memref<1x160x128xi32, #tpu.memory_space<hbm>> -> memref<160x128xi32, #tpu.memory_space<hbm>>
    %dma_wait3A_52 = arith.constant 0 : i32
    %dma_wait3A_53 = arith.constant 0 : i32
    %dma_wait3A_54 = tpu.memref_slice %arg4[%add3A, %dma_wait3A_52, %dma_wait3A_53] : memref<32x160x128xi32, #tpu.memory_space<hbm>> -> memref<1x160x128xi32, #tpu.memory_space<hbm>>
    %dma_wait3A_55 = tpu.memref_squeeze %dma_wait3A_54 : memref<1x160x128xi32, #tpu.memory_space<hbm>> -> memref<160x128xi32, #tpu.memory_space<hbm>>
    tpu.wait_dma2 semaphore(%arg34 : memref<!tpu.dma_semaphore, #tpu.memory_space<semaphore_mem>>) src(%dma_wait3A_55 : memref<160x128xi32, #tpu.memory_space<hbm>>) dst(%arg7 : memref<160x128xi32, #tpu.memory_space<vmem>>)
    %barrier3A = arith.constant 0 : index
    tpu.barrier barrier_id(%barrier3A)
    %dma_start3A_56 = arith.constant 0 : i32
    %dma_start3A_57 = arith.constant 0 : i32
    %dma_start3A_58 = tpu.memref_slice %arg7[%dma_start3A_56, %dma_start3A_57] : memref<160x128xi32, #tpu.memory_space<vmem>> -> memref<1x128xi32, #tpu.memory_space<vmem>>
    %dma_start3A_59 = tpu.memref_squeeze %dma_start3A_58 : memref<1x128xi32, #tpu.memory_space<vmem>> -> memref<128xi32, #tpu.memory_space<vmem>>
    %dma_start3A_60 = arith.constant 0 : i32
    %dma_start3A_61 = arith.constant 0 : i32
    %dma_start3A_62 = tpu.memref_slice %arg2[%dma_start3A_60, %dma_start3A_61] : memref<10000x16xf32, #tpu.memory_space<hbm>> -> memref<10000x16xf32, #tpu.memory_space<hbm>>
    tpu.enqueue_indirect_dma source(%dma_start3A_62 : memref<10000x16xf32, #tpu.memory_space<hbm>>) target(%arg8 : memref<128x16xf32, #tpu.memory_space<vmem>>) offsets(%dma_start3A_59 : memref<128xi32, #tpu.memory_space<vmem>>) semaphore(%arg18 : memref<!tpu.dma_semaphore, #tpu.memory_space<semaphore_mem>>)
    %dma_start3A_63 = arith.constant 1 : i32
    %dma_start3A_64 = arith.constant 0 : i32
    %dma_start3A_65 = tpu.memref_slice %arg7[%dma_start3A_63, %dma_start3A_64] : memref<160x128xi32, #tpu.memory_space<vmem>> -> memref<1x128xi32, #tpu.memory_space<vmem>>
    %dma_start3A_66 = tpu.memref_squeeze %dma_start3A_65 : memref<1x128xi32, #tpu.memory_space<vmem>> -> memref<128xi32, #tpu.memory_space<vmem>>
    %dma_start3A_67 = arith.constant 0 : i32
    %dma_start3A_68 = arith.constant 0 : i32
    %dma_start3A_69 = tpu.memref_slice %arg2[%dma_start3A_67, %dma_start3A_68] : memref<10000x16xf32, #tpu.memory_space<hbm>> -> memref<10000x16xf32, #tpu.memory_space<hbm>>
    tpu.enqueue_indirect_dma source(%dma_start3A_69 : memref<10000x16xf32, #tpu.memory_space<hbm>>) target(%arg9 : memref<128x16xf32, #tpu.memory_space<vmem>>) offsets(%dma_start3A_66 : memref<128xi32, #tpu.memory_space<vmem>>) semaphore(%arg19 : memref<!tpu.dma_semaphore, #tpu.memory_space<semaphore_mem>>)
    %dma_start3A_70 = arith.constant 2 : i32
    %dma_start3A_71 = arith.constant 0 : i32
    %dma_start3A_72 = tpu.memref_slice %arg7[%dma_start3A_70, %dma_start3A_71] : memref<160x128xi32, #tpu.memory_space<vmem>> -> memref<1x128xi32, #tpu.memory_space<vmem>>
    %dma_start3A_73 = tpu.memref_squeeze %dma_start3A_72 : memref<1x128xi32, #tpu.memory_space<vmem>> -> memref<128xi32, #tpu.memory_space<vmem>>
    %dma_start3A_74 = arith.constant 0 : i32
    %dma_start3A_75 = arith.constant 0 : i32
    %dma_start3A_76 = tpu.memref_slice %arg2[%dma_start3A_74, %dma_start3A_75] : memref<10000x16xf32, #tpu.memory_space<hbm>> -> memref<10000x16xf32, #tpu.memory_space<hbm>>
    tpu.enqueue_indirect_dma source(%dma_start3A_76 : memref<10000x16xf32, #tpu.memory_space<hbm>>) target(%arg10 : memref<128x16xf32, #tpu.memory_space<vmem>>) offsets(%dma_start3A_73 : memref<128xi32, #tpu.memory_space<vmem>>) semaphore(%arg20 : memref<!tpu.dma_semaphore, #tpu.memory_space<semaphore_mem>>)
    %dma_start3A_77 = arith.constant 3 : i32
    %dma_start3A_78 = arith.constant 0 : i32
    %dma_start3A_79 = tpu.memref_slice %arg7[%dma_start3A_77, %dma_start3A_78] : memref<160x128xi32, #tpu.memory_space<vmem>> -> memref<1x128xi32, #tpu.memory_space<vmem>>
    %dma_start3A_80 = tpu.memref_squeeze %dma_start3A_79 : memref<1x128xi32, #tpu.memory_space<vmem>> -> memref<128xi32, #tpu.memory_space<vmem>>
    %dma_start3A_81 = arith.constant 0 : i32
    %dma_start3A_82 = arith.constant 0 : i32
    %dma_start3A_83 = tpu.memref_slice %arg2[%dma_start3A_81, %dma_start3A_82] : memref<10000x16xf32, #tpu.memory_space<hbm>> -> memref<10000x16xf32, #tpu.memory_space<hbm>>
    tpu.enqueue_indirect_dma source(%dma_start3A_83 : memref<10000x16xf32, #tpu.memory_space<hbm>>) target(%arg11 : memref<128x16xf32, #tpu.memory_space<vmem>>) offsets(%dma_start3A_80 : memref<128xi32, #tpu.memory_space<vmem>>) semaphore(%arg21 : memref<!tpu.dma_semaphore, #tpu.memory_space<semaphore_mem>>)
    %dma_start3A_84 = arith.constant 4 : i32
    %dma_start3A_85 = arith.constant 0 : i32
    %dma_start3A_86 = tpu.memref_slice %arg7[%dma_start3A_84, %dma_start3A_85] : memref<160x128xi32, #tpu.memory_space<vmem>> -> memref<1x128xi32, #tpu.memory_space<vmem>>
    %dma_start3A_87 = tpu.memref_squeeze %dma_start3A_86 : memref<1x128xi32, #tpu.memory_space<vmem>> -> memref<128xi32, #tpu.memory_space<vmem>>
    %dma_start3A_88 = arith.constant 0 : i32
    %dma_start3A_89 = arith.constant 0 : i32
    %dma_start3A_90 = tpu.memref_slice %arg2[%dma_start3A_88, %dma_start3A_89] : memref<10000x16xf32, #tpu.memory_space<hbm>> -> memref<10000x16xf32, #tpu.memory_space<hbm>>
    tpu.enqueue_indirect_dma source(%dma_start3A_90 : memref<10000x16xf32, #tpu.memory_space<hbm>>) target(%arg12 : memref<128x16xf32, #tpu.memory_space<vmem>>) offsets(%dma_start3A_87 : memref<128xi32, #tpu.memory_space<vmem>>) semaphore(%arg22 : memref<!tpu.dma_semaphore, #tpu.memory_space<semaphore_mem>>)
    %dma_start3A_91 = arith.constant 5 : i32
    %dma_start3A_92 = arith.constant 0 : i32
    %dma_start3A_93 = tpu.memref_slice %arg7[%dma_start3A_91, %dma_start3A_92] : memref<160x128xi32, #tpu.memory_space<vmem>> -> memref<1x128xi32, #tpu.memory_space<vmem>>
    %dma_start3A_94 = tpu.memref_squeeze %dma_start3A_93 : memref<1x128xi32, #tpu.memory_space<vmem>> -> memref<128xi32, #tpu.memory_space<vmem>>
    %dma_start3A_95 = arith.constant 0 : i32
    %dma_start3A_96 = arith.constant 0 : i32
    %dma_start3A_97 = tpu.memref_slice %arg2[%dma_start3A_95, %dma_start3A_96] : memref<10000x16xf32, #tpu.memory_space<hbm>> -> memref<10000x16xf32, #tpu.memory_space<hbm>>
    tpu.enqueue_indirect_dma source(%dma_start3A_97 : memref<10000x16xf32, #tpu.memory_space<hbm>>) target(%arg13 : memref<128x16xf32, #tpu.memory_space<vmem>>) offsets(%dma_start3A_94 : memref<128xi32, #tpu.memory_space<vmem>>) semaphore(%arg23 : memref<!tpu.dma_semaphore, #tpu.memory_space<semaphore_mem>>)
    %dma_start3A_98 = arith.constant 6 : i32
    %dma_start3A_99 = arith.constant 0 : i32
    %dma_start3A_100 = tpu.memref_slice %arg7[%dma_start3A_98, %dma_start3A_99] : memref<160x128xi32, #tpu.memory_space<vmem>> -> memref<1x128xi32, #tpu.memory_space<vmem>>
    %dma_start3A_101 = tpu.memref_squeeze %dma_start3A_100 : memref<1x128xi32, #tpu.memory_space<vmem>> -> memref<128xi32, #tpu.memory_space<vmem>>
    %dma_start3A_102 = arith.constant 0 : i32
    %dma_start3A_103 = arith.constant 0 : i32
    %dma_start3A_104 = tpu.memref_slice %arg2[%dma_start3A_102, %dma_start3A_103] : memref<10000x16xf32, #tpu.memory_space<hbm>> -> memref<10000x16xf32, #tpu.memory_space<hbm>>
    tpu.enqueue_indirect_dma source(%dma_start3A_104 : memref<10000x16xf32, #tpu.memory_space<hbm>>) target(%arg14 : memref<128x16xf32, #tpu.memory_space<vmem>>) offsets(%dma_start3A_101 : memref<128xi32, #tpu.memory_space<vmem>>) semaphore(%arg24 : memref<!tpu.dma_semaphore, #tpu.memory_space<semaphore_mem>>)
    %dma_start3A_105 = arith.constant 7 : i32
    %dma_start3A_106 = arith.constant 0 : i32
    %dma_start3A_107 = tpu.memref_slice %arg7[%dma_start3A_105, %dma_start3A_106] : memref<160x128xi32, #tpu.memory_space<vmem>> -> memref<1x128xi32, #tpu.memory_space<vmem>>
    %dma_start3A_108 = tpu.memref_squeeze %dma_start3A_107 : memref<1x128xi32, #tpu.memory_space<vmem>> -> memref<128xi32, #tpu.memory_space<vmem>>
    %dma_start3A_109 = arith.constant 0 : i32
    %dma_start3A_110 = arith.constant 0 : i32
    %dma_start3A_111 = tpu.memref_slice %arg2[%dma_start3A_109, %dma_start3A_110] : memref<10000x16xf32, #tpu.memory_space<hbm>> -> memref<10000x16xf32, #tpu.memory_space<hbm>>
    tpu.enqueue_indirect_dma source(%dma_start3A_111 : memref<10000x16xf32, #tpu.memory_space<hbm>>) target(%arg15 : memref<128x16xf32, #tpu.memory_space<vmem>>) offsets(%dma_start3A_108 : memref<128xi32, #tpu.memory_space<vmem>>) semaphore(%arg25 : memref<!tpu.dma_semaphore, #tpu.memory_space<semaphore_mem>>)
    %scan3A_112 = arith.constant 0 : i32
    %scan3A_113 = arith.constant 0 : i32
    %scan3A_114 = arith.constant 19 : i32
    %scan3A_115 = arith.addi %scan3A_113, %scan3A_114 : i32
    %scan3A_116 = arith.constant 1 : i32
    scf.for %scan3A_291 = %scan3A_113 to %scan3A_115 step %scan3A_116  : i32 {
      %mul3A_292 = arith.constant 8 : i32
      %mul3A_293 = arith.muli %scan3A_291, %mul3A_292 : i32
      %dma_wait3A_294 = arith.constant 0 : i32
      %dma_wait3A_295 = arith.constant 0 : i32
      %dma_wait3A_296 = tpu.memref_slice %arg7[%dma_wait3A_294, %dma_wait3A_295] : memref<160x128xi32, #tpu.memory_space<vmem>> -> memref<1x128xi32, #tpu.memory_space<vmem>>
      %dma_wait3A_297 = tpu.memref_squeeze %dma_wait3A_296 : memref<1x128xi32, #tpu.memory_space<vmem>> -> memref<128xi32, #tpu.memory_space<vmem>>
      %dma_wait3A_298 = arith.constant 0 : i32
      %dma_wait3A_299 = arith.constant 0 : i32
      %dma_wait3A_300 = tpu.memref_slice %arg2[%dma_wait3A_298, %dma_wait3A_299] : memref<10000x16xf32, #tpu.memory_space<hbm>> -> memref<10000x16xf32, #tpu.memory_space<hbm>>
      tpu.wait_indirect_dma semaphore(%arg18 : memref<!tpu.dma_semaphore, #tpu.memory_space<semaphore_mem>>) src(%dma_wait3A_300 : memref<10000x16xf32, #tpu.memory_space<hbm>>) dst(%arg8 : memref<128x16xf32, #tpu.memory_space<vmem>>)
      %add3A_301 = arith.constant 0 : i32
      %add3A_302 = arith.addi %mul3A_293, %add3A_301 : i32
      %dma_start3A_303 = arith.constant 0 : i32
      %dma_start3A_304 = tpu.memref_slice %arg6[%add3A_302, %dma_start3A_303] : memref<160x128xi32, #tpu.memory_space<vmem>> -> memref<1x128xi32, #tpu.memory_space<vmem>>
      %dma_start3A_305 = tpu.memref_squeeze %dma_start3A_304 : memref<1x128xi32, #tpu.memory_space<vmem>> -> memref<128xi32, #tpu.memory_space<vmem>>
      %dma_start3A_306 = arith.constant 0 : i32
      %dma_start3A_307 = arith.constant 0 : i32
      %dma_start3A_308 = tpu.memref_slice %arg17[%dma_start3A_306, %dma_start3A_307] : memref<10240x16xf32, #tpu.memory_space<vmem_shared>> -> memref<10240x16xf32, #tpu.memory_space<vmem_shared>>
      tpu.enqueue_indirect_dma source(%arg8 : memref<128x16xf32, #tpu.memory_space<vmem>>) target(%dma_start3A_308 : memref<10240x16xf32, #tpu.memory_space<vmem_shared>>) offsets(%dma_start3A_305 : memref<128xi32, #tpu.memory_space<vmem>>) semaphore(%arg26 : memref<!tpu.dma_semaphore, #tpu.memory_space<semaphore_mem>>) {add = true}
      %dma_wait3A_309 = arith.constant 0 : i32
      %dma_wait3A_310 = arith.constant 0 : i32
      %dma_wait3A_311 = tpu.memref_slice %arg7[%dma_wait3A_309, %dma_wait3A_310] : memref<160x128xi32, #tpu.memory_space<vmem>> -> memref<1x128xi32, #tpu.memory_space<vmem>>
      %dma_wait3A_312 = tpu.memref_squeeze %dma_wait3A_311 : memref<1x128xi32, #tpu.memory_space<vmem>> -> memref<128xi32, #tpu.memory_space<vmem>>
      %dma_wait3A_313 = arith.constant 0 : i32
      %dma_wait3A_314 = arith.constant 0 : i32
      %dma_wait3A_315 = tpu.memref_slice %arg2[%dma_wait3A_313, %dma_wait3A_314] : memref<10000x16xf32, #tpu.memory_space<hbm>> -> memref<10000x16xf32, #tpu.memory_space<hbm>>
      tpu.wait_indirect_dma semaphore(%arg19 : memref<!tpu.dma_semaphore, #tpu.memory_space<semaphore_mem>>) src(%dma_wait3A_315 : memref<10000x16xf32, #tpu.memory_space<hbm>>) dst(%arg9 : memref<128x16xf32, #tpu.memory_space<vmem>>)
      %add3A_316 = arith.constant 1 : i32
      %add3A_317 = arith.addi %mul3A_293, %add3A_316 : i32
      %dma_start3A_318 = arith.constant 0 : i32
      %dma_start3A_319 = tpu.memref_slice %arg6[%add3A_317, %dma_start3A_318] : memref<160x128xi32, #tpu.memory_space<vmem>> -> memref<1x128xi32, #tpu.memory_space<vmem>>
      %dma_start3A_320 = tpu.memref_squeeze %dma_start3A_319 : memref<1x128xi32, #tpu.memory_space<vmem>> -> memref<128xi32, #tpu.memory_space<vmem>>
      %dma_start3A_321 = arith.constant 0 : i32
      %dma_start3A_322 = arith.constant 0 : i32
      %dma_start3A_323 = tpu.memref_slice %arg17[%dma_start3A_321, %dma_start3A_322] : memref<10240x16xf32, #tpu.memory_space<vmem_shared>> -> memref<10240x16xf32, #tpu.memory_space<vmem_shared>>
      tpu.enqueue_indirect_dma source(%arg9 : memref<128x16xf32, #tpu.memory_space<vmem>>) target(%dma_start3A_323 : memref<10240x16xf32, #tpu.memory_space<vmem_shared>>) offsets(%dma_start3A_320 : memref<128xi32, #tpu.memory_space<vmem>>) semaphore(%arg27 : memref<!tpu.dma_semaphore, #tpu.memory_space<semaphore_mem>>) {add = true}
      %dma_wait3A_324 = arith.constant 0 : i32
      %dma_wait3A_325 = arith.constant 0 : i32
      %dma_wait3A_326 = tpu.memref_slice %arg7[%dma_wait3A_324, %dma_wait3A_325] : memref<160x128xi32, #tpu.memory_space<vmem>> -> memref<1x128xi32, #tpu.memory_space<vmem>>
      %dma_wait3A_327 = tpu.memref_squeeze %dma_wait3A_326 : memref<1x128xi32, #tpu.memory_space<vmem>> -> memref<128xi32, #tpu.memory_space<vmem>>
      %dma_wait3A_328 = arith.constant 0 : i32
      %dma_wait3A_329 = arith.constant 0 : i32
      %dma_wait3A_330 = tpu.memref_slice %arg2[%dma_wait3A_328, %dma_wait3A_329] : memref<10000x16xf32, #tpu.memory_space<hbm>> -> memref<10000x16xf32, #tpu.memory_space<hbm>>
      tpu.wait_indirect_dma semaphore(%arg20 : memref<!tpu.dma_semaphore, #tpu.memory_space<semaphore_mem>>) src(%dma_wait3A_330 : memref<10000x16xf32, #tpu.memory_space<hbm>>) dst(%arg10 : memref<128x16xf32, #tpu.memory_space<vmem>>)
      %add3A_331 = arith.constant 2 : i32
      %add3A_332 = arith.addi %mul3A_293, %add3A_331 : i32
      %dma_start3A_333 = arith.constant 0 : i32
      %dma_start3A_334 = tpu.memref_slice %arg6[%add3A_332, %dma_start3A_333] : memref<160x128xi32, #tpu.memory_space<vmem>> -> memref<1x128xi32, #tpu.memory_space<vmem>>
      %dma_start3A_335 = tpu.memref_squeeze %dma_start3A_334 : memref<1x128xi32, #tpu.memory_space<vmem>> -> memref<128xi32, #tpu.memory_space<vmem>>
      %dma_start3A_336 = arith.constant 0 : i32
      %dma_start3A_337 = arith.constant 0 : i32
      %dma_start3A_338 = tpu.memref_slice %arg17[%dma_start3A_336, %dma_start3A_337] : memref<10240x16xf32, #tpu.memory_space<vmem_shared>> -> memref<10240x16xf32, #tpu.memory_space<vmem_shared>>
      tpu.enqueue_indirect_dma source(%arg10 : memref<128x16xf32, #tpu.memory_space<vmem>>) target(%dma_start3A_338 : memref<10240x16xf32, #tpu.memory_space<vmem_shared>>) offsets(%dma_start3A_335 : memref<128xi32, #tpu.memory_space<vmem>>) semaphore(%arg28 : memref<!tpu.dma_semaphore, #tpu.memory_space<semaphore_mem>>) {add = true}
      %dma_wait3A_339 = arith.constant 0 : i32
      %dma_wait3A_340 = arith.constant 0 : i32
      %dma_wait3A_341 = tpu.memref_slice %arg7[%dma_wait3A_339, %dma_wait3A_340] : memref<160x128xi32, #tpu.memory_space<vmem>> -> memref<1x128xi32, #tpu.memory_space<vmem>>
      %dma_wait3A_342 = tpu.memref_squeeze %dma_wait3A_341 : memref<1x128xi32, #tpu.memory_space<vmem>> -> memref<128xi32, #tpu.memory_space<vmem>>
      %dma_wait3A_343 = arith.constant 0 : i32
      %dma_wait3A_344 = arith.constant 0 : i32
      %dma_wait3A_345 = tpu.memref_slice %arg2[%dma_wait3A_343, %dma_wait3A_344] : memref<10000x16xf32, #tpu.memory_space<hbm>> -> memref<10000x16xf32, #tpu.memory_space<hbm>>
      tpu.wait_indirect_dma semaphore(%arg21 : memref<!tpu.dma_semaphore, #tpu.memory_space<semaphore_mem>>) src(%dma_wait3A_345 : memref<10000x16xf32, #tpu.memory_space<hbm>>) dst(%arg11 : memref<128x16xf32, #tpu.memory_space<vmem>>)
      %add3A_346 = arith.constant 3 : i32
      %add3A_347 = arith.addi %mul3A_293, %add3A_346 : i32
      %dma_start3A_348 = arith.constant 0 : i32
      %dma_start3A_349 = tpu.memref_slice %arg6[%add3A_347, %dma_start3A_348] : memref<160x128xi32, #tpu.memory_space<vmem>> -> memref<1x128xi32, #tpu.memory_space<vmem>>
      %dma_start3A_350 = tpu.memref_squeeze %dma_start3A_349 : memref<1x128xi32, #tpu.memory_space<vmem>> -> memref<128xi32, #tpu.memory_space<vmem>>
      %dma_start3A_351 = arith.constant 0 : i32
      %dma_start3A_352 = arith.constant 0 : i32
      %dma_start3A_353 = tpu.memref_slice %arg17[%dma_start3A_351, %dma_start3A_352] : memref<10240x16xf32, #tpu.memory_space<vmem_shared>> -> memref<10240x16xf32, #tpu.memory_space<vmem_shared>>
      tpu.enqueue_indirect_dma source(%arg11 : memref<128x16xf32, #tpu.memory_space<vmem>>) target(%dma_start3A_353 : memref<10240x16xf32, #tpu.memory_space<vmem_shared>>) offsets(%dma_start3A_350 : memref<128xi32, #tpu.memory_space<vmem>>) semaphore(%arg29 : memref<!tpu.dma_semaphore, #tpu.memory_space<semaphore_mem>>) {add = true}
      %dma_wait3A_354 = arith.constant 0 : i32
      %dma_wait3A_355 = arith.constant 0 : i32
      %dma_wait3A_356 = tpu.memref_slice %arg7[%dma_wait3A_354, %dma_wait3A_355] : memref<160x128xi32, #tpu.memory_space<vmem>> -> memref<1x128xi32, #tpu.memory_space<vmem>>
      %dma_wait3A_357 = tpu.memref_squeeze %dma_wait3A_356 : memref<1x128xi32, #tpu.memory_space<vmem>> -> memref<128xi32, #tpu.memory_space<vmem>>
      %dma_wait3A_358 = arith.constant 0 : i32
      %dma_wait3A_359 = arith.constant 0 : i32
      %dma_wait3A_360 = tpu.memref_slice %arg2[%dma_wait3A_358, %dma_wait3A_359] : memref<10000x16xf32, #tpu.memory_space<hbm>> -> memref<10000x16xf32, #tpu.memory_space<hbm>>
      tpu.wait_indirect_dma semaphore(%arg22 : memref<!tpu.dma_semaphore, #tpu.memory_space<semaphore_mem>>) src(%dma_wait3A_360 : memref<10000x16xf32, #tpu.memory_space<hbm>>) dst(%arg12 : memref<128x16xf32, #tpu.memory_space<vmem>>)
      %add3A_361 = arith.constant 4 : i32
      %add3A_362 = arith.addi %mul3A_293, %add3A_361 : i32
      %dma_start3A_363 = arith.constant 0 : i32
      %dma_start3A_364 = tpu.memref_slice %arg6[%add3A_362, %dma_start3A_363] : memref<160x128xi32, #tpu.memory_space<vmem>> -> memref<1x128xi32, #tpu.memory_space<vmem>>
      %dma_start3A_365 = tpu.memref_squeeze %dma_start3A_364 : memref<1x128xi32, #tpu.memory_space<vmem>> -> memref<128xi32, #tpu.memory_space<vmem>>
      %dma_start3A_366 = arith.constant 0 : i32
      %dma_start3A_367 = arith.constant 0 : i32
      %dma_start3A_368 = tpu.memref_slice %arg17[%dma_start3A_366, %dma_start3A_367] : memref<10240x16xf32, #tpu.memory_space<vmem_shared>> -> memref<10240x16xf32, #tpu.memory_space<vmem_shared>>
      tpu.enqueue_indirect_dma source(%arg12 : memref<128x16xf32, #tpu.memory_space<vmem>>) target(%dma_start3A_368 : memref<10240x16xf32, #tpu.memory_space<vmem_shared>>) offsets(%dma_start3A_365 : memref<128xi32, #tpu.memory_space<vmem>>) semaphore(%arg30 : memref<!tpu.dma_semaphore, #tpu.memory_space<semaphore_mem>>) {add = true}
      %dma_wait3A_369 = arith.constant 0 : i32
      %dma_wait3A_370 = arith.constant 0 : i32
      %dma_wait3A_371 = tpu.memref_slice %arg7[%dma_wait3A_369, %dma_wait3A_370] : memref<160x128xi32, #tpu.memory_space<vmem>> -> memref<1x128xi32, #tpu.memory_space<vmem>>
      %dma_wait3A_372 = tpu.memref_squeeze %dma_wait3A_371 : memref<1x128xi32, #tpu.memory_space<vmem>> -> memref<128xi32, #tpu.memory_space<vmem>>
      %dma_wait3A_373 = arith.constant 0 : i32
      %dma_wait3A_374 = arith.constant 0 : i32
      %dma_wait3A_375 = tpu.memref_slice %arg2[%dma_wait3A_373, %dma_wait3A_374] : memref<10000x16xf32, #tpu.memory_space<hbm>> -> memref<10000x16xf32, #tpu.memory_space<hbm>>
      tpu.wait_indirect_dma semaphore(%arg23 : memref<!tpu.dma_semaphore, #tpu.memory_space<semaphore_mem>>) src(%dma_wait3A_375 : memref<10000x16xf32, #tpu.memory_space<hbm>>) dst(%arg13 : memref<128x16xf32, #tpu.memory_space<vmem>>)
      %add3A_376 = arith.constant 5 : i32
      %add3A_377 = arith.addi %mul3A_293, %add3A_376 : i32
      %dma_start3A_378 = arith.constant 0 : i32
      %dma_start3A_379 = tpu.memref_slice %arg6[%add3A_377, %dma_start3A_378] : memref<160x128xi32, #tpu.memory_space<vmem>> -> memref<1x128xi32, #tpu.memory_space<vmem>>
      %dma_start3A_380 = tpu.memref_squeeze %dma_start3A_379 : memref<1x128xi32, #tpu.memory_space<vmem>> -> memref<128xi32, #tpu.memory_space<vmem>>
      %dma_start3A_381 = arith.constant 0 : i32
      %dma_start3A_382 = arith.constant 0 : i32
      %dma_start3A_383 = tpu.memref_slice %arg17[%dma_start3A_381, %dma_start3A_382] : memref<10240x16xf32, #tpu.memory_space<vmem_shared>> -> memref<10240x16xf32, #tpu.memory_space<vmem_shared>>
      tpu.enqueue_indirect_dma source(%arg13 : memref<128x16xf32, #tpu.memory_space<vmem>>) target(%dma_start3A_383 : memref<10240x16xf32, #tpu.memory_space<vmem_shared>>) offsets(%dma_start3A_380 : memref<128xi32, #tpu.memory_space<vmem>>) semaphore(%arg31 : memref<!tpu.dma_semaphore, #tpu.memory_space<semaphore_mem>>) {add = true}
      %dma_wait3A_384 = arith.constant 0 : i32
      %dma_wait3A_385 = arith.constant 0 : i32
      %dma_wait3A_386 = tpu.memref_slice %arg7[%dma_wait3A_384, %dma_wait3A_385] : memref<160x128xi32, #tpu.memory_space<vmem>> -> memref<1x128xi32, #tpu.memory_space<vmem>>
      %dma_wait3A_387 = tpu.memref_squeeze %dma_wait3A_386 : memref<1x128xi32, #tpu.memory_space<vmem>> -> memref<128xi32, #tpu.memory_space<vmem>>
      %dma_wait3A_388 = arith.constant 0 : i32
      %dma_wait3A_389 = arith.constant 0 : i32
      %dma_wait3A_390 = tpu.memref_slice %arg2[%dma_wait3A_388, %dma_wait3A_389] : memref<10000x16xf32, #tpu.memory_space<hbm>> -> memref<10000x16xf32, #tpu.memory_space<hbm>>
      tpu.wait_indirect_dma semaphore(%arg24 : memref<!tpu.dma_semaphore, #tpu.memory_space<semaphore_mem>>) src(%dma_wait3A_390 : memref<10000x16xf32, #tpu.memory_space<hbm>>) dst(%arg14 : memref<128x16xf32, #tpu.memory_space<vmem>>)
      %add3A_391 = arith.constant 6 : i32
      %add3A_392 = arith.addi %mul3A_293, %add3A_391 : i32
      %dma_start3A_393 = arith.constant 0 : i32
      %dma_start3A_394 = tpu.memref_slice %arg6[%add3A_392, %dma_start3A_393] : memref<160x128xi32, #tpu.memory_space<vmem>> -> memref<1x128xi32, #tpu.memory_space<vmem>>
      %dma_start3A_395 = tpu.memref_squeeze %dma_start3A_394 : memref<1x128xi32, #tpu.memory_space<vmem>> -> memref<128xi32, #tpu.memory_space<vmem>>
      %dma_start3A_396 = arith.constant 0 : i32
      %dma_start3A_397 = arith.constant 0 : i32
      %dma_start3A_398 = tpu.memref_slice %arg17[%dma_start3A_396, %dma_start3A_397] : memref<10240x16xf32, #tpu.memory_space<vmem_shared>> -> memref<10240x16xf32, #tpu.memory_space<vmem_shared>>
      tpu.enqueue_indirect_dma source(%arg14 : memref<128x16xf32, #tpu.memory_space<vmem>>) target(%dma_start3A_398 : memref<10240x16xf32, #tpu.memory_space<vmem_shared>>) offsets(%dma_start3A_395 : memref<128xi32, #tpu.memory_space<vmem>>) semaphore(%arg32 : memref<!tpu.dma_semaphore, #tpu.memory_space<semaphore_mem>>) {add = true}
      %dma_wait3A_399 = arith.constant 0 : i32
      %dma_wait3A_400 = arith.constant 0 : i32
      %dma_wait3A_401 = tpu.memref_slice %arg7[%dma_wait3A_399, %dma_wait3A_400] : memref<160x128xi32, #tpu.memory_space<vmem>> -> memref<1x128xi32, #tpu.memory_space<vmem>>
      %dma_wait3A_402 = tpu.memref_squeeze %dma_wait3A_401 : memref<1x128xi32, #tpu.memory_space<vmem>> -> memref<128xi32, #tpu.memory_space<vmem>>
      %dma_wait3A_403 = arith.constant 0 : i32
      %dma_wait3A_404 = arith.constant 0 : i32
      %dma_wait3A_405 = tpu.memref_slice %arg2[%dma_wait3A_403, %dma_wait3A_404] : memref<10000x16xf32, #tpu.memory_space<hbm>> -> memref<10000x16xf32, #tpu.memory_space<hbm>>
      tpu.wait_indirect_dma semaphore(%arg25 : memref<!tpu.dma_semaphore, #tpu.memory_space<semaphore_mem>>) src(%dma_wait3A_405 : memref<10000x16xf32, #tpu.memory_space<hbm>>) dst(%arg15 : memref<128x16xf32, #tpu.memory_space<vmem>>)
      %add3A_406 = arith.constant 7 : i32
      %add3A_407 = arith.addi %mul3A_293, %add3A_406 : i32
      %dma_start3A_408 = arith.constant 0 : i32
      %dma_start3A_409 = tpu.memref_slice %arg6[%add3A_407, %dma_start3A_408] : memref<160x128xi32, #tpu.memory_space<vmem>> -> memref<1x128xi32, #tpu.memory_space<vmem>>
      %dma_start3A_410 = tpu.memref_squeeze %dma_start3A_409 : memref<1x128xi32, #tpu.memory_space<vmem>> -> memref<128xi32, #tpu.memory_space<vmem>>
      %dma_start3A_411 = arith.constant 0 : i32
      %dma_start3A_412 = arith.constant 0 : i32
      %dma_start3A_413 = tpu.memref_slice %arg17[%dma_start3A_411, %dma_start3A_412] : memref<10240x16xf32, #tpu.memory_space<vmem_shared>> -> memref<10240x16xf32, #tpu.memory_space<vmem_shared>>
      tpu.enqueue_indirect_dma source(%arg15 : memref<128x16xf32, #tpu.memory_space<vmem>>) target(%dma_start3A_413 : memref<10240x16xf32, #tpu.memory_space<vmem_shared>>) offsets(%dma_start3A_410 : memref<128xi32, #tpu.memory_space<vmem>>) semaphore(%arg33 : memref<!tpu.dma_semaphore, #tpu.memory_space<semaphore_mem>>) {add = true}
      %dma_wait3A_414 = arith.constant 0 : i32
      %dma_wait3A_415 = arith.constant 0 : i32
      %dma_wait3A_416 = tpu.memref_slice %arg6[%dma_wait3A_414, %dma_wait3A_415] : memref<160x128xi32, #tpu.memory_space<vmem>> -> memref<1x128xi32, #tpu.memory_space<vmem>>
      %dma_wait3A_417 = tpu.memref_squeeze %dma_wait3A_416 : memref<1x128xi32, #tpu.memory_space<vmem>> -> memref<128xi32, #tpu.memory_space<vmem>>
      %dma_wait3A_418 = arith.constant 0 : i32
      %dma_wait3A_419 = arith.constant 0 : i32
      %dma_wait3A_420 = tpu.memref_slice %arg17[%dma_wait3A_418, %dma_wait3A_419] : memref<10240x16xf32, #tpu.memory_space<vmem_shared>> -> memref<10240x16xf32, #tpu.memory_space<vmem_shared>>
      tpu.wait_indirect_dma semaphore(%arg26 : memref<!tpu.dma_semaphore, #tpu.memory_space<semaphore_mem>>) src(%arg8 : memref<128x16xf32, #tpu.memory_space<vmem>>) dst(%dma_wait3A_420 : memref<10240x16xf32, #tpu.memory_space<vmem_shared>>)
      %add3A_421 = arith.constant 8 : i32
      %add3A_422 = arith.addi %mul3A_293, %add3A_421 : i32
      %add3A_423 = arith.constant 0 : i32
      %add3A_424 = arith.addi %add3A_422, %add3A_423 : i32
      %dma_start3A_425 = arith.constant 0 : i32
      %dma_start3A_426 = tpu.memref_slice %arg7[%add3A_424, %dma_start3A_425] : memref<160x128xi32, #tpu.memory_space<vmem>> -> memref<1x128xi32, #tpu.memory_space<vmem>>
      %dma_start3A_427 = tpu.memref_squeeze %dma_start3A_426 : memref<1x128xi32, #tpu.memory_space<vmem>> -> memref<128xi32, #tpu.memory_space<vmem>>
      %dma_start3A_428 = arith.constant 0 : i32
      %dma_start3A_429 = arith.constant 0 : i32
      %dma_start3A_430 = tpu.memref_slice %arg2[%dma_start3A_428, %dma_start3A_429] : memref<10000x16xf32, #tpu.memory_space<hbm>> -> memref<10000x16xf32, #tpu.memory_space<hbm>>
      tpu.enqueue_indirect_dma source(%dma_start3A_430 : memref<10000x16xf32, #tpu.memory_space<hbm>>) target(%arg8 : memref<128x16xf32, #tpu.memory_space<vmem>>) offsets(%dma_start3A_427 : memref<128xi32, #tpu.memory_space<vmem>>) semaphore(%arg18 : memref<!tpu.dma_semaphore, #tpu.memory_space<semaphore_mem>>)
      %dma_wait3A_431 = arith.constant 0 : i32
      %dma_wait3A_432 = arith.constant 0 : i32
      %dma_wait3A_433 = tpu.memref_slice %arg6[%dma_wait3A_431, %dma_wait3A_432] : memref<160x128xi32, #tpu.memory_space<vmem>> -> memref<1x128xi32, #tpu.memory_space<vmem>>
      %dma_wait3A_434 = tpu.memref_squeeze %dma_wait3A_433 : memref<1x128xi32, #tpu.memory_space<vmem>> -> memref<128xi32, #tpu.memory_space<vmem>>
      %dma_wait3A_435 = arith.constant 0 : i32
      %dma_wait3A_436 = arith.constant 0 : i32
      %dma_wait3A_437 = tpu.memref_slice %arg17[%dma_wait3A_435, %dma_wait3A_436] : memref<10240x16xf32, #tpu.memory_space<vmem_shared>> -> memref<10240x16xf32, #tpu.memory_space<vmem_shared>>
      tpu.wait_indirect_dma semaphore(%arg27 : memref<!tpu.dma_semaphore, #tpu.memory_space<semaphore_mem>>) src(%arg9 : memref<128x16xf32, #tpu.memory_space<vmem>>) dst(%dma_wait3A_437 : memref<10240x16xf32, #tpu.memory_space<vmem_shared>>)
      %add3A_438 = arith.constant 8 : i32
      %add3A_439 = arith.addi %mul3A_293, %add3A_438 : i32
      %add3A_440 = arith.constant 1 : i32
      %add3A_441 = arith.addi %add3A_439, %add3A_440 : i32
      %dma_start3A_442 = arith.constant 0 : i32
      %dma_start3A_443 = tpu.memref_slice %arg7[%add3A_441, %dma_start3A_442] : memref<160x128xi32, #tpu.memory_space<vmem>> -> memref<1x128xi32, #tpu.memory_space<vmem>>
      %dma_start3A_444 = tpu.memref_squeeze %dma_start3A_443 : memref<1x128xi32, #tpu.memory_space<vmem>> -> memref<128xi32, #tpu.memory_space<vmem>>
      %dma_start3A_445 = arith.constant 0 : i32
      %dma_start3A_446 = arith.constant 0 : i32
      %dma_start3A_447 = tpu.memref_slice %arg2[%dma_start3A_445, %dma_start3A_446] : memref<10000x16xf32, #tpu.memory_space<hbm>> -> memref<10000x16xf32, #tpu.memory_space<hbm>>
      tpu.enqueue_indirect_dma source(%dma_start3A_447 : memref<10000x16xf32, #tpu.memory_space<hbm>>) target(%arg9 : memref<128x16xf32, #tpu.memory_space<vmem>>) offsets(%dma_start3A_444 : memref<128xi32, #tpu.memory_space<vmem>>) semaphore(%arg19 : memref<!tpu.dma_semaphore, #tpu.memory_space<semaphore_mem>>)
      %dma_wait3A_448 = arith.constant 0 : i32
      %dma_wait3A_449 = arith.constant 0 : i32
      %dma_wait3A_450 = tpu.memref_slice %arg6[%dma_wait3A_448, %dma_wait3A_449] : memref<160x128xi32, #tpu.memory_space<vmem>> -> memref<1x128xi32, #tpu.memory_space<vmem>>
      %dma_wait3A_451 = tpu.memref_squeeze %dma_wait3A_450 : memref<1x128xi32, #tpu.memory_space<vmem>> -> memref<128xi32, #tpu.memory_space<vmem>>
      %dma_wait3A_452 = arith.constant 0 : i32
      %dma_wait3A_453 = arith.constant 0 : i32
      %dma_wait3A_454 = tpu.memref_slice %arg17[%dma_wait3A_452, %dma_wait3A_453] : memref<10240x16xf32, #tpu.memory_space<vmem_shared>> -> memref<10240x16xf32, #tpu.memory_space<vmem_shared>>
      tpu.wait_indirect_dma semaphore(%arg28 : memref<!tpu.dma_semaphore, #tpu.memory_space<semaphore_mem>>) src(%arg10 : memref<128x16xf32, #tpu.memory_space<vmem>>) dst(%dma_wait3A_454 : memref<10240x16xf32, #tpu.memory_space<vmem_shared>>)
      %add3A_455 = arith.constant 8 : i32
      %add3A_456 = arith.addi %mul3A_293, %add3A_455 : i32
      %add3A_457 = arith.constant 2 : i32
      %add3A_458 = arith.addi %add3A_456, %add3A_457 : i32
      %dma_start3A_459 = arith.constant 0 : i32
      %dma_start3A_460 = tpu.memref_slice %arg7[%add3A_458, %dma_start3A_459] : memref<160x128xi32, #tpu.memory_space<vmem>> -> memref<1x128xi32, #tpu.memory_space<vmem>>
      %dma_start3A_461 = tpu.memref_squeeze %dma_start3A_460 : memref<1x128xi32, #tpu.memory_space<vmem>> -> memref<128xi32, #tpu.memory_space<vmem>>
      %dma_start3A_462 = arith.constant 0 : i32
      %dma_start3A_463 = arith.constant 0 : i32
      %dma_start3A_464 = tpu.memref_slice %arg2[%dma_start3A_462, %dma_start3A_463] : memref<10000x16xf32, #tpu.memory_space<hbm>> -> memref<10000x16xf32, #tpu.memory_space<hbm>>
      tpu.enqueue_indirect_dma source(%dma_start3A_464 : memref<10000x16xf32, #tpu.memory_space<hbm>>) target(%arg10 : memref<128x16xf32, #tpu.memory_space<vmem>>) offsets(%dma_start3A_461 : memref<128xi32, #tpu.memory_space<vmem>>) semaphore(%arg20 : memref<!tpu.dma_semaphore, #tpu.memory_space<semaphore_mem>>)
      %dma_wait3A_465 = arith.constant 0 : i32
      %dma_wait3A_466 = arith.constant 0 : i32
      %dma_wait3A_467 = tpu.memref_slice %arg6[%dma_wait3A_465, %dma_wait3A_466] : memref<160x128xi32, #tpu.memory_space<vmem>> -> memref<1x128xi32, #tpu.memory_space<vmem>>
      %dma_wait3A_468 = tpu.memref_squeeze %dma_wait3A_467 : memref<1x128xi32, #tpu.memory_space<vmem>> -> memref<128xi32, #tpu.memory_space<vmem>>
      %dma_wait3A_469 = arith.constant 0 : i32
      %dma_wait3A_470 = arith.constant 0 : i32
      %dma_wait3A_471 = tpu.memref_slice %arg17[%dma_wait3A_469, %dma_wait3A_470] : memref<10240x16xf32, #tpu.memory_space<vmem_shared>> -> memref<10240x16xf32, #tpu.memory_space<vmem_shared>>
      tpu.wait_indirect_dma semaphore(%arg29 : memref<!tpu.dma_semaphore, #tpu.memory_space<semaphore_mem>>) src(%arg11 : memref<128x16xf32, #tpu.memory_space<vmem>>) dst(%dma_wait3A_471 : memref<10240x16xf32, #tpu.memory_space<vmem_shared>>)
      %add3A_472 = arith.constant 8 : i32
      %add3A_473 = arith.addi %mul3A_293, %add3A_472 : i32
      %add3A_474 = arith.constant 3 : i32
      %add3A_475 = arith.addi %add3A_473, %add3A_474 : i32
      %dma_start3A_476 = arith.constant 0 : i32
      %dma_start3A_477 = tpu.memref_slice %arg7[%add3A_475, %dma_start3A_476] : memref<160x128xi32, #tpu.memory_space<vmem>> -> memref<1x128xi32, #tpu.memory_space<vmem>>
      %dma_start3A_478 = tpu.memref_squeeze %dma_start3A_477 : memref<1x128xi32, #tpu.memory_space<vmem>> -> memref<128xi32, #tpu.memory_space<vmem>>
      %dma_start3A_479 = arith.constant 0 : i32
      %dma_start3A_480 = arith.constant 0 : i32
      %dma_start3A_481 = tpu.memref_slice %arg2[%dma_start3A_479, %dma_start3A_480] : memref<10000x16xf32, #tpu.memory_space<hbm>> -> memref<10000x16xf32, #tpu.memory_space<hbm>>
      tpu.enqueue_indirect_dma source(%dma_start3A_481 : memref<10000x16xf32, #tpu.memory_space<hbm>>) target(%arg11 : memref<128x16xf32, #tpu.memory_space<vmem>>) offsets(%dma_start3A_478 : memref<128xi32, #tpu.memory_space<vmem>>) semaphore(%arg21 : memref<!tpu.dma_semaphore, #tpu.memory_space<semaphore_mem>>)
      %dma_wait3A_482 = arith.constant 0 : i32
      %dma_wait3A_483 = arith.constant 0 : i32
      %dma_wait3A_484 = tpu.memref_slice %arg6[%dma_wait3A_482, %dma_wait3A_483] : memref<160x128xi32, #tpu.memory_space<vmem>> -> memref<1x128xi32, #tpu.memory_space<vmem>>
      %dma_wait3A_485 = tpu.memref_squeeze %dma_wait3A_484 : memref<1x128xi32, #tpu.memory_space<vmem>> -> memref<128xi32, #tpu.memory_space<vmem>>
      %dma_wait3A_486 = arith.constant 0 : i32
      %dma_wait3A_487 = arith.constant 0 : i32
      %dma_wait3A_488 = tpu.memref_slice %arg17[%dma_wait3A_486, %dma_wait3A_487] : memref<10240x16xf32, #tpu.memory_space<vmem_shared>> -> memref<10240x16xf32, #tpu.memory_space<vmem_shared>>
      tpu.wait_indirect_dma semaphore(%arg30 : memref<!tpu.dma_semaphore, #tpu.memory_space<semaphore_mem>>) src(%arg12 : memref<128x16xf32, #tpu.memory_space<vmem>>) dst(%dma_wait3A_488 : memref<10240x16xf32, #tpu.memory_space<vmem_shared>>)
      %add3A_489 = arith.constant 8 : i32
      %add3A_490 = arith.addi %mul3A_293, %add3A_489 : i32
      %add3A_491 = arith.constant 4 : i32
      %add3A_492 = arith.addi %add3A_490, %add3A_491 : i32
      %dma_start3A_493 = arith.constant 0 : i32
      %dma_start3A_494 = tpu.memref_slice %arg7[%add3A_492, %dma_start3A_493] : memref<160x128xi32, #tpu.memory_space<vmem>> -> memref<1x128xi32, #tpu.memory_space<vmem>>
      %dma_start3A_495 = tpu.memref_squeeze %dma_start3A_494 : memref<1x128xi32, #tpu.memory_space<vmem>> -> memref<128xi32, #tpu.memory_space<vmem>>
      %dma_start3A_496 = arith.constant 0 : i32
      %dma_start3A_497 = arith.constant 0 : i32
      %dma_start3A_498 = tpu.memref_slice %arg2[%dma_start3A_496, %dma_start3A_497] : memref<10000x16xf32, #tpu.memory_space<hbm>> -> memref<10000x16xf32, #tpu.memory_space<hbm>>
      tpu.enqueue_indirect_dma source(%dma_start3A_498 : memref<10000x16xf32, #tpu.memory_space<hbm>>) target(%arg12 : memref<128x16xf32, #tpu.memory_space<vmem>>) offsets(%dma_start3A_495 : memref<128xi32, #tpu.memory_space<vmem>>) semaphore(%arg22 : memref<!tpu.dma_semaphore, #tpu.memory_space<semaphore_mem>>)
      %dma_wait3A_499 = arith.constant 0 : i32
      %dma_wait3A_500 = arith.constant 0 : i32
      %dma_wait3A_501 = tpu.memref_slice %arg6[%dma_wait3A_499, %dma_wait3A_500] : memref<160x128xi32, #tpu.memory_space<vmem>> -> memref<1x128xi32, #tpu.memory_space<vmem>>
      %dma_wait3A_502 = tpu.memref_squeeze %dma_wait3A_501 : memref<1x128xi32, #tpu.memory_space<vmem>> -> memref<128xi32, #tpu.memory_space<vmem>>
      %dma_wait3A_503 = arith.constant 0 : i32
      %dma_wait3A_504 = arith.constant 0 : i32
      %dma_wait3A_505 = tpu.memref_slice %arg17[%dma_wait3A_503, %dma_wait3A_504] : memref<10240x16xf32, #tpu.memory_space<vmem_shared>> -> memref<10240x16xf32, #tpu.memory_space<vmem_shared>>
      tpu.wait_indirect_dma semaphore(%arg31 : memref<!tpu.dma_semaphore, #tpu.memory_space<semaphore_mem>>) src(%arg13 : memref<128x16xf32, #tpu.memory_space<vmem>>) dst(%dma_wait3A_505 : memref<10240x16xf32, #tpu.memory_space<vmem_shared>>)
      %add3A_506 = arith.constant 8 : i32
      %add3A_507 = arith.addi %mul3A_293, %add3A_506 : i32
      %add3A_508 = arith.constant 5 : i32
      %add3A_509 = arith.addi %add3A_507, %add3A_508 : i32
      %dma_start3A_510 = arith.constant 0 : i32
      %dma_start3A_511 = tpu.memref_slice %arg7[%add3A_509, %dma_start3A_510] : memref<160x128xi32, #tpu.memory_space<vmem>> -> memref<1x128xi32, #tpu.memory_space<vmem>>
      %dma_start3A_512 = tpu.memref_squeeze %dma_start3A_511 : memref<1x128xi32, #tpu.memory_space<vmem>> -> memref<128xi32, #tpu.memory_space<vmem>>
      %dma_start3A_513 = arith.constant 0 : i32
      %dma_start3A_514 = arith.constant 0 : i32
      %dma_start3A_515 = tpu.memref_slice %arg2[%dma_start3A_513, %dma_start3A_514] : memref<10000x16xf32, #tpu.memory_space<hbm>> -> memref<10000x16xf32, #tpu.memory_space<hbm>>
      tpu.enqueue_indirect_dma source(%dma_start3A_515 : memref<10000x16xf32, #tpu.memory_space<hbm>>) target(%arg13 : memref<128x16xf32, #tpu.memory_space<vmem>>) offsets(%dma_start3A_512 : memref<128xi32, #tpu.memory_space<vmem>>) semaphore(%arg23 : memref<!tpu.dma_semaphore, #tpu.memory_space<semaphore_mem>>)
      %dma_wait3A_516 = arith.constant 0 : i32
      %dma_wait3A_517 = arith.constant 0 : i32
      %dma_wait3A_518 = tpu.memref_slice %arg6[%dma_wait3A_516, %dma_wait3A_517] : memref<160x128xi32, #tpu.memory_space<vmem>> -> memref<1x128xi32, #tpu.memory_space<vmem>>
      %dma_wait3A_519 = tpu.memref_squeeze %dma_wait3A_518 : memref<1x128xi32, #tpu.memory_space<vmem>> -> memref<128xi32, #tpu.memory_space<vmem>>
      %dma_wait3A_520 = arith.constant 0 : i32
      %dma_wait3A_521 = arith.constant 0 : i32
      %dma_wait3A_522 = tpu.memref_slice %arg17[%dma_wait3A_520, %dma_wait3A_521] : memref<10240x16xf32, #tpu.memory_space<vmem_shared>> -> memref<10240x16xf32, #tpu.memory_space<vmem_shared>>
      tpu.wait_indirect_dma semaphore(%arg32 : memref<!tpu.dma_semaphore, #tpu.memory_space<semaphore_mem>>) src(%arg14 : memref<128x16xf32, #tpu.memory_space<vmem>>) dst(%dma_wait3A_522 : memref<10240x16xf32, #tpu.memory_space<vmem_shared>>)
      %add3A_523 = arith.constant 8 : i32
      %add3A_524 = arith.addi %mul3A_293, %add3A_523 : i32
      %add3A_525 = arith.constant 6 : i32
      %add3A_526 = arith.addi %add3A_524, %add3A_525 : i32
      %dma_start3A_527 = arith.constant 0 : i32
      %dma_start3A_528 = tpu.memref_slice %arg7[%add3A_526, %dma_start3A_527] : memref<160x128xi32, #tpu.memory_space<vmem>> -> memref<1x128xi32, #tpu.memory_space<vmem>>
      %dma_start3A_529 = tpu.memref_squeeze %dma_start3A_528 : memref<1x128xi32, #tpu.memory_space<vmem>> -> memref<128xi32, #tpu.memory_space<vmem>>
      %dma_start3A_530 = arith.constant 0 : i32
      %dma_start3A_531 = arith.constant 0 : i32
      %dma_start3A_532 = tpu.memref_slice %arg2[%dma_start3A_530, %dma_start3A_531] : memref<10000x16xf32, #tpu.memory_space<hbm>> -> memref<10000x16xf32, #tpu.memory_space<hbm>>
      tpu.enqueue_indirect_dma source(%dma_start3A_532 : memref<10000x16xf32, #tpu.memory_space<hbm>>) target(%arg14 : memref<128x16xf32, #tpu.memory_space<vmem>>) offsets(%dma_start3A_529 : memref<128xi32, #tpu.memory_space<vmem>>) semaphore(%arg24 : memref<!tpu.dma_semaphore, #tpu.memory_space<semaphore_mem>>)
      %dma_wait3A_533 = arith.constant 0 : i32
      %dma_wait3A_534 = arith.constant 0 : i32
      %dma_wait3A_535 = tpu.memref_slice %arg6[%dma_wait3A_533, %dma_wait3A_534] : memref<160x128xi32, #tpu.memory_space<vmem>> -> memref<1x128xi32, #tpu.memory_space<vmem>>
      %dma_wait3A_536 = tpu.memref_squeeze %dma_wait3A_535 : memref<1x128xi32, #tpu.memory_space<vmem>> -> memref<128xi32, #tpu.memory_space<vmem>>
      %dma_wait3A_537 = arith.constant 0 : i32
      %dma_wait3A_538 = arith.constant 0 : i32
      %dma_wait3A_539 = tpu.memref_slice %arg17[%dma_wait3A_537, %dma_wait3A_538] : memref<10240x16xf32, #tpu.memory_space<vmem_shared>> -> memref<10240x16xf32, #tpu.memory_space<vmem_shared>>
      tpu.wait_indirect_dma semaphore(%arg33 : memref<!tpu.dma_semaphore, #tpu.memory_space<semaphore_mem>>) src(%arg15 : memref<128x16xf32, #tpu.memory_space<vmem>>) dst(%dma_wait3A_539 : memref<10240x16xf32, #tpu.memory_space<vmem_shared>>)
      %add3A_540 = arith.constant 8 : i32
      %add3A_541 = arith.addi %mul3A_293, %add3A_540 : i32
      %add3A_542 = arith.constant 7 : i32
      %add3A_543 = arith.addi %add3A_541, %add3A_542 : i32
      %dma_start3A_544 = arith.constant 0 : i32
      %dma_start3A_545 = tpu.memref_slice %arg7[%add3A_543, %dma_start3A_544] : memref<160x128xi32, #tpu.memory_space<vmem>> -> memref<1x128xi32, #tpu.memory_space<vmem>>
      %dma_start3A_546 = tpu.memref_squeeze %dma_start3A_545 : memref<1x128xi32, #tpu.memory_space<vmem>> -> memref<128xi32, #tpu.memory_space<vmem>>
      %dma_start3A_547 = arith.constant 0 : i32
      %dma_start3A_548 = arith.constant 0 : i32
      %dma_start3A_549 = tpu.memref_slice %arg2[%dma_start3A_547, %dma_start3A_548] : memref<10000x16xf32, #tpu.memory_space<hbm>> -> memref<10000x16xf32, #tpu.memory_space<hbm>>
      tpu.enqueue_indirect_dma source(%dma_start3A_549 : memref<10000x16xf32, #tpu.memory_space<hbm>>) target(%arg15 : memref<128x16xf32, #tpu.memory_space<vmem>>) offsets(%dma_start3A_546 : memref<128xi32, #tpu.memory_space<vmem>>) semaphore(%arg25 : memref<!tpu.dma_semaphore, #tpu.memory_space<semaphore_mem>>)
    }
    %scan3A_117 = arith.constant 19 : i32
    %dma_wait3A_118 = arith.constant 0 : i32
    %dma_wait3A_119 = arith.constant 0 : i32
    %dma_wait3A_120 = tpu.memref_slice %arg7[%dma_wait3A_118, %dma_wait3A_119] : memref<160x128xi32, #tpu.memory_space<vmem>> -> memref<1x128xi32, #tpu.memory_space<vmem>>
    %dma_wait3A_121 = tpu.memref_squeeze %dma_wait3A_120 : memref<1x128xi32, #tpu.memory_space<vmem>> -> memref<128xi32, #tpu.memory_space<vmem>>
    %dma_wait3A_122 = arith.constant 0 : i32
    %dma_wait3A_123 = arith.constant 0 : i32
    %dma_wait3A_124 = tpu.memref_slice %arg2[%dma_wait3A_122, %dma_wait3A_123] : memref<10000x16xf32, #tpu.memory_space<hbm>> -> memref<10000x16xf32, #tpu.memory_space<hbm>>
    tpu.wait_indirect_dma semaphore(%arg18 : memref<!tpu.dma_semaphore, #tpu.memory_space<semaphore_mem>>) src(%dma_wait3A_124 : memref<10000x16xf32, #tpu.memory_space<hbm>>) dst(%arg8 : memref<128x16xf32, #tpu.memory_space<vmem>>)
    %dma_start3A_125 = arith.constant 152 : i32
    %dma_start3A_126 = arith.constant 0 : i32
    %dma_start3A_127 = tpu.memref_slice %arg6[%dma_start3A_125, %dma_start3A_126] : memref<160x128xi32, #tpu.memory_space<vmem>> -> memref<1x128xi32, #tpu.memory_space<vmem>>
    %dma_start3A_128 = tpu.memref_squeeze %dma_start3A_127 : memref<1x128xi32, #tpu.memory_space<vmem>> -> memref<128xi32, #tpu.memory_space<vmem>>
    %dma_start3A_129 = arith.constant 0 : i32
    %dma_start3A_130 = arith.constant 0 : i32
    %dma_start3A_131 = tpu.memref_slice %arg17[%dma_start3A_129, %dma_start3A_130] : memref<10240x16xf32, #tpu.memory_space<vmem_shared>> -> memref<10240x16xf32, #tpu.memory_space<vmem_shared>>
    tpu.enqueue_indirect_dma source(%arg8 : memref<128x16xf32, #tpu.memory_space<vmem>>) target(%dma_start3A_131 : memref<10240x16xf32, #tpu.memory_space<vmem_shared>>) offsets(%dma_start3A_128 : memref<128xi32, #tpu.memory_space<vmem>>) semaphore(%arg26 : memref<!tpu.dma_semaphore, #tpu.memory_space<semaphore_mem>>) {add = true}
    %dma_wait3A_132 = arith.constant 0 : i32
    %dma_wait3A_133 = arith.constant 0 : i32
    %dma_wait3A_134 = tpu.memref_slice %arg7[%dma_wait3A_132, %dma_wait3A_133] : memref<160x128xi32, #tpu.memory_space<vmem>> -> memref<1x128xi32, #tpu.memory_space<vmem>>
    %dma_wait3A_135 = tpu.memref_squeeze %dma_wait3A_134 : memref<1x128xi32, #tpu.memory_space<vmem>> -> memref<128xi32, #tpu.memory_space<vmem>>
    %dma_wait3A_136 = arith.constant 0 : i32
    %dma_wait3A_137 = arith.constant 0 : i32
    %dma_wait3A_138 = tpu.memref_slice %arg2[%dma_wait3A_136, %dma_wait3A_137] : memref<10000x16xf32, #tpu.memory_space<hbm>> -> memref<10000x16xf32, #tpu.memory_space<hbm>>
    tpu.wait_indirect_dma semaphore(%arg19 : memref<!tpu.dma_semaphore, #tpu.memory_space<semaphore_mem>>) src(%dma_wait3A_138 : memref<10000x16xf32, #tpu.memory_space<hbm>>) dst(%arg9 : memref<128x16xf32, #tpu.memory_space<vmem>>)
    %dma_start3A_139 = arith.constant 153 : i32
    %dma_start3A_140 = arith.constant 0 : i32
    %dma_start3A_141 = tpu.memref_slice %arg6[%dma_start3A_139, %dma_start3A_140] : memref<160x128xi32, #tpu.memory_space<vmem>> -> memref<1x128xi32, #tpu.memory_space<vmem>>
    %dma_start3A_142 = tpu.memref_squeeze %dma_start3A_141 : memref<1x128xi32, #tpu.memory_space<vmem>> -> memref<128xi32, #tpu.memory_space<vmem>>
    %dma_start3A_143 = arith.constant 0 : i32
    %dma_start3A_144 = arith.constant 0 : i32
    %dma_start3A_145 = tpu.memref_slice %arg17[%dma_start3A_143, %dma_start3A_144] : memref<10240x16xf32, #tpu.memory_space<vmem_shared>> -> memref<10240x16xf32, #tpu.memory_space<vmem_shared>>
    tpu.enqueue_indirect_dma source(%arg9 : memref<128x16xf32, #tpu.memory_space<vmem>>) target(%dma_start3A_145 : memref<10240x16xf32, #tpu.memory_space<vmem_shared>>) offsets(%dma_start3A_142 : memref<128xi32, #tpu.memory_space<vmem>>) semaphore(%arg27 : memref<!tpu.dma_semaphore, #tpu.memory_space<semaphore_mem>>) {add = true}
    %dma_wait3A_146 = arith.constant 0 : i32
    %dma_wait3A_147 = arith.constant 0 : i32
    %dma_wait3A_148 = tpu.memref_slice %arg7[%dma_wait3A_146, %dma_wait3A_147] : memref<160x128xi32, #tpu.memory_space<vmem>> -> memref<1x128xi32, #tpu.memory_space<vmem>>
    %dma_wait3A_149 = tpu.memref_squeeze %dma_wait3A_148 : memref<1x128xi32, #tpu.memory_space<vmem>> -> memref<128xi32, #tpu.memory_space<vmem>>
    %dma_wait3A_150 = arith.constant 0 : i32
    %dma_wait3A_151 = arith.constant 0 : i32
    %dma_wait3A_152 = tpu.memref_slice %arg2[%dma_wait3A_150, %dma_wait3A_151] : memref<10000x16xf32, #tpu.memory_space<hbm>> -> memref<10000x16xf32, #tpu.memory_space<hbm>>
    tpu.wait_indirect_dma semaphore(%arg20 : memref<!tpu.dma_semaphore, #tpu.memory_space<semaphore_mem>>) src(%dma_wait3A_152 : memref<10000x16xf32, #tpu.memory_space<hbm>>) dst(%arg10 : memref<128x16xf32, #tpu.memory_space<vmem>>)
    %dma_start3A_153 = arith.constant 154 : i32
    %dma_start3A_154 = arith.constant 0 : i32
    %dma_start3A_155 = tpu.memref_slice %arg6[%dma_start3A_153, %dma_start3A_154] : memref<160x128xi32, #tpu.memory_space<vmem>> -> memref<1x128xi32, #tpu.memory_space<vmem>>
    %dma_start3A_156 = tpu.memref_squeeze %dma_start3A_155 : memref<1x128xi32, #tpu.memory_space<vmem>> -> memref<128xi32, #tpu.memory_space<vmem>>
    %dma_start3A_157 = arith.constant 0 : i32
    %dma_start3A_158 = arith.constant 0 : i32
    %dma_start3A_159 = tpu.memref_slice %arg17[%dma_start3A_157, %dma_start3A_158] : memref<10240x16xf32, #tpu.memory_space<vmem_shared>> -> memref<10240x16xf32, #tpu.memory_space<vmem_shared>>
    tpu.enqueue_indirect_dma source(%arg10 : memref<128x16xf32, #tpu.memory_space<vmem>>) target(%dma_start3A_159 : memref<10240x16xf32, #tpu.memory_space<vmem_shared>>) offsets(%dma_start3A_156 : memref<128xi32, #tpu.memory_space<vmem>>) semaphore(%arg28 : memref<!tpu.dma_semaphore, #tpu.memory_space<semaphore_mem>>) {add = true}
    %dma_wait3A_160 = arith.constant 0 : i32
    %dma_wait3A_161 = arith.constant 0 : i32
    %dma_wait3A_162 = tpu.memref_slice %arg7[%dma_wait3A_160, %dma_wait3A_161] : memref<160x128xi32, #tpu.memory_space<vmem>> -> memref<1x128xi32, #tpu.memory_space<vmem>>
    %dma_wait3A_163 = tpu.memref_squeeze %dma_wait3A_162 : memref<1x128xi32, #tpu.memory_space<vmem>> -> memref<128xi32, #tpu.memory_space<vmem>>
    %dma_wait3A_164 = arith.constant 0 : i32
    %dma_wait3A_165 = arith.constant 0 : i32
    %dma_wait3A_166 = tpu.memref_slice %arg2[%dma_wait3A_164, %dma_wait3A_165] : memref<10000x16xf32, #tpu.memory_space<hbm>> -> memref<10000x16xf32, #tpu.memory_space<hbm>>
    tpu.wait_indirect_dma semaphore(%arg21 : memref<!tpu.dma_semaphore, #tpu.memory_space<semaphore_mem>>) src(%dma_wait3A_166 : memref<10000x16xf32, #tpu.memory_space<hbm>>) dst(%arg11 : memref<128x16xf32, #tpu.memory_space<vmem>>)
    %dma_start3A_167 = arith.constant 155 : i32
    %dma_start3A_168 = arith.constant 0 : i32
    %dma_start3A_169 = tpu.memref_slice %arg6[%dma_start3A_167, %dma_start3A_168] : memref<160x128xi32, #tpu.memory_space<vmem>> -> memref<1x128xi32, #tpu.memory_space<vmem>>
    %dma_start3A_170 = tpu.memref_squeeze %dma_start3A_169 : memref<1x128xi32, #tpu.memory_space<vmem>> -> memref<128xi32, #tpu.memory_space<vmem>>
    %dma_start3A_171 = arith.constant 0 : i32
    %dma_start3A_172 = arith.constant 0 : i32
    %dma_start3A_173 = tpu.memref_slice %arg17[%dma_start3A_171, %dma_start3A_172] : memref<10240x16xf32, #tpu.memory_space<vmem_shared>> -> memref<10240x16xf32, #tpu.memory_space<vmem_shared>>
    tpu.enqueue_indirect_dma source(%arg11 : memref<128x16xf32, #tpu.memory_space<vmem>>) target(%dma_start3A_173 : memref<10240x16xf32, #tpu.memory_space<vmem_shared>>) offsets(%dma_start3A_170 : memref<128xi32, #tpu.memory_space<vmem>>) semaphore(%arg29 : memref<!tpu.dma_semaphore, #tpu.memory_space<semaphore_mem>>) {add = true}
    %dma_wait3A_174 = arith.constant 0 : i32
    %dma_wait3A_175 = arith.constant 0 : i32
    %dma_wait3A_176 = tpu.memref_slice %arg7[%dma_wait3A_174, %dma_wait3A_175] : memref<160x128xi32, #tpu.memory_space<vmem>> -> memref<1x128xi32, #tpu.memory_space<vmem>>
    %dma_wait3A_177 = tpu.memref_squeeze %dma_wait3A_176 : memref<1x128xi32, #tpu.memory_space<vmem>> -> memref<128xi32, #tpu.memory_space<vmem>>
    %dma_wait3A_178 = arith.constant 0 : i32
    %dma_wait3A_179 = arith.constant 0 : i32
    %dma_wait3A_180 = tpu.memref_slice %arg2[%dma_wait3A_178, %dma_wait3A_179] : memref<10000x16xf32, #tpu.memory_space<hbm>> -> memref<10000x16xf32, #tpu.memory_space<hbm>>
    tpu.wait_indirect_dma semaphore(%arg22 : memref<!tpu.dma_semaphore, #tpu.memory_space<semaphore_mem>>) src(%dma_wait3A_180 : memref<10000x16xf32, #tpu.memory_space<hbm>>) dst(%arg12 : memref<128x16xf32, #tpu.memory_space<vmem>>)
    %dma_start3A_181 = arith.constant 156 : i32
    %dma_start3A_182 = arith.constant 0 : i32
    %dma_start3A_183 = tpu.memref_slice %arg6[%dma_start3A_181, %dma_start3A_182] : memref<160x128xi32, #tpu.memory_space<vmem>> -> memref<1x128xi32, #tpu.memory_space<vmem>>
    %dma_start3A_184 = tpu.memref_squeeze %dma_start3A_183 : memref<1x128xi32, #tpu.memory_space<vmem>> -> memref<128xi32, #tpu.memory_space<vmem>>
    %dma_start3A_185 = arith.constant 0 : i32
    %dma_start3A_186 = arith.constant 0 : i32
    %dma_start3A_187 = tpu.memref_slice %arg17[%dma_start3A_185, %dma_start3A_186] : memref<10240x16xf32, #tpu.memory_space<vmem_shared>> -> memref<10240x16xf32, #tpu.memory_space<vmem_shared>>
    tpu.enqueue_indirect_dma source(%arg12 : memref<128x16xf32, #tpu.memory_space<vmem>>) target(%dma_start3A_187 : memref<10240x16xf32, #tpu.memory_space<vmem_shared>>) offsets(%dma_start3A_184 : memref<128xi32, #tpu.memory_space<vmem>>) semaphore(%arg30 : memref<!tpu.dma_semaphore, #tpu.memory_space<semaphore_mem>>) {add = true}
    %dma_wait3A_188 = arith.constant 0 : i32
    %dma_wait3A_189 = arith.constant 0 : i32
    %dma_wait3A_190 = tpu.memref_slice %arg7[%dma_wait3A_188, %dma_wait3A_189] : memref<160x128xi32, #tpu.memory_space<vmem>> -> memref<1x128xi32, #tpu.memory_space<vmem>>
    %dma_wait3A_191 = tpu.memref_squeeze %dma_wait3A_190 : memref<1x128xi32, #tpu.memory_space<vmem>> -> memref<128xi32, #tpu.memory_space<vmem>>
    %dma_wait3A_192 = arith.constant 0 : i32
    %dma_wait3A_193 = arith.constant 0 : i32
    %dma_wait3A_194 = tpu.memref_slice %arg2[%dma_wait3A_192, %dma_wait3A_193] : memref<10000x16xf32, #tpu.memory_space<hbm>> -> memref<10000x16xf32, #tpu.memory_space<hbm>>
    tpu.wait_indirect_dma semaphore(%arg23 : memref<!tpu.dma_semaphore, #tpu.memory_space<semaphore_mem>>) src(%dma_wait3A_194 : memref<10000x16xf32, #tpu.memory_space<hbm>>) dst(%arg13 : memref<128x16xf32, #tpu.memory_space<vmem>>)
    %dma_start3A_195 = arith.constant 157 : i32
    %dma_start3A_196 = arith.constant 0 : i32
    %dma_start3A_197 = tpu.memref_slice %arg6[%dma_start3A_195, %dma_start3A_196] : memref<160x128xi32, #tpu.memory_space<vmem>> -> memref<1x128xi32, #tpu.memory_space<vmem>>
    %dma_start3A_198 = tpu.memref_squeeze %dma_start3A_197 : memref<1x128xi32, #tpu.memory_space<vmem>> -> memref<128xi32, #tpu.memory_space<vmem>>
    %dma_start3A_199 = arith.constant 0 : i32
    %dma_start3A_200 = arith.constant 0 : i32
    %dma_start3A_201 = tpu.memref_slice %arg17[%dma_start3A_199, %dma_start3A_200] : memref<10240x16xf32, #tpu.memory_space<vmem_shared>> -> memref<10240x16xf32, #tpu.memory_space<vmem_shared>>
    tpu.enqueue_indirect_dma source(%arg13 : memref<128x16xf32, #tpu.memory_space<vmem>>) target(%dma_start3A_201 : memref<10240x16xf32, #tpu.memory_space<vmem_shared>>) offsets(%dma_start3A_198 : memref<128xi32, #tpu.memory_space<vmem>>) semaphore(%arg31 : memref<!tpu.dma_semaphore, #tpu.memory_space<semaphore_mem>>) {add = true}
    %dma_wait3A_202 = arith.constant 0 : i32
    %dma_wait3A_203 = arith.constant 0 : i32
    %dma_wait3A_204 = tpu.memref_slice %arg7[%dma_wait3A_202, %dma_wait3A_203] : memref<160x128xi32, #tpu.memory_space<vmem>> -> memref<1x128xi32, #tpu.memory_space<vmem>>
    %dma_wait3A_205 = tpu.memref_squeeze %dma_wait3A_204 : memref<1x128xi32, #tpu.memory_space<vmem>> -> memref<128xi32, #tpu.memory_space<vmem>>
    %dma_wait3A_206 = arith.constant 0 : i32
    %dma_wait3A_207 = arith.constant 0 : i32
    %dma_wait3A_208 = tpu.memref_slice %arg2[%dma_wait3A_206, %dma_wait3A_207] : memref<10000x16xf32, #tpu.memory_space<hbm>> -> memref<10000x16xf32, #tpu.memory_space<hbm>>
    tpu.wait_indirect_dma semaphore(%arg24 : memref<!tpu.dma_semaphore, #tpu.memory_space<semaphore_mem>>) src(%dma_wait3A_208 : memref<10000x16xf32, #tpu.memory_space<hbm>>) dst(%arg14 : memref<128x16xf32, #tpu.memory_space<vmem>>)
    %dma_start3A_209 = arith.constant 158 : i32
    %dma_start3A_210 = arith.constant 0 : i32
    %dma_start3A_211 = tpu.memref_slice %arg6[%dma_start3A_209, %dma_start3A_210] : memref<160x128xi32, #tpu.memory_space<vmem>> -> memref<1x128xi32, #tpu.memory_space<vmem>>
    %dma_start3A_212 = tpu.memref_squeeze %dma_start3A_211 : memref<1x128xi32, #tpu.memory_space<vmem>> -> memref<128xi32, #tpu.memory_space<vmem>>
    %dma_start3A_213 = arith.constant 0 : i32
    %dma_start3A_214 = arith.constant 0 : i32
    %dma_start3A_215 = tpu.memref_slice %arg17[%dma_start3A_213, %dma_start3A_214] : memref<10240x16xf32, #tpu.memory_space<vmem_shared>> -> memref<10240x16xf32, #tpu.memory_space<vmem_shared>>
    tpu.enqueue_indirect_dma source(%arg14 : memref<128x16xf32, #tpu.memory_space<vmem>>) target(%dma_start3A_215 : memref<10240x16xf32, #tpu.memory_space<vmem_shared>>) offsets(%dma_start3A_212 : memref<128xi32, #tpu.memory_space<vmem>>) semaphore(%arg32 : memref<!tpu.dma_semaphore, #tpu.memory_space<semaphore_mem>>) {add = true}
    %dma_wait3A_216 = arith.constant 0 : i32
    %dma_wait3A_217 = arith.constant 0 : i32
    %dma_wait3A_218 = tpu.memref_slice %arg7[%dma_wait3A_216, %dma_wait3A_217] : memref<160x128xi32, #tpu.memory_space<vmem>> -> memref<1x128xi32, #tpu.memory_space<vmem>>
    %dma_wait3A_219 = tpu.memref_squeeze %dma_wait3A_218 : memref<1x128xi32, #tpu.memory_space<vmem>> -> memref<128xi32, #tpu.memory_space<vmem>>
    %dma_wait3A_220 = arith.constant 0 : i32
    %dma_wait3A_221 = arith.constant 0 : i32
    %dma_wait3A_222 = tpu.memref_slice %arg2[%dma_wait3A_220, %dma_wait3A_221] : memref<10000x16xf32, #tpu.memory_space<hbm>> -> memref<10000x16xf32, #tpu.memory_space<hbm>>
    tpu.wait_indirect_dma semaphore(%arg25 : memref<!tpu.dma_semaphore, #tpu.memory_space<semaphore_mem>>) src(%dma_wait3A_222 : memref<10000x16xf32, #tpu.memory_space<hbm>>) dst(%arg15 : memref<128x16xf32, #tpu.memory_space<vmem>>)
    %dma_start3A_223 = arith.constant 159 : i32
    %dma_start3A_224 = arith.constant 0 : i32
    %dma_start3A_225 = tpu.memref_slice %arg6[%dma_start3A_223, %dma_start3A_224] : memref<160x128xi32, #tpu.memory_space<vmem>> -> memref<1x128xi32, #tpu.memory_space<vmem>>
    %dma_start3A_226 = tpu.memref_squeeze %dma_start3A_225 : memref<1x128xi32, #tpu.memory_space<vmem>> -> memref<128xi32, #tpu.memory_space<vmem>>
    %dma_start3A_227 = arith.constant 0 : i32
    %dma_start3A_228 = arith.constant 0 : i32
    %dma_start3A_229 = tpu.memref_slice %arg17[%dma_start3A_227, %dma_start3A_228] : memref<10240x16xf32, #tpu.memory_space<vmem_shared>> -> memref<10240x16xf32, #tpu.memory_space<vmem_shared>>
    tpu.enqueue_indirect_dma source(%arg15 : memref<128x16xf32, #tpu.memory_space<vmem>>) target(%dma_start3A_229 : memref<10240x16xf32, #tpu.memory_space<vmem_shared>>) offsets(%dma_start3A_226 : memref<128xi32, #tpu.memory_space<vmem>>) semaphore(%arg33 : memref<!tpu.dma_semaphore, #tpu.memory_space<semaphore_mem>>) {add = true}
    %dma_wait3A_230 = arith.constant 0 : i32
    %dma_wait3A_231 = arith.constant 0 : i32
    %dma_wait3A_232 = tpu.memref_slice %arg6[%dma_wait3A_230, %dma_wait3A_231] : memref<160x128xi32, #tpu.memory_space<vmem>> -> memref<1x128xi32, #tpu.memory_space<vmem>>
    %dma_wait3A_233 = tpu.memref_squeeze %dma_wait3A_232 : memref<1x128xi32, #tpu.memory_space<vmem>> -> memref<128xi32, #tpu.memory_space<vmem>>
    %dma_wait3A_234 = arith.constant 0 : i32
    %dma_wait3A_235 = arith.constant 0 : i32
    %dma_wait3A_236 = tpu.memref_slice %arg17[%dma_wait3A_234, %dma_wait3A_235] : memref<10240x16xf32, #tpu.memory_space<vmem_shared>> -> memref<10240x16xf32, #tpu.memory_space<vmem_shared>>
    tpu.wait_indirect_dma semaphore(%arg26 : memref<!tpu.dma_semaphore, #tpu.memory_space<semaphore_mem>>) src(%arg8 : memref<128x16xf32, #tpu.memory_space<vmem>>) dst(%dma_wait3A_236 : memref<10240x16xf32, #tpu.memory_space<vmem_shared>>)
    %dma_wait3A_237 = arith.constant 0 : i32
    %dma_wait3A_238 = arith.constant 0 : i32
    %dma_wait3A_239 = tpu.memref_slice %arg6[%dma_wait3A_237, %dma_wait3A_238] : memref<160x128xi32, #tpu.memory_space<vmem>> -> memref<1x128xi32, #tpu.memory_space<vmem>>
    %dma_wait3A_240 = tpu.memref_squeeze %dma_wait3A_239 : memref<1x128xi32, #tpu.memory_space<vmem>> -> memref<128xi32, #tpu.memory_space<vmem>>
    %dma_wait3A_241 = arith.constant 0 : i32
    %dma_wait3A_242 = arith.constant 0 : i32
    %dma_wait3A_243 = tpu.memref_slice %arg17[%dma_wait3A_241, %dma_wait3A_242] : memref<10240x16xf32, #tpu.memory_space<vmem_shared>> -> memref<10240x16xf32, #tpu.memory_space<vmem_shared>>
    tpu.wait_indirect_dma semaphore(%arg27 : memref<!tpu.dma_semaphore, #tpu.memory_space<semaphore_mem>>) src(%arg9 : memref<128x16xf32, #tpu.memory_space<vmem>>) dst(%dma_wait3A_243 : memref<10240x16xf32, #tpu.memory_space<vmem_shared>>)
    %dma_wait3A_244 = arith.constant 0 : i32
    %dma_wait3A_245 = arith.constant 0 : i32
    %dma_wait3A_246 = tpu.memref_slice %arg6[%dma_wait3A_244, %dma_wait3A_245] : memref<160x128xi32, #tpu.memory_space<vmem>> -> memref<1x128xi32, #tpu.memory_space<vmem>>
    %dma_wait3A_247 = tpu.memref_squeeze %dma_wait3A_246 : memref<1x128xi32, #tpu.memory_space<vmem>> -> memref<128xi32, #tpu.memory_space<vmem>>
    %dma_wait3A_248 = arith.constant 0 : i32
    %dma_wait3A_249 = arith.constant 0 : i32
    %dma_wait3A_250 = tpu.memref_slice %arg17[%dma_wait3A_248, %dma_wait3A_249] : memref<10240x16xf32, #tpu.memory_space<vmem_shared>> -> memref<10240x16xf32, #tpu.memory_space<vmem_shared>>
    tpu.wait_indirect_dma semaphore(%arg28 : memref<!tpu.dma_semaphore, #tpu.memory_space<semaphore_mem>>) src(%arg10 : memref<128x16xf32, #tpu.memory_space<vmem>>) dst(%dma_wait3A_250 : memref<10240x16xf32, #tpu.memory_space<vmem_shared>>)
    %dma_wait3A_251 = arith.constant 0 : i32
    %dma_wait3A_252 = arith.constant 0 : i32
    %dma_wait3A_253 = tpu.memref_slice %arg6[%dma_wait3A_251, %dma_wait3A_252] : memref<160x128xi32, #tpu.memory_space<vmem>> -> memref<1x128xi32, #tpu.memory_space<vmem>>
    %dma_wait3A_254 = tpu.memref_squeeze %dma_wait3A_253 : memref<1x128xi32, #tpu.memory_space<vmem>> -> memref<128xi32, #tpu.memory_space<vmem>>
    %dma_wait3A_255 = arith.constant 0 : i32
    %dma_wait3A_256 = arith.constant 0 : i32
    %dma_wait3A_257 = tpu.memref_slice %arg17[%dma_wait3A_255, %dma_wait3A_256] : memref<10240x16xf32, #tpu.memory_space<vmem_shared>> -> memref<10240x16xf32, #tpu.memory_space<vmem_shared>>
    tpu.wait_indirect_dma semaphore(%arg29 : memref<!tpu.dma_semaphore, #tpu.memory_space<semaphore_mem>>) src(%arg11 : memref<128x16xf32, #tpu.memory_space<vmem>>) dst(%dma_wait3A_257 : memref<10240x16xf32, #tpu.memory_space<vmem_shared>>)
    %dma_wait3A_258 = arith.constant 0 : i32
    %dma_wait3A_259 = arith.constant 0 : i32
    %dma_wait3A_260 = tpu.memref_slice %arg6[%dma_wait3A_258, %dma_wait3A_259] : memref<160x128xi32, #tpu.memory_space<vmem>> -> memref<1x128xi32, #tpu.memory_space<vmem>>
    %dma_wait3A_261 = tpu.memref_squeeze %dma_wait3A_260 : memref<1x128xi32, #tpu.memory_space<vmem>> -> memref<128xi32, #tpu.memory_space<vmem>>
    %dma_wait3A_262 = arith.constant 0 : i32
    %dma_wait3A_263 = arith.constant 0 : i32
    %dma_wait3A_264 = tpu.memref_slice %arg17[%dma_wait3A_262, %dma_wait3A_263] : memref<10240x16xf32, #tpu.memory_space<vmem_shared>> -> memref<10240x16xf32, #tpu.memory_space<vmem_shared>>
    tpu.wait_indirect_dma semaphore(%arg30 : memref<!tpu.dma_semaphore, #tpu.memory_space<semaphore_mem>>) src(%arg12 : memref<128x16xf32, #tpu.memory_space<vmem>>) dst(%dma_wait3A_264 : memref<10240x16xf32, #tpu.memory_space<vmem_shared>>)
    %dma_wait3A_265 = arith.constant 0 : i32
    %dma_wait3A_266 = arith.constant 0 : i32
    %dma_wait3A_267 = tpu.memref_slice %arg6[%dma_wait3A_265, %dma_wait3A_266] : memref<160x128xi32, #tpu.memory_space<vmem>> -> memref<1x128xi32, #tpu.memory_space<vmem>>
    %dma_wait3A_268 = tpu.memref_squeeze %dma_wait3A_267 : memref<1x128xi32, #tpu.memory_space<vmem>> -> memref<128xi32, #tpu.memory_space<vmem>>
    %dma_wait3A_269 = arith.constant 0 : i32
    %dma_wait3A_270 = arith.constant 0 : i32
    %dma_wait3A_271 = tpu.memref_slice %arg17[%dma_wait3A_269, %dma_wait3A_270] : memref<10240x16xf32, #tpu.memory_space<vmem_shared>> -> memref<10240x16xf32, #tpu.memory_space<vmem_shared>>
    tpu.wait_indirect_dma semaphore(%arg31 : memref<!tpu.dma_semaphore, #tpu.memory_space<semaphore_mem>>) src(%arg13 : memref<128x16xf32, #tpu.memory_space<vmem>>) dst(%dma_wait3A_271 : memref<10240x16xf32, #tpu.memory_space<vmem_shared>>)
    %dma_wait3A_272 = arith.constant 0 : i32
    %dma_wait3A_273 = arith.constant 0 : i32
    %dma_wait3A_274 = tpu.memref_slice %arg6[%dma_wait3A_272, %dma_wait3A_273] : memref<160x128xi32, #tpu.memory_space<vmem>> -> memref<1x128xi32, #tpu.memory_space<vmem>>
    %dma_wait3A_275 = tpu.memref_squeeze %dma_wait3A_274 : memref<1x128xi32, #tpu.memory_space<vmem>> -> memref<128xi32, #tpu.memory_space<vmem>>
    %dma_wait3A_276 = arith.constant 0 : i32
    %dma_wait3A_277 = arith.constant 0 : i32
    %dma_wait3A_278 = tpu.memref_slice %arg17[%dma_wait3A_276, %dma_wait3A_277] : memref<10240x16xf32, #tpu.memory_space<vmem_shared>> -> memref<10240x16xf32, #tpu.memory_space<vmem_shared>>
    tpu.wait_indirect_dma semaphore(%arg32 : memref<!tpu.dma_semaphore, #tpu.memory_space<semaphore_mem>>) src(%arg14 : memref<128x16xf32, #tpu.memory_space<vmem>>) dst(%dma_wait3A_278 : memref<10240x16xf32, #tpu.memory_space<vmem_shared>>)
    %dma_wait3A_279 = arith.constant 0 : i32
    %dma_wait3A_280 = arith.constant 0 : i32
    %dma_wait3A_281 = tpu.memref_slice %arg6[%dma_wait3A_279, %dma_wait3A_280] : memref<160x128xi32, #tpu.memory_space<vmem>> -> memref<1x128xi32, #tpu.memory_space<vmem>>
    %dma_wait3A_282 = tpu.memref_squeeze %dma_wait3A_281 : memref<1x128xi32, #tpu.memory_space<vmem>> -> memref<128xi32, #tpu.memory_space<vmem>>
    %dma_wait3A_283 = arith.constant 0 : i32
    %dma_wait3A_284 = arith.constant 0 : i32
    %dma_wait3A_285 = tpu.memref_slice %arg17[%dma_wait3A_283, %dma_wait3A_284] : memref<10240x16xf32, #tpu.memory_space<vmem_shared>> -> memref<10240x16xf32, #tpu.memory_space<vmem_shared>>
    tpu.wait_indirect_dma semaphore(%arg33 : memref<!tpu.dma_semaphore, #tpu.memory_space<semaphore_mem>>) src(%arg15 : memref<128x16xf32, #tpu.memory_space<vmem>>) dst(%dma_wait3A_285 : memref<10240x16xf32, #tpu.memory_space<vmem_shared>>)
    %barrier3A_286 = arith.constant 0 : index
    tpu.barrier barrier_id(%barrier3A_286)
    %mul3A_287 = arith.constant 640 : i32
    %mul3A_288 = arith.muli %arg1, %mul3A_287 : i32
    %mul3A_289 = arith.constant 640 : i32
    %mul3A_290 = arith.muli %arg1, %mul3A_289 : i32
    "tpu.region"() ({
      %run_scoped3A = tpu.sem_alloc : memref<!tpu.dma_semaphore, #tpu.memory_space<semaphore_mem>>
      %dma_start3A_291 = arith.constant 0 : i32
      %dma_start3A_292 = arith.constant 0 : i32
      %dma_start3A_293 = tpu.memref_slice %arg5[%arg0, %dma_start3A_291, %dma_start3A_292] : memref<2x10240x16xf32, #tpu.memory_space<hbm>> -> memref<1x10240x16xf32, #tpu.memory_space<hbm>>
      %dma_start3A_294 = tpu.memref_squeeze %dma_start3A_293 : memref<1x10240x16xf32, #tpu.memory_space<hbm>> -> memref<10240x16xf32, #tpu.memory_space<hbm>>
      %dma_start3A_295 = arith.constant 0 : i32
      %dma_start3A_296 = tpu.memref_slice %dma_start3A_294[%mul3A_290, %dma_start3A_295] : memref<10240x16xf32, #tpu.memory_space<hbm>> -> memref<640x16xf32, #tpu.memory_space<hbm>>
      %dma_start3A_297 = arith.constant 0 : i32
      %dma_start3A_298 = tpu.memref_slice %arg17[%mul3A_288, %dma_start3A_297] : memref<10240x16xf32, #tpu.memory_space<vmem_shared>> -> memref<640x16xf32, #tpu.memory_space<vmem_shared>>
      tpu.enqueue_dma source(%dma_start3A_298 : memref<640x16xf32, #tpu.memory_space<vmem_shared>>) target(%dma_start3A_296 : memref<640x16xf32, #tpu.memory_space<hbm>>) target_semaphore(%run_scoped3A : memref<!tpu.dma_semaphore, #tpu.memory_space<semaphore_mem>>)
      %dma_wait3A_299 = arith.constant 0 : i32
      %dma_wait3A_300 = arith.constant 0 : i32
      %dma_wait3A_301 = tpu.memref_slice %arg5[%arg0, %dma_wait3A_299, %dma_wait3A_300] : memref<2x10240x16xf32, #tpu.memory_space<hbm>> -> memref<1x10240x16xf32, #tpu.memory_space<hbm>>
      %dma_wait3A_302 = tpu.memref_squeeze %dma_wait3A_301 : memref<1x10240x16xf32, #tpu.memory_space<hbm>> -> memref<10240x16xf32, #tpu.memory_space<hbm>>
      %dma_wait3A_303 = arith.constant 0 : i32
      %dma_wait3A_304 = tpu.memref_slice %dma_wait3A_302[%mul3A_290, %dma_wait3A_303] : memref<10240x16xf32, #tpu.memory_space<hbm>> -> memref<640x16xf32, #tpu.memory_space<hbm>>
      %dma_wait3A_305 = arith.constant 0 : i32
      %dma_wait3A_306 = tpu.memref_slice %arg17[%mul3A_288, %dma_wait3A_305] : memref<10240x16xf32, #tpu.memory_space<vmem_shared>> -> memref<640x16xf32, #tpu.memory_space<vmem_shared>>
      tpu.wait_dma2 semaphore(%run_scoped3A : memref<!tpu.dma_semaphore, #tpu.memory_space<semaphore_mem>>) src(%dma_wait3A_306 : memref<640x16xf32, #tpu.memory_space<vmem_shared>>) dst(%dma_wait3A_304 : memref<640x16xf32, #tpu.memory_space<hbm>>)
      tpu.yield
    }) : () -> ()
    return
  }
}

module attributes {stable_mosaic.version = 14 : i64} {
  func.func @_mm1_kernel(%arg0: i32, %arg1: memref<10000x128xf32, #tpu.memory_space<vmem>>, %arg2: memref<128x64xf32, #tpu.memory_space<vmem>>, %arg3: memref<128x64xf32, #tpu.memory_space<vmem>>, %arg4: memref<1x64xf32, #tpu.memory_space<vmem>>, %arg5: memref<1x64xf32, #tpu.memory_space<vmem>>, %arg6: memref<10000x64xf32, #tpu.memory_space<vmem>>, %arg7: memref<10000x64xf32, #tpu.memory_space<vmem>>) attributes {dimension_semantics = [#tpu.dimension_semantics<arbitrary>], iteration_bounds = array<i64: 1>, scalar_prefetch = 0 : i64, scratch_operands = 0 : i64, tpu.core_type = #tpu.core_type<tc>, window_params = [{transform_indices = @transform_0, window_bounds = array<i64: 10000, 128>}, {pipeline_mode = #tpu.pipeline_mode<synchronous>, transform_indices = @transform_1, window_bounds = array<i64: 128, 64>}, {pipeline_mode = #tpu.pipeline_mode<synchronous>, transform_indices = @transform_2, window_bounds = array<i64: 128, 64>}, {pipeline_mode = #tpu.pipeline_mode<synchronous>, transform_indices = @transform_3, window_bounds = array<i64: 1, 64>}, {pipeline_mode = #tpu.pipeline_mode<synchronous>, transform_indices = @transform_4, window_bounds = array<i64: 1, 64>}, {transform_indices = @transform_5, window_bounds = array<i64: 10000, 64>}, {transform_indices = @transform_6, window_bounds = array<i64: 10000, 64>}]} {
    %get3A = arith.constant 0 : index
    %get3A_0 = arith.constant 0 : index
    %get3A_1 = vector.load %arg1[%get3A, %get3A_0] : memref<10000x128xf32, #tpu.memory_space<vmem>>, vector<10000x128xf32>
    %get3A_2 = arith.constant 0 : index
    %get3A_3 = arith.constant 0 : index
    %get3A_4 = vector.load %arg2[%get3A_2, %get3A_3] : memref<128x64xf32, #tpu.memory_space<vmem>>, vector<128x64xf32>
    %dot_general3A = arith.constant dense<0.000000e+00> : vector<10000x64xf32>
    %dot_general3A_5 = tpu.matmul %get3A_1, %get3A_4, %dot_general3A {dimension_numbers = #tpu.dot_dimension_numbers<[1], [0], [0], [1], [0, 0, 1, 1], [], []>, transpose_lhs_hint = false} : vector<10000x128xf32>, vector<128x64xf32>, vector<10000x64xf32> -> vector<10000x64xf32>
    %get3A_6 = arith.constant 0 : index
    %get3A_7 = arith.constant 0 : index
    %get3A_8 = vector.load %arg3[%get3A_6, %get3A_7] : memref<128x64xf32, #tpu.memory_space<vmem>>, vector<128x64xf32>
    %dot_general3A_9 = arith.constant dense<0.000000e+00> : vector<10000x64xf32>
    %dot_general3A_10 = tpu.matmul %get3A_1, %get3A_8, %dot_general3A_9 {dimension_numbers = #tpu.dot_dimension_numbers<[1], [0], [0], [1], [0, 0, 1, 1], [], []>, transpose_lhs_hint = false} : vector<10000x128xf32>, vector<128x64xf32>, vector<10000x64xf32> -> vector<10000x64xf32>
    %get3A_11 = arith.constant 0 : index
    %get3A_12 = arith.constant 0 : index
    %get3A_13 = vector.load %arg4[%get3A_11, %get3A_12] : memref<1x64xf32, #tpu.memory_space<vmem>>, vector<1x64xf32>
    %add3A = vector.broadcast %get3A_13 : vector<1x64xf32> to vector<10000x64xf32>
    %add3A_14 = arith.addf %dot_general3A_5, %add3A : vector<10000x64xf32>
    %swap3A = arith.constant 0 : index
    %swap3A_15 = arith.constant 0 : index
    %swap3A_16 = vector.load %arg6[%swap3A, %swap3A_15] : memref<10000x64xf32, #tpu.memory_space<vmem>>, vector<10000x64xf32>
    tpu.vector_store %arg6[%swap3A, %swap3A_15], %add3A_14 {strides = array<i32>} : memref<10000x64xf32, #tpu.memory_space<vmem>>, vector<10000x64xf32>,
    %get3A_17 = arith.constant 0 : index
    %get3A_18 = arith.constant 0 : index
    %get3A_19 = vector.load %arg5[%get3A_17, %get3A_18] : memref<1x64xf32, #tpu.memory_space<vmem>>, vector<1x64xf32>
    %add3A_20 = vector.broadcast %get3A_19 : vector<1x64xf32> to vector<10000x64xf32>
    %add3A_21 = arith.addf %dot_general3A_10, %add3A_20 : vector<10000x64xf32>
    %swap3A_22 = arith.constant 0 : index
    %swap3A_23 = arith.constant 0 : index
    %swap3A_24 = vector.load %arg7[%swap3A_22, %swap3A_23] : memref<10000x64xf32, #tpu.memory_space<vmem>>, vector<10000x64xf32>
    tpu.vector_store %arg7[%swap3A_22, %swap3A_23], %add3A_21 {strides = array<i32>} : memref<10000x64xf32, #tpu.memory_space<vmem>>, vector<10000x64xf32>,
    return
  }
  func.func @transform_0(%arg0: i32) -> (i32, i32) {
    %c0_i32 = arith.constant 0 : i32
    %c0_i32_0 = arith.constant 0 : i32
    return %arg0, %c0_i32 : i32, i32
  }
  func.func @transform_1(%arg0: i32) -> (i32, i32) {
    %c0_i32 = arith.constant 0 : i32
    %c0_i32_0 = arith.constant 0 : i32
    %c0_i32_1 = arith.constant 0 : i32
    return %c0_i32, %c0_i32_0 : i32, i32
  }
  func.func @transform_2(%arg0: i32) -> (i32, i32) {
    %c0_i32 = arith.constant 0 : i32
    %c0_i32_0 = arith.constant 0 : i32
    %c0_i32_1 = arith.constant 0 : i32
    return %c0_i32, %c0_i32_0 : i32, i32
  }
  func.func @transform_3(%arg0: i32) -> (i32, i32) {
    %c0_i32 = arith.constant 0 : i32
    %c0_i32_0 = arith.constant 0 : i32
    %c0_i32_1 = arith.constant 0 : i32
    return %c0_i32, %c0_i32_0 : i32, i32
  }
  func.func @transform_4(%arg0: i32) -> (i32, i32) {
    %c0_i32 = arith.constant 0 : i32
    %c0_i32_0 = arith.constant 0 : i32
    %c0_i32_1 = arith.constant 0 : i32
    return %c0_i32, %c0_i32_0 : i32, i32
  }
  func.func @transform_5(%arg0: i32) -> (i32, i32) {
    %c0_i32 = arith.constant 0 : i32
    %c0_i32_0 = arith.constant 0 : i32
    return %arg0, %c0_i32 : i32, i32
  }
  func.func @transform_6(%arg0: i32) -> (i32, i32) {
    %c0_i32 = arith.constant 0 : i32
    %c0_i32_0 = arith.constant 0 : i32
    return %arg0, %c0_i32 : i32, i32
  }
}

module attributes {stable_mosaic.version = 14 : i64} {
  func.func @_mid_kernel(%arg0: i32, %arg1: memref<10000x64xf32, #tpu.memory_space<vmem>>, %arg2: memref<2x10000x64xf32, #tpu.memory_space<vmem>>, %arg3: memref<2x10000x16xf32, #tpu.memory_space<vmem>>, %arg4: memref<64x3xf32, #tpu.memory_space<vmem>>, %arg5: memref<64x3xf32, #tpu.memory_space<vmem>>, %arg6: memref<1x3xf32, #tpu.memory_space<vmem>>, %arg7: memref<1x3xf32, #tpu.memory_space<vmem>>, %arg8: memref<10000x8xf32, #tpu.memory_space<vmem>>, %arg9: memref<10000x16xf32, #tpu.memory_space<vmem>>) attributes {dimension_semantics = [#tpu.dimension_semantics<arbitrary>], iteration_bounds = array<i64: 1>, scalar_prefetch = 0 : i64, scratch_operands = 0 : i64, tpu.core_type = #tpu.core_type<tc>, window_params = [{transform_indices = @transform_0, window_bounds = array<i64: 10000, 64>}, {transform_indices = @transform_1, window_bounds = array<i64: 2, 10000, 64>}, {transform_indices = @transform_2, window_bounds = array<i64: 2, 10000, 16>}, {pipeline_mode = #tpu.pipeline_mode<synchronous>, transform_indices = @transform_3, window_bounds = array<i64: 64, 3>}, {pipeline_mode = #tpu.pipeline_mode<synchronous>, transform_indices = @transform_4, window_bounds = array<i64: 64, 3>}, {pipeline_mode = #tpu.pipeline_mode<synchronous>, transform_indices = @transform_5, window_bounds = array<i64: 1, 3>}, {pipeline_mode = #tpu.pipeline_mode<synchronous>, transform_indices = @transform_6, window_bounds = array<i64: 1, 3>}, {transform_indices = @transform_7, window_bounds = array<i64: 10000, 8>}, {transform_indices = @transform_8, window_bounds = array<i64: 10000, 16>}]} {
    %get3A = arith.constant 0 : index
    %get3A_0 = arith.constant 0 : index
    %get3A_1 = arith.constant 0 : index
    %get3A_2 = vector.load %arg2[%get3A, %get3A_0, %get3A_1] : memref<2x10000x64xf32, #tpu.memory_space<vmem>>, vector<2x10000x64xf32>
    %slice3A = vector.extract_strided_slice %get3A_2 {offsets = [0, 0, 0], sizes = [1, 10000, 64], strides = [1, 1, 1]} : vector<2x10000x64xf32> to vector<1x10000x64xf32>
    %squeeze3A = vector.shape_cast %slice3A : vector<1x10000x64xf32> to vector<10000x64xf32>
    %slice3A_3 = vector.extract_strided_slice %get3A_2 {offsets = [1, 0, 0], sizes = [1, 10000, 64], strides = [1, 1, 1]} : vector<2x10000x64xf32> to vector<1x10000x64xf32>
    %squeeze3A_4 = vector.shape_cast %slice3A_3 : vector<1x10000x64xf32> to vector<10000x64xf32>
    %add3A = arith.addf %squeeze3A, %squeeze3A_4 : vector<10000x64xf32>
    %get3A_5 = arith.constant 0 : index
    %get3A_6 = arith.constant 0 : index
    %get3A_7 = arith.constant 0 : index
    %get3A_8 = vector.load %arg3[%get3A_5, %get3A_6, %get3A_7] : memref<2x10000x16xf32, #tpu.memory_space<vmem>>, vector<2x10000x16xf32>
    %slice3A_9 = vector.extract_strided_slice %get3A_8 {offsets = [0, 0, 0], sizes = [1, 10000, 16], strides = [1, 1, 1]} : vector<2x10000x16xf32> to vector<1x10000x16xf32>
    %squeeze3A_10 = vector.shape_cast %slice3A_9 : vector<1x10000x16xf32> to vector<10000x16xf32>
    %slice3A_11 = vector.extract_strided_slice %get3A_8 {offsets = [1, 0, 0], sizes = [1, 10000, 16], strides = [1, 1, 1]} : vector<2x10000x16xf32> to vector<1x10000x16xf32>
    %squeeze3A_12 = vector.shape_cast %slice3A_11 : vector<1x10000x16xf32> to vector<10000x16xf32>
    %add3A_13 = arith.addf %squeeze3A_10, %squeeze3A_12 : vector<10000x16xf32>
    %slice3A_14 = vector.extract_strided_slice %add3A_13 {offsets = [0, 0], sizes = [10000, 1], strides = [1, 1]} : vector<10000x16xf32> to vector<10000x1xf32>
    %div3A = arith.constant 1.000000e+00 : f32
    %div3A_15 = vector.broadcast %div3A : f32 to vector<10000x1xf32>
    %div3A_16 = arith.divf %div3A_15, %slice3A_14 : vector<10000x1xf32>
    %get3A_17 = arith.constant 0 : index
    %get3A_18 = arith.constant 0 : index
    %get3A_19 = vector.load %arg1[%get3A_17, %get3A_18] : memref<10000x64xf32, #tpu.memory_space<vmem>>, vector<10000x64xf32>
    %add3A_20 = arith.addf %get3A_19, %add3A : vector<10000x64xf32>
    %mul3A = vector.broadcast %div3A_16 : vector<10000x1xf32> to vector<10000x64xf32>
    %mul3A_21 = arith.mulf %add3A_20, %mul3A : vector<10000x64xf32>
    %max3A = arith.constant 0.000000e+00 : f32
    %max3A_22 = vector.broadcast %max3A : f32 to vector<10000x64xf32>
    %max3A_23 = arith.maximumf %mul3A_21, %max3A_22 : vector<10000x64xf32>
    %get3A_24 = arith.constant 0 : index
    %get3A_25 = arith.constant 0 : index
    %get3A_26 = vector.load %arg4[%get3A_24, %get3A_25] : memref<64x3xf32, #tpu.memory_space<vmem>>, vector<64x3xf32>
    %dot_general3A = arith.constant dense<0.000000e+00> : vector<10000x3xf32>
    %dot_general3A_27 = tpu.matmul %max3A_23, %get3A_26, %dot_general3A {dimension_numbers = #tpu.dot_dimension_numbers<[1], [0], [0], [1], [0, 0, 1, 1], [], []>, transpose_lhs_hint = false} : vector<10000x64xf32>, vector<64x3xf32>, vector<10000x3xf32> -> vector<10000x3xf32>
    %get3A_28 = arith.constant 0 : index
    %get3A_29 = arith.constant 0 : index
    %get3A_30 = vector.load %arg6[%get3A_28, %get3A_29] : memref<1x3xf32, #tpu.memory_space<vmem>>, vector<1x3xf32>
    %add3A_31 = vector.broadcast %get3A_30 : vector<1x3xf32> to vector<10000x3xf32>
    %add3A_32 = arith.addf %dot_general3A_27, %add3A_31 : vector<10000x3xf32>
    %get3A_33 = arith.constant 0 : index
    %get3A_34 = arith.constant 0 : index
    %get3A_35 = vector.load %arg5[%get3A_33, %get3A_34] : memref<64x3xf32, #tpu.memory_space<vmem>>, vector<64x3xf32>
    %dot_general3A_36 = arith.constant dense<0.000000e+00> : vector<10000x3xf32>
    %dot_general3A_37 = tpu.matmul %max3A_23, %get3A_35, %dot_general3A_36 {dimension_numbers = #tpu.dot_dimension_numbers<[1], [0], [0], [1], [0, 0, 1, 1], [], []>, transpose_lhs_hint = false} : vector<10000x64xf32>, vector<64x3xf32>, vector<10000x3xf32> -> vector<10000x3xf32>
    %get3A_38 = arith.constant 0 : index
    %get3A_39 = arith.constant 0 : index
    %get3A_40 = vector.load %arg7[%get3A_38, %get3A_39] : memref<1x3xf32, #tpu.memory_space<vmem>>, vector<1x3xf32>
    %add3A_41 = vector.broadcast %get3A_40 : vector<1x3xf32> to vector<10000x3xf32>
    %add3A_42 = arith.addf %dot_general3A_37, %add3A_41 : vector<10000x3xf32>
    %broadcast_in_dim3A = arith.constant 0.000000e+00 : f32
    %broadcast_in_dim3A_43 = vector.broadcast %broadcast_in_dim3A : f32 to vector<10000x4xf32>
    %concatenate3A = tpu.concatenate %add3A_32, %div3A_16, %broadcast_in_dim3A_43 in 1 : vector<10000x3xf32>, vector<10000x1xf32>, vector<10000x4xf32> -> vector<10000x8xf32>
    %swap3A = arith.constant 0 : index
    %swap3A_44 = arith.constant 0 : index
    %swap3A_45 = vector.load %arg8[%swap3A, %swap3A_44] : memref<10000x8xf32, #tpu.memory_space<vmem>>, vector<10000x8xf32>
    tpu.vector_store %arg8[%swap3A, %swap3A_44], %concatenate3A {strides = array<i32>} : memref<10000x8xf32, #tpu.memory_space<vmem>>, vector<10000x8xf32>,
    %broadcast_in_dim3A_46 = arith.constant 0.000000e+00 : f32
    %broadcast_in_dim3A_47 = vector.broadcast %broadcast_in_dim3A_46 : f32 to vector<10000x13xf32>
    %concatenate3A_48 = tpu.concatenate %add3A_42, %broadcast_in_dim3A_47 in 1 : vector<10000x3xf32>, vector<10000x13xf32> -> vector<10000x16xf32>
    %swap3A_49 = arith.constant 0 : index
    %swap3A_50 = arith.constant 0 : index
    %swap3A_51 = vector.load %arg9[%swap3A_49, %swap3A_50] : memref<10000x16xf32, #tpu.memory_space<vmem>>, vector<10000x16xf32>
    tpu.vector_store %arg9[%swap3A_49, %swap3A_50], %concatenate3A_48 {strides = array<i32>} : memref<10000x16xf32, #tpu.memory_space<vmem>>, vector<10000x16xf32>,
    return
  }
  func.func @transform_0(%arg0: i32) -> (i32, i32) {
    %c0_i32 = arith.constant 0 : i32
    %c0_i32_0 = arith.constant 0 : i32
    return %arg0, %c0_i32 : i32, i32
  }
  func.func @transform_1(%arg0: i32) -> (i32, i32, i32) {
    %c0_i32 = arith.constant 0 : i32
    %c0_i32_0 = arith.constant 0 : i32
    %c0_i32_1 = arith.constant 0 : i32
    return %c0_i32, %arg0, %c0_i32_0 : i32, i32, i32
  }
  func.func @transform_2(%arg0: i32) -> (i32, i32, i32) {
    %c0_i32 = arith.constant 0 : i32
    %c0_i32_0 = arith.constant 0 : i32
    %c0_i32_1 = arith.constant 0 : i32
    return %c0_i32, %arg0, %c0_i32_0 : i32, i32, i32
  }
  func.func @transform_3(%arg0: i32) -> (i32, i32) {
    %c0_i32 = arith.constant 0 : i32
    %c0_i32_0 = arith.constant 0 : i32
    %c0_i32_1 = arith.constant 0 : i32
    return %c0_i32, %c0_i32_0 : i32, i32
  }
  func.func @transform_4(%arg0: i32) -> (i32, i32) {
    %c0_i32 = arith.constant 0 : i32
    %c0_i32_0 = arith.constant 0 : i32
    %c0_i32_1 = arith.constant 0 : i32
    return %c0_i32, %c0_i32_0 : i32, i32
  }
  func.func @transform_5(%arg0: i32) -> (i32, i32) {
    %c0_i32 = arith.constant 0 : i32
    %c0_i32_0 = arith.constant 0 : i32
    %c0_i32_1 = arith.constant 0 : i32
    return %c0_i32, %c0_i32_0 : i32, i32
  }
  func.func @transform_6(%arg0: i32) -> (i32, i32) {
    %c0_i32 = arith.constant 0 : i32
    %c0_i32_0 = arith.constant 0 : i32
    %c0_i32_1 = arith.constant 0 : i32
    return %c0_i32, %c0_i32_0 : i32, i32
  }
  func.func @transform_7(%arg0: i32) -> (i32, i32) {
    %c0_i32 = arith.constant 0 : i32
    %c0_i32_0 = arith.constant 0 : i32
    return %arg0, %c0_i32 : i32, i32
  }
  func.func @transform_8(%arg0: i32) -> (i32, i32) {
    %c0_i32 = arith.constant 0 : i32
    %c0_i32_0 = arith.constant 0 : i32
    return %arg0, %c0_i32 : i32, i32
  }
}

module attributes {stable_mosaic.version = 14 : i64} {
  func.func @_final_kernel(%arg0: i32, %arg1: memref<10000x8xf32, #tpu.memory_space<vmem>>, %arg2: memref<2x10000x16xf32, #tpu.memory_space<vmem>>, %arg3: memref<10000x3xf32, #tpu.memory_space<vmem>>) attributes {dimension_semantics = [#tpu.dimension_semantics<arbitrary>], iteration_bounds = array<i64: 1>, scalar_prefetch = 0 : i64, scratch_operands = 0 : i64, tpu.core_type = #tpu.core_type<tc>, window_params = [{transform_indices = @transform_0, window_bounds = array<i64: 10000, 8>}, {transform_indices = @transform_1, window_bounds = array<i64: 2, 10000, 16>}, {transform_indices = @transform_2, window_bounds = array<i64: 10000, 3>}]} {
    %get3A = arith.constant 0 : index
    %get3A_0 = arith.constant 0 : index
    %get3A_1 = arith.constant 0 : index
    %get3A_2 = vector.load %arg2[%get3A, %get3A_0, %get3A_1] : memref<2x10000x16xf32, #tpu.memory_space<vmem>>, vector<2x10000x16xf32>
    %slice3A = vector.extract_strided_slice %get3A_2 {offsets = [0, 0, 0], sizes = [1, 10000, 16], strides = [1, 1, 1]} : vector<2x10000x16xf32> to vector<1x10000x16xf32>
    %squeeze3A = vector.shape_cast %slice3A : vector<1x10000x16xf32> to vector<10000x16xf32>
    %slice3A_3 = vector.extract_strided_slice %get3A_2 {offsets = [1, 0, 0], sizes = [1, 10000, 16], strides = [1, 1, 1]} : vector<2x10000x16xf32> to vector<1x10000x16xf32>
    %squeeze3A_4 = vector.shape_cast %slice3A_3 : vector<1x10000x16xf32> to vector<10000x16xf32>
    %add3A = arith.addf %squeeze3A, %squeeze3A_4 : vector<10000x16xf32>
    %get3A_5 = arith.constant 0 : index
    %get3A_6 = arith.constant 0 : index
    %get3A_7 = vector.load %arg1[%get3A_5, %get3A_6] : memref<10000x8xf32, #tpu.memory_space<vmem>>, vector<10000x3xf32>
    %slice3A_8 = vector.extract_strided_slice %add3A {offsets = [0, 0], sizes = [10000, 3], strides = [1, 1]} : vector<10000x16xf32> to vector<10000x3xf32>
    %add3A_9 = arith.addf %get3A_7, %slice3A_8 : vector<10000x3xf32>
    %get3A_10 = arith.constant 0 : index
    %get3A_11 = arith.constant 3 : index
    %get3A_12 = vector.load %arg1[%get3A_10, %get3A_11] : memref<10000x8xf32, #tpu.memory_space<vmem>>, vector<10000x1xf32>
    %mul3A = vector.broadcast %get3A_12 : vector<10000x1xf32> to vector<10000x3xf32>
    %mul3A_13 = arith.mulf %add3A_9, %mul3A : vector<10000x3xf32>
    %swap3A = arith.constant 0 : index
    %swap3A_14 = arith.constant 0 : index
    %swap3A_15 = vector.load %arg3[%swap3A, %swap3A_14] : memref<10000x3xf32, #tpu.memory_space<vmem>>, vector<10000x3xf32>
    tpu.vector_store %arg3[%swap3A, %swap3A_14], %mul3A_13 {strides = array<i32>} : memref<10000x3xf32, #tpu.memory_space<vmem>>, vector<10000x3xf32>,
    return
  }
  func.func @transform_0(%arg0: i32) -> (i32, i32) {
    %c0_i32 = arith.constant 0 : i32
    %c0_i32_0 = arith.constant 0 : i32
    return %arg0, %c0_i32 : i32, i32
  }
  func.func @transform_1(%arg0: i32) -> (i32, i32, i32) {
    %c0_i32 = arith.constant 0 : i32
    %c0_i32_0 = arith.constant 0 : i32
    %c0_i32_1 = arith.constant 0 : i32
    return %c0_i32, %arg0, %c0_i32_0 : i32, i32, i32
  }
  func.func @transform_2(%arg0: i32) -> (i32, i32) {
    %c0_i32 = arith.constant 0 : i32
    %c0_i32_0 = arith.constant 0 : i32
    return %arg0, %c0_i32 : i32, i32
  }
}

</mosaic_0001>

<sc_bundles>
// kernel: kernel.11.cloned.1.call-start
scs
__scs_entry_jumppad:
0x0: {  	(pc) =	sbr.rel $0x88, $3  }
0x1: {  	(tag) =	ssettag $0x0;
	lr =	simm.s32 $0x1  }
0x2: {  	[smem:$0x3F97] =	sst lr;
	_ =	strace $0xD0000000  }
0x3: {  	_ = 	snop  }
0x4: {  	_ = 	snop  }
0x5: {  	_ = 	snop  }
0x6: {  	_ = 	snop  }
0x7: {  	_ = 	snop  }
__scs_overlays_trampoline_lowered:
0x8: {  	[smem:$0x3FA6] =	sst s0  }
0x9: {  	[smem:$0x3FA7] =	sst s1  }
0xa: {  	[smem:$0x3FA8] =	sst s2  }
0xb: {  	[smem:$0x3FA9] =	sst s3  }
0xc: {  	[smem:$0x3FAA] =	sst s4  }
0xd: {  	[smem:$0x3FAB] =	sst s5  }
0xe: {  	[smem:$0x3FAC] =	sst s6  }
0xf: {  	[smem:$0x3FAD] =	sst s7  }
0x10: {  	[smem:$0x3FAE] =	sst s8  }
0x11: {  	[smem:$0x3FAF] =	sst s9;
	s0 =	simm.s32 @!p0 $0x0  }
0x12: {  	s1 =	sld [smem:$0x3F95];
	s0 =	simm.s32 @p0 $0x1  }
0x13: {  	[smem:$0x3FB0] =	sst s0;
	s0 =	simm.s32 @!p1 $0x0  }
0x14: {  	s2 =	sld [smem:$0x3F94];
	s0 =	simm.s32 @p1 $0x1  }
0x15: {  	[smem:$0x3FB1] =	sst s0;
	s0 =	simm.s32 @!p2 $0x0  }
0x16: {  	s3 =	sld [smem:$0x3FDB];
	s0 =	simm.s32 @p2 $0x1  }
0x17: {  	s4 =	simm.s32 $0x1BF5;
	[smem:$0x3FB3] =	sst s0  }
0x18: {  	s0 =	sld [smem:$0x3F96];
	_ =	swait.ge [sflag:s4], $0x0  }
0x19: {  	s7 =	sld [smem:$0x3F97]  }
0x1a: {  	s8 =	sadd.s32 $0xFFFFE003, lr  }
0x1b: {  	s9 =	sadd.s32 $0xFFFFFEF7, lr;
	s5 =	simm.s32 $0xFFFFFFFF;
	p2 =	slt.u32 s8, $0xFFFFF086  }
0x1c: {  	p1 =	slt.u32 s9, $0xF7A;
	s5 =	simm.s32 @!p2 $0x0  }
0x1d: {  	s5 =	simm.s32 @p1 $0x1;
	p0 =	seq.s32 s7, s2  }
0x1e: {  	s7 =	smul.u32 @!p0 $0xF7A, s2;
	p2 =	seq.s32 @!p0 s5, $0x0  }
0x1f: {  	s9 =	smul.u32 $0xF7A, s1;
	s8 =	simm.s32 @!p0 $0x1BF5;
	p2 =	por !p2, p0  }
0x20: {  	[sflag:s8] =	ssyncset.s32 @!p0 $0xFFFFF086;
	s6 =	sadd.s32 @!p0 s3, s7;
	s7 =	simm.s32 @!p0 $0x108  }
0x21: {  	s3 =	sadd.s32 s3, s9;
	s6 =	sadd.s32 @!p0 $0x88, s6;
	s7 =	simm.s32 @p2 $0x1082  }
0x22: {  	[simem:s7], [sflag:s8] =	dma.local @!p0 [hbm:s6], $0xF7A  }
0x23: {  	s9 =	sor.u32 $0xD0000000, s2;
	s6 =	simm.s32 $0x108;
	_ =	swait.ge @!p0 [sflag:s8], $0x0  }
0x24: {  	s3 =	sadd.s32 $0x88, s3;
	s6 =	simm.s32 @!p1 $0x1082;
	[sflag:s4] =	ssyncset.s32 $0xFFFFF086  }
0x25: {  	[simem:s6], [sflag:s4] =	dma.local [hbm:s3], $0xF7A  }
0x26: {  	[smem:$0x3F97] =	sst s1;
	(tag) =	ssettag s2;
	_ =	strace s9  }
0x27: {  	s1 =	sld [smem:$0x3FA7]  }
0x28: {  	s2 =	sld [smem:$0x3FA8]  }
0x29: {  	s4 =	sld [smem:$0x3FAA]  }
0x2a: {  	p0 =	seq.s32 s5, $0x0;
	s5 =	sld [smem:$0x3FAB]  }
0x2b: {  	s6 =	sld [smem:$0x3FAC]  }
0x2c: {  	s7 =	sld [smem:$0x3FAD]  }
0x2d: {  	s3 =	simm.s32 $0x108;
	s8 =	sld [smem:$0x3FAE]  }
0x2e: {  	s3 =	simm.s32 @!p0 $0x1082;
	s9 =	sld [smem:$0x3FAF]  }
0x2f: {  	lr =	sadd.s32 s0, s3;
	s0 =	sld [smem:$0x3FA6]  }
0x30: {  	s3 =	sld [smem:$0x3FA9]  }
0x31: {  	[smem:$0x3FB2] =	sst s10  }
0x32: {  	s10 =	sld [smem:$0x3FB0];
	_ =	sdelay $0x3  }
0x33: {  	p0 =	seq.s32 s10, $0x1;
	s10 =	sld [smem:$0x3FB2];
	_ =	sdelay $0x3  }
0x34: {  	[smem:$0x3FB2] =	sst s10  }
0x35: {  	s10 =	sld [smem:$0x3FB1];
	_ =	sdelay $0x3  }
0x36: {  	p1 =	seq.s32 s10, $0x1;
	s10 =	sld [smem:$0x3FB2];
	_ =	sdelay $0x3  }
0x37: {  	[smem:$0x3FB2] =	sst s10  }
0x38: {  	s10 =	sld [smem:$0x3FB3]  }
0x39: {  	_ = 	snop;
	(pc) =	sbr.ind lr, $3  }
0x3a: {  	_ = 	snop  }
0x3b: {  	_ = 	snop  }
0x3c: {  	p2 =	seq.s32 s10, $0x1;
	s10 =	sld [smem:$0x3FB2]  }
0x3d: {  	_ =	shalt  }
0x3e: {  	_ =	shalt  }
0x3f: {  	_ =	shalt  }
0x40: {  	_ =	shalt  }
0x41: {  	_ =	shalt  }
0x42: {  	_ =	shalt  }
0x43: {  	_ =	shalt  }
0x44: {  	_ =	shalt  }
0x45: {  	_ =	shalt  }
0x46: {  	_ =	shalt  }
0x47: {  	_ =	shalt  }
0x48: {  	_ =	shalt  }
0x49: {  	_ =	shalt  }
0x4a: {  	_ =	shalt  }
0x4b: {  	_ =	shalt  }
0x4c: {  	_ =	shalt  }
0x4d: {  	_ =	shalt  }
0x4e: {  	_ =	shalt  }
0x4f: {  	_ =	shalt  }
0x50: {  	_ =	shalt  }
0x51: {  	_ =	shalt  }
0x52: {  	_ =	shalt  }
0x53: {  	_ =	shalt  }
0x54: {  	_ =	shalt  }
0x55: {  	_ =	shalt  }
0x56: {  	_ =	shalt  }
0x57: {  	_ =	shalt  }
0x58: {  	_ =	shalt  }
0x59: {  	_ =	shalt  }
0x5a: {  	_ =	shalt  }
0x5b: {  	_ =	shalt  }
0x5c: {  	_ =	shalt  }
0x5d: {  	_ =	shalt  }
0x5e: {  	_ =	shalt  }
0x5f: {  	_ =	shalt  }
0x60: {  	_ =	shalt  }
0x61: {  	_ =	shalt  }
0x62: {  	_ =	shalt  }
0x63: {  	_ =	shalt  }
0x64: {  	_ =	shalt  }
0x65: {  	_ =	shalt  }
0x66: {  	_ =	shalt  }
0x67: {  	_ =	shalt  }
0x68: {  	_ =	shalt  }
0x69: {  	_ =	shalt  }
0x6a: {  	_ =	shalt  }
0x6b: {  	_ =	shalt  }
0x6c: {  	_ =	shalt  }
0x6d: {  	_ =	shalt  }
0x6e: {  	_ =	shalt  }
0x6f: {  	_ =	shalt  }
0x70: {  	_ =	shalt  }
0x71: {  	_ =	shalt  }
0x72: {  	_ =	shalt  }
0x73: {  	_ =	shalt  }
0x74: {  	_ =	shalt  }
0x75: {  	_ =	shalt  }
0x76: {  	_ =	shalt  }
0x77: {  	_ =	shalt  }
0x78: {  	_ =	shalt  }
0x79: {  	_ =	shalt  }
0x7a: {  	_ =	shalt  }
0x7b: {  	_ =	shalt  }
0x7c: {  	_ =	shalt  }
0x7d: {  	_ =	shalt  }
0x7e: {  	_ =	shalt  }
0x7f: {  	_ =	shalt  }
0x80: {  	_ =	shalt  }
0x81: {  	_ =	shalt  }
0x82: {  	_ =	shalt  }
0x83: {  	_ =	shalt  }
0x84: {  	_ =	shalt  }
0x85: {  	_ =	shalt  }
0x86: {  	_ =	shalt  }
0x87: {  	_ =	shalt  }
.Lfunc_end0:
.L_simem_size_0:
called_computation.1_lowered:
.L_overlay_start_0:
0x88: {  	s2 =	sld [smem:$0x3FD9]  }
0x89: {  	s3 =	sld [smem:$0x3FFE];
	_ =	sdelay $0x1  }
0x8a: {  	s1 =	srdreg.scid  }
0x8b: {  	s0 =	sand.u32 $0x1, s1  }
0x8c: {  	s17 =	sshll.u32 s0, $0xA;
	s2 =	sadd.s32 s3, s2  }
0x8d: {  	s2 =	sadd.s32 s2, s17  }
0x8e: {  	[smem:$0x3FBE] =	sst s2  }
0x8f: {  	_ = 	snop  }
0x90: {  	(tm) =	ssettm $0x1  }
0x91: {  	s18 =	sld [smem:$0x3FFB];
	_ =	sdelay $0x3  }
0x92: {  	_ =	strace s18  }
0x93: {  	s2 =	sld [smem:$0x3FFC];
	_ =	sdelay $0x3  }
0x94: {  	_ =	strace s2  }
0x95: {  	s2 =	sld [smem:$0x3FFD];
	_ =	sdelay $0x3  }
0x96: {  	_ =	strace s2  }
0x97: {  	_ =	strace $0x8FFFFFFF  }
0x98: {  	s19 =	sld [smem:$0x3FDB];
	_ =	sdelay $0x1  }
0x99: {  	s20 =	simm.s32 $_scs_section_size  }
0x9a: {  	s4 =	simm.s32 $_size__tile_overlayer_lowered;
	s5 =	simm.s32 $_tile_overlayer_lowered  }
0x9b: {  	s6 =	simm.s32 $0x1BFF;
	s21 =	sshll.u32 s5, $0x1;
	s3 =	sadd.s32 s20, s19  }
0x9c: {  	s22 =	simm.s32 $0x0;
	s4 =	sshll.u32 s4, $0x1;
	s5 =	sadd.s32 s21, s3  }
0x9d: {  	[timem:s22], [sflag:s6] =	dma.local [hbm:s5], s4  }
0x9e: {  	_ =	swait.ge [sflag:s6], s4  }
0x9f: {  	s4 =	ssub.s32 $0x0, s4;
	[sflag:s6] =	ssyncset.done $0x0  }
0xa0: {  	[sflag:s6] =	ssyncadd.s32 s4;
	_ =	sdelay $0x1  }
0xa1: {  	s23 =	simm.s32 $0x1B8B  }
0xa2: {  	_ =	swait.ge [sflag:s23], $0x1  }
0xa3: {  	[sflag:s23] =	ssyncset.done $0x0  }
0xa4: {  	[sflag:s23] =	ssyncadd.s32 $0xFFFFFFFF  }
0xa5: {  	s4 =	sld [smem:$0x0]  }
0xa6: {  	s5 =	sand.u32 $0xFFFFFFFE, s1  }
0xa7: {  	p0 =	sne.s32 s1, s5  }
0xa8: {  	s5 =	sshll.u32 @p0 s5, $0xE  }
0xa9: {  	s5 =	sadd.s32 @p0 $0x11B8D, s5;
	s6 =	sshll.u32 @p0 s4, $0x11  }
0xaa: {  	s5 =	sor.u32 @p0 s6, s5  }
0xab: {  	[sflag:s5] =	ssyncadd.remote.s32 @p0 $0x1;
	_ =	sdelay $0x1  }
0xac: {  	s5 =	simm.s32 @p0 $0x1B8D  }
0xad: {  	_ =	swait.eq @p0 [sflag:s5], $0x1  }
0xae: {  	[sflag:s5] =	ssyncadd.s32 @p0 $0xFFFFFFFF  }
0xaf: {  	s6 =	sshll.u32 @!p0 s1, $0xE  }
0xb0: {  	s6 =	sor.u32 @!p0 $0x4000, s6;
	s5 =	simm.s32 @!p0 $0x1B8D  }
0xb1: {  	s4 =	sshll.u32 @!p0 s4, $0x11;
	s6 =	sadd.s32 @!p0 $0x11B8D, s6;
	_ =	swait.eq @!p0 [sflag:s5], $0x1  }
0xb2: {  	s4 =	sor.u32 @!p0 s4, s6;
	[sflag:s5] =	ssyncadd.s32 @!p0 $0xFFFFFFFF  }
0xb3: {  	s25 =	simm.s32 $0x1B8E;
	s24 =	sld [smem:$0x3FFE];
	[sflag:s4] =	ssyncadd.remote.s32 @!p0 $0x1  }
0xb4: {  	s26 =	simm.s32 $execute0_lowered;
	[smem:$0x3FD2] =	sst s25  }
0xb5: {  	s5 =	sshll.u32 s26, $0x1;
	_ =	strace $0x80000049;
	[dreg:$0x1] =	wrdreg $0xFFFFFFFF  }
0xb6: {  	s28 =	simm.s32 $_size_execute0_lowered;
	s3 =	sadd.s32 s3, s5;
	[dreg:$0x0] =	wrdreg $0x0  }
0xb7: {  	s5 =	sshll.u32 s28, $0x1;
	[dreg:$0x2] =	wrdreg s3  }
0xb8: {  	[dreg:$0x3] =	wrdreg s5  }
0xb9: {  	[dreg:$0x4] =	wrdreg $0xC0  }
0xba: {  	_ =	task [dreg:s22], $0x5FFFF  }
0xbb: {  	[dreg:$0x1] =	wrdreg $0xFFFFFFFF  }
0xbc: {  	[dreg:$0x0] =	wrdreg $0x60  }
0xbd: {  	[dreg:$0x2] =	wrdreg s24  }
0xbe: {  	[dreg:$0x3] =	wrdreg $0x140000  }
0xbf: {  	[dreg:$0x4] =	wrdreg $0xA  }
0xc0: {  	_ =	task.clear_ibuf [dreg:s22], $0x5FFFF;
	_ =	strace $0x90000049  }
0xc1: {  	s29 =	simm.s32 $0xA;
	_ =	strace $0x8000004B  }
0xc2: {  	_ =	swait.ge [sflag:s29], $0x1  }
0xc3: {  	[sflag:s29] =	ssyncadd.s32 $0xFFFFFFFF  }
0xc4: {  	_ =	strace $0x9000004B  }
0xc5: {  	_ =	sfence  }
0xc6: {  	s30 =	sld [smem:$0x0];
	_ =	sdelay $0x2  }
0xc7: {  	s31 =	sshll.u32 s1, $0xD;
	s1 =	sshrl.u32 s1, $0x2  }
0xc8: {  	s4 =	sand.u32 $0x4000, s31;
	s1 =	sadd.s32 s1, s30  }
0xc9: {  	s0 =	sor.u32 s4, s0;
	s1 =	sshll.u32 s1, $0x11  }
0xca: {  	s0 =	sor.u32 s1, s0  }
0xcb: {  	s0 =	sadd.s32 $0x8F2B, s0  }
0xcc: {  	[sflag:s0] =	ssyncadd.remote.s32 $0x1  }
0xcd: {  	_ =	sfence.sel $0xFFFF  }
0xce: {  	[dreg:$0x0] =	wrdreg $0xFFFFFFFF;
	(pc) =	sbr.abs _section_cstart, $3  }
0xcf: {  	[dreg:$0x1] =	wrdreg $0xFFFFFFFF  }
0xd0: {  	_ =	task.clear_ibuf [dreg:s22], $0x2FFFF;
	_ =	strace $0x9FFFFFFF  }
0xd1: {  	(tm) =	ssettm $0x7FFFFFFF  }
tec
execute0_lowered:
.L_overlay_start_1:
0x0: {  	(tag) =	ssettag $0x1  }
0x1: {  	s0 =	rddreg [dreg:$0x0];
	s1 =	srdreg.scid  }
0x2: {  	s9 =	stileid.u32;
	s2 =	rddreg [dreg:$0x1]  }
0x3: {  	s3 =	simm.s32 $0x0;
	s13 =	simm.s32 $0x5000;
	s14 =	simm.s32 $0x12000  }
0x4: {  	s15 =	simm.s32 $0x6;
	s16 =	simm.s32 $0x5;
	s17 =	simm.s32 $0x80  }
0x5: {  	s18 =	simm.s32 $0xA000;
	s20 =	simm.s32 $0xC000;
	s22 =	simm.s32 $0xE000  }
0x6: {  	s25 =	simm.s32 $0x10000;
	s26 =	simm.s32 $0x1;
	s28 =	simm.s32 $0x2  }
0x7: {  	s29 =	simm.s32 $0x3;
	s30 =	simm.s32 $0x4;
	s21 =	simm.s32 $0x0  }
0x8: {  	s1 =	sand.u32 $0x1, s1;
	s4 =	sshll.u32 s9, $0x1;
	s7 =	smul.u32 $0x28000, s9  }
0x9: {  	[smem:$0x7FF] =	sst s3;
	s12 =	smul.u32 $0xA000, s9;
	s4 =	sor.u32 s1, s4  }
0xa: {  	_ =	strace $0x8000004A;
	s6 =	smul.u32 $0x14000, s1;
	s1 =	ssub.s32 $0x2, s1  }
0xb: {  	s5 =	smul.u32 $0xA00, s4;
	s4 =	sadd.s32 $0x34400, s0;
	s31 =	sshrl.u32 s1, $0x1  }
0xc: {  	s7 =	sshrl.u32 s7, $0x2;
	s19 =	sshrl.u32 s12, $0x3;
	s1 =	ssub.s32 s1, s31  }
0xd: {  	s11 =	sadd.s32 s7, s2;
	s7 =	sadd.s32 s12, s2;
	s8 =	sadd.s32 s5, s0  }
0xe: {  	s0 =	sadd.s32 s6, s0;
	s9 =	sadd.s32 $0x4000, s11;
	s10 =	sadd.s32 $0x6000, s11  }
0xf: {  	s12 =	smax.u32 s1, $0x1;
	s5 =	sadd.s32 $0x16400, s8;
	s6 =	sadd.s32 $0x2400, s8  }
0x10: {  	s8 =	sadd.s32 $0x2000, s11;
	s11 =	sadd.s32 $0x8000, s11;
	s0 =	sadd.s32 $0x47E00, s0  }
0x11: {  	v0 =	vimm.f32 $0.0e+00;
	s24 =	sadd.s32 s19, s0;
	s0 =	simm.s32 $0x4F00;
	s19 =	simm.s32 $0x4F80  }
.LBB2_1:
0x12: {  	[tilespmem:s3], [sflag:$0x5] =	stream.linear.gather [hbm4b:s5+s3], $0x5000, $0x38;
	[tilespmem:$0x1E000] =	vst v63  }
0x13: {  	s31 =	simm.s32 $0x100;
	s23 =	simm.s32 $0x0  }
0x14: {  	[tilespmem:s13], [sflag:$0x5] =	stream.linear.gather [hbm4b:s6+s3], $0x5000, $0x38;
	[tilespmem:$0x1E000] =	vst v63  }
.LBB2_2:
0x15: {  	p0 =	sne.s32 s31, $0x7F00;
	[tilespmem:s23+$0x12030] =	vst v0;
	s1 =	smov.u32 s31;
	s31 =	sadd.s32 $0x100, s31  }
.Ltmp0:
0x16: {  	[tilespmem:s23+$0x12020] =	vst v0;
	(pc) =	sbr.rel @p0 .LBB2_2-.Ltmp0, $3  }
0x17: {  	[tilespmem:s23+$0x12000] =	vst v0  }
0x18: {  	[tilespmem:s23+$0x12010] =	vst v0;
	_ =	sdelay $0x1  }
0x19: {  	s23 =	sshra.s32 s1, $0x2  }
0x1a: {  	[tilespmem:s23+$0x12030] =	vst v0  }
0x1b: {  	[tilespmem:s23+$0x12020] =	vst v0  }
0x1c: {  	[tilespmem:s23+$0x12000] =	vst v0  }
0x1d: {  	[tilespmem:s23+$0x12010] =	vst v0  }
0x1e: {  	[spmem:s7] =	stream.linear.scatter [tilespmem:s14], [sflag:$0x6], $0x2000, $0x38;
	[tilespmem:$0x1E000] =	vst v63  }
0x1f: {  	_ =	swait.ge [sflag:s15], $0x2000  }
0x20: {  	[sflag:s15] =	ssyncset.done $0x0  }
0x21: {  	[sflag:s15] =	ssyncadd.s32 $0xFFFFE000  }
0x22: {  	[spmem:s8] =	stream.linear.scatter [tilespmem:s14], [sflag:$0x6], $0x2000, $0x38;
	[tilespmem:$0x1E000] =	vst v63  }
0x23: {  	_ =	swait.ge [sflag:s15], $0x2000  }
0x24: {  	[sflag:s15] =	ssyncset.done $0x0  }
0x25: {  	[sflag:s15] =	ssyncadd.s32 $0xFFFFE000  }
0x26: {  	[spmem:s9] =	stream.linear.scatter [tilespmem:s14], [sflag:$0x6], $0x2000, $0x38;
	[tilespmem:$0x1E000] =	vst v63  }
0x27: {  	_ =	swait.ge [sflag:s15], $0x2000  }
0x28: {  	[sflag:s15] =	ssyncset.done $0x0  }
0x29: {  	[sflag:s15] =	ssyncadd.s32 $0xFFFFE000  }
0x2a: {  	[spmem:s10] =	stream.linear.scatter [tilespmem:s14], [sflag:$0x6], $0x2000, $0x38;
	[tilespmem:$0x1E000] =	vst v63  }
0x2b: {  	_ =	swait.ge [sflag:s15], $0x2000  }
0x2c: {  	[sflag:s15] =	ssyncset.done $0x0  }
0x2d: {  	[sflag:s15] =	ssyncadd.s32 $0xFFFFE000  }
0x2e: {  	[spmem:s11] =	stream.linear.scatter [tilespmem:s14], [sflag:$0x6], $0x2000, $0x38;
	[tilespmem:$0x1E000] =	vst v63  }
0x2f: {  	_ =	swait.ge [sflag:s15], $0x2000  }
0x30: {  	[sflag:s15] =	ssyncset.done $0x0  }
0x31: {  	[sflag:s15] =	ssyncadd.s32 $0xFFFFE000  }
0x32: {  	_ =	swait.ge [sflag:s16], $0x5000  }
0x33: {  	[sflag:s16] =	ssyncset.done $0x0  }
0x34: {  	[sflag:s16] =	ssyncadd.s32 $0xFFFFB000  }
0x35: {  	_ =	swait.ge [sflag:s16], $0x5000  }
0x36: {  	[sflag:s16] =	ssyncset.done $0x0  }
0x37: {  	[sflag:s16] =	ssyncadd.s32 $0xFFFFB000  }
0x38: {  	[bflag:$0x0] =	sbarrier.arrive $0xFFFF  }
0x39: {  	[tilespmem:s18], [sflag:$0x1] =	stream.indirect.gather [hbm4b:s4+s17], $0x40, s13, s17, $0xb8;
	[tilespmem:$0x1E000] =	vst v63  }
0x3a: {  	s1 =	simm.s32 $0x5080  }
0x3b: {  	[tilespmem:s20], [sflag:$0x2] =	stream.indirect.gather [hbm4b:s4+s17], $0x40, s1, s17, $0xb8;
	[tilespmem:$0x1E000] =	vst v63  }
0x3c: {  	s23 =	simm.s32 $0x5100  }
0x3d: {  	[tilespmem:s22], [sflag:$0x3] =	stream.indirect.gather [hbm4b:s4+s17], $0x40, s23, s17, $0xb8;
	[tilespmem:$0x1E000] =	vst v63  }
0x3e: {  	s23 =	simm.s32 $0x5180  }
0x3f: {  	[tilespmem:s25], [sflag:$0x4] =	stream.indirect.gather [hbm4b:s4+s17], $0x40, s23, s17, $0xb8;
	[tilespmem:$0x1E000] =	vst v63  }
0x40: {  	_ =	swait.ge [sflag:s26], $0x2000  }
0x41: {  	[sflag:s26] =	ssyncset.done $0x0  }
0x42: {  	s23 =	simm.s32 $0x0;
	[sflag:s26] =	ssyncadd.s32 $0xFFFFE000  }
0x43: {  	[spmem:s2] =	stream.indirect.scatter.add.f32 [tilespmem:s18], [sflag:$0x6], $0x40, s23, s17, $0xb8;
	[tilespmem:$0x1E000] =	vst v63  }
0x44: {  	_ =	swait.ge [sflag:s15], $0x2000  }
0x45: {  	[sflag:s15] =	ssyncset.done $0x0  }
0x46: {  	s23 =	simm.s32 $0x5200;
	[sflag:s15] =	ssyncadd.s32 $0xFFFFE000  }
0x47: {  	[tilespmem:s18], [sflag:$0x1] =	stream.indirect.gather [hbm4b:s4+s17], $0x40, s23, s17, $0xb8;
	[tilespmem:$0x1E000] =	vst v63  }
0x48: {  	_ =	swait.ge [sflag:s28], $0x2000  }
0x49: {  	[sflag:s28] =	ssyncset.done $0x0  }
0x4a: {  	s23 =	simm.s32 $0x80;
	[sflag:s28] =	ssyncadd.s32 $0xFFFFE000  }
0x4b: {  	[spmem:s2] =	stream.indirect.scatter.add.f32 [tilespmem:s20], [sflag:$0x6], $0x40, s23, s17, $0xb8;
	[tilespmem:$0x1E000] =	vst v63  }
0x4c: {  	_ =	swait.ge [sflag:s15], $0x2000  }
0x4d: {  	[sflag:s15] =	ssyncset.done $0x0  }
0x4e: {  	s23 =	simm.s32 $0x5280;
	[sflag:s15] =	ssyncadd.s32 $0xFFFFE000  }
0x4f: {  	[tilespmem:s20], [sflag:$0x2] =	stream.indirect.gather [hbm4b:s4+s17], $0x40, s23, s17, $0xb8;
	[tilespmem:$0x1E000] =	vst v63  }
0x50: {  	_ =	swait.ge [sflag:s29], $0x2000  }
0x51: {  	[sflag:s29] =	ssyncset.done $0x0  }
0x52: {  	s23 =	simm.s32 $0x100;
	[sflag:s29] =	ssyncadd.s32 $0xFFFFE000  }
0x53: {  	[spmem:s2] =	stream.indirect.scatter.add.f32 [tilespmem:s22], [sflag:$0x6], $0x40, s23, s17, $0xb8;
	[tilespmem:$0x1E000] =	vst v63  }
0x54: {  	_ =	swait.ge [sflag:s15], $0x2000  }
0x55: {  	[sflag:s15] =	ssyncset.done $0x0  }
0x56: {  	s23 =	simm.s32 $0x5300;
	[sflag:s15] =	ssyncadd.s32 $0xFFFFE000  }
0x57: {  	[tilespmem:s22], [sflag:$0x3] =	stream.indirect.gather [hbm4b:s4+s17], $0x40, s23, s17, $0xb8;
	[tilespmem:$0x1E000] =	vst v63  }
0x58: {  	_ =	swait.ge [sflag:s30], $0x2000  }
0x59: {  	[sflag:s30] =	ssyncset.done $0x0  }
0x5a: {  	s23 =	simm.s32 $0x180;
	[sflag:s30] =	ssyncadd.s32 $0xFFFFE000  }
0x5b: {  	[spmem:s2] =	stream.indirect.scatter.add.f32 [tilespmem:s25], [sflag:$0x6], $0x40, s23, s17, $0xb8;
	[tilespmem:$0x1E000] =	vst v63  }
0x5c: {  	_ =	swait.ge [sflag:s15], $0x2000  }
0x5d: {  	[sflag:s15] =	ssyncset.done $0x0  }
0x5e: {  	s31 =	simm.s32 $0x5380;
	s23 =	simm.s32 $0x800;
	[sflag:s15] =	ssyncadd.s32 $0xFFFFE000  }
.LBB2_4:
0x5f: {  	[tilespmem:s25], [sflag:$0x4] =	stream.indirect.gather [hbm4b:s4+s17], $0x40, s31, s17, $0xb8;
	[tilespmem:$0x1E000] =	vst v63  }
0x60: {  	s1 =	smov.u32 s23  }
0x61: {  	p0 =	sne.s32 s23, $0x13000;
	s23 =	sadd.s32 $0x800, s23;
	_ =	swait.ge [sflag:s26], $0x2000  }
0x62: {  	[sflag:s26] =	ssyncset.done $0x0  }
0x63: {  	s31 =	sshra.s32 s1, $0x2;
	[sflag:s26] =	ssyncadd.s32 $0xFFFFE000  }
0x64: {  	[spmem:s2] =	stream.indirect.scatter.add.f32 [tilespmem:s18], [sflag:$0x6], $0x40, s31, s17, $0xb8;
	[tilespmem:$0x1E000] =	vst v63  }
0x65: {  	_ =	swait.ge [sflag:s15], $0x2000  }
0x66: {  	[sflag:s15] =	ssyncset.done $0x0  }
0x67: {  	s1 =	sadd.s32 $0x5200, s31;
	[sflag:s15] =	ssyncadd.s32 $0xFFFFE000  }
0x68: {  	[tilespmem:s18], [sflag:$0x1] =	stream.indirect.gather [hbm4b:s4+s17], $0x40, s1, s17, $0xb8;
	[tilespmem:$0x1E000] =	vst v63  }
0x69: {  	_ =	swait.ge [sflag:s28], $0x2000  }
0x6a: {  	[sflag:s28] =	ssyncset.done $0x0  }
0x6b: {  	s1 =	sadd.s32 $0x80, s31;
	[sflag:s28] =	ssyncadd.s32 $0xFFFFE000  }
0x6c: {  	[spmem:s2] =	stream.indirect.scatter.add.f32 [tilespmem:s20], [sflag:$0x6], $0x40, s1, s17, $0xb8;
	[tilespmem:$0x1E000] =	vst v63  }
0x6d: {  	_ =	swait.ge [sflag:s15], $0x2000  }
0x6e: {  	[sflag:s15] =	ssyncset.done $0x0  }
0x6f: {  	s1 =	sadd.s32 $0x5280, s31;
	[sflag:s15] =	ssyncadd.s32 $0xFFFFE000  }
0x70: {  	[tilespmem:s20], [sflag:$0x2] =	stream.indirect.gather [hbm4b:s4+s17], $0x40, s1, s17, $0xb8;
	[tilespmem:$0x1E000] =	vst v63  }
0x71: {  	_ =	swait.ge [sflag:s29], $0x2000  }
0x72: {  	[sflag:s29] =	ssyncset.done $0x0  }
0x73: {  	s1 =	sadd.s32 $0x100, s31;
	[sflag:s29] =	ssyncadd.s32 $0xFFFFE000  }
0x74: {  	[spmem:s2] =	stream.indirect.scatter.add.f32 [tilespmem:s22], [sflag:$0x6], $0x40, s1, s17, $0xb8;
	[tilespmem:$0x1E000] =	vst v63  }
0x75: {  	_ =	swait.ge [sflag:s15], $0x2000  }
0x76: {  	[sflag:s15] =	ssyncset.done $0x0  }
0x77: {  	s1 =	sadd.s32 $0x5300, s31;
	[sflag:s15] =	ssyncadd.s32 $0xFFFFE000  }
0x78: {  	[tilespmem:s22], [sflag:$0x3] =	stream.indirect.gather [hbm4b:s4+s17], $0x40, s1, s17, $0xb8;
	[tilespmem:$0x1E000] =	vst v63  }
0x79: {  	_ =	swait.ge [sflag:s30], $0x2000  }
0x7a: {  	[sflag:s30] =	ssyncset.done $0x0  }
.Ltmp1:
0x7b: {  	s1 =	sadd.s32 $0x180, s31;
	[sflag:s30] =	ssyncadd.s32 $0xFFFFE000;
	(pc) =	sbr.rel @p0 .LBB2_4-.Ltmp1, $4  }
0x7c: {  	[spmem:s2] =	stream.indirect.scatter.add.f32 [tilespmem:s25], [sflag:$0x6], $0x40, s1, s17, $0xb8;
	[tilespmem:$0x1E000] =	vst v63  }
0x7d: {  	_ =	swait.ge [sflag:s15], $0x2000  }
0x7e: {  	[sflag:s15] =	ssyncset.done $0x0  }
0x7f: {  	s31 =	sadd.s32 $0x5380, s31;
	[sflag:s15] =	ssyncadd.s32 $0xFFFFE000  }
0x80: {  	[tilespmem:s25], [sflag:$0x4] =	stream.indirect.gather [hbm4b:s4+s17], $0x40, s31, s17, $0xb8;
	[tilespmem:$0x1E000] =	vst v63  }
0x81: {  	_ =	swait.ge [sflag:s26], $0x2000  }
0x82: {  	[sflag:s26] =	ssyncset.done $0x0  }
0x83: {  	s1 =	simm.s32 $0x4E00;
	[sflag:s26] =	ssyncadd.s32 $0xFFFFE000  }
0x84: {  	[spmem:s2] =	stream.indirect.scatter.add.f32 [tilespmem:s18], [sflag:$0x6], $0x40, s1, s17, $0xb8;
	[tilespmem:$0x1E000] =	vst v63  }
0x85: {  	_ =	swait.ge [sflag:s15], $0x2000  }
0x86: {  	[sflag:s15] =	ssyncset.done $0x0  }
0x87: {  	[sflag:s15] =	ssyncadd.s32 $0xFFFFE000  }
0x88: {  	_ =	swait.ge [sflag:s28], $0x2000  }
0x89: {  	[sflag:s28] =	ssyncset.done $0x0  }
0x8a: {  	s23 =	simm.s32 $0x4E80;
	[sflag:s28] =	ssyncadd.s32 $0xFFFFE000  }
0x8b: {  	[spmem:s2] =	stream.indirect.scatter.add.f32 [tilespmem:s20], [sflag:$0x6], $0x40, s23, s17, $0xb8;
	[tilespmem:$0x1E000] =	vst v63  }
0x8c: {  	_ =	swait.ge [sflag:s15], $0x2000  }
0x8d: {  	[sflag:s15] =	ssyncset.done $0x0  }
0x8e: {  	[sflag:s15] =	ssyncadd.s32 $0xFFFFE000  }
0x8f: {  	_ =	swait.ge [sflag:s29], $0x2000  }
0x90: {  	[sflag:s29] =	ssyncset.done $0x0  }
0x91: {  	[sflag:s29] =	ssyncadd.s32 $0xFFFFE000  }
0x92: {  	[spmem:s2] =	stream.indirect.scatter.add.f32 [tilespmem:s22], [sflag:$0x6], $0x40, s0, s17, $0xb8;
	[tilespmem:$0x1E000] =	vst v63  }
0x93: {  	_ =	swait.ge [sflag:s15], $0x2000  }
0x94: {  	[sflag:s15] =	ssyncset.done $0x0  }
0x95: {  	[sflag:s15] =	ssyncadd.s32 $0xFFFFE000  }
0x96: {  	_ =	swait.ge [sflag:s30], $0x2000  }
0x97: {  	[sflag:s30] =	ssyncset.done $0x0  }
0x98: {  	[sflag:s30] =	ssyncadd.s32 $0xFFFFE000  }
0x99: {  	[spmem:s2] =	stream.indirect.scatter.add.f32 [tilespmem:s25], [sflag:$0x6], $0x40, s19, s17, $0xb8;
	[tilespmem:$0x1E000] =	vst v63  }
0x9a: {  	s31 =	stileid.u32;
	_ =	swait.ge [sflag:s15], $0x2000  }
0x9b: {  	s21 =	sadd.s32 $0x1, s21;
	s1 =	sshll.u32 s31, $0x6;
	[sflag:s15] =	ssyncset.done $0x0  }
0x9c: {  	p0 =	sne.s32 s21, s12;
	s1 =	sor.u32 $0x1C06, s1;
	[sflag:s15] =	ssyncadd.s32 $0xFFFFE000  }
.Ltmp2:
0x9d: {  	s23 =	sshrl.u32 s7, $0x3;
	[bflag:$0x0] =	sbarrier.arrive $0xFFFF;
	(pc) =	sbr.rel @p0 .LBB2_1-.Ltmp2, $4  }
0x9e: {  	[hbm:s24], [sflag:s1] =	dma.local [spmem:s23], $0x1400  }
0x9f: {  	_ =	swait.ge [sflag:s15], $0x1400  }
0xa0: {  	[sflag:s15] =	ssyncset.done $0x0  }
0xa1: {  	[sflag:s15] =	ssyncadd.s32 $0xFFFFEC00  }
0xa2: {  	_ =	sfence.sel $0x180000  }
0xa3: {  	[bflag:$0x0] =	sbarrier.arrive $0xFFFF  }
0xa4: {  	_ =	strace $0x9000004A  }
0xa5: {  	s0 =	stileid.u32;
	[bflag:$0x2] =	sbarrier.arrive $0xFFFF  }
0xa6: {  	p0 =	sne.s32 s0, $0x0;
	s0 =	rddreg [dreg:$0x2]  }
0xa7: {  	s0 =	sadd.s32 @!p0 $0x100000, s0  }
0xa8: {  	[sflag:s0] =	ssyncadd.tile.s32 @!p0 $0x1;
	_ =	shalt  }
.Lfunc_end2:
_tile_overlayer_lowered:
.L_overlay_start_2:
0xa9: {  	(tag) =	ssettag $0x2  }
0xaa: {  	s0 =	rddreg [dreg:$0x0];
	s2 =	stileid.u32  }
0xab: {  	s1 =	rddreg [dreg:$0x1];
	p0 =	sne.s32 s2, $0x0  }
0xac: {  	s3 =	rddreg [dreg:$0x2];
	[bflag:$0x3] =	sbarrier.arrive $0xFFFF;
	s2 =	simm.s32 @!p0 $0x1C06  }
0xad: {  	[timem:s3], [sflag:s2] =	dma.local @!p0 [hbm:s0], s1  }
0xae: {  	s0 =	simm.s32 @!p0 $0x6  }
0xaf: {  	_ =	swait.ge @!p0 [sflag:s0], s1  }
0xb0: {  	s1 =	ssub.s32 @!p0 $0x0, s1;
	[sflag:s0] =	ssyncset.done @!p0 $0x0  }
0xb1: {  	[sflag:s0] =	ssyncadd.s32 @!p0 s1  }
0xb2: {  	[bflag:$0x3] =	sbarrier.arrive $0xFFFF  }
0xb3: {  	_ =	shalt  }

// kernel: kernel.14.cloned.1.call-start
scs
__scs_entry_jumppad:
0x0: {  	(pc) =	sbr.rel $0x88, $3  }
0x1: {  	(tag) =	ssettag $0x0;
	lr =	simm.s32 $0x1  }
0x2: {  	[smem:$0x3F97] =	sst lr;
	_ =	strace $0xD0000000  }
0x3: {  	_ = 	snop  }
0x4: {  	_ = 	snop  }
0x5: {  	_ = 	snop  }
0x6: {  	_ = 	snop  }
0x7: {  	_ = 	snop  }
__scs_overlays_trampoline_lowered:
0x8: {  	[smem:$0x3FA6] =	sst s0  }
0x9: {  	[smem:$0x3FA7] =	sst s1  }
0xa: {  	[smem:$0x3FA8] =	sst s2  }
0xb: {  	[smem:$0x3FA9] =	sst s3  }
0xc: {  	[smem:$0x3FAA] =	sst s4  }
0xd: {  	[smem:$0x3FAB] =	sst s5  }
0xe: {  	[smem:$0x3FAC] =	sst s6  }
0xf: {  	[smem:$0x3FAD] =	sst s7  }
0x10: {  	[smem:$0x3FAE] =	sst s8  }
0x11: {  	[smem:$0x3FAF] =	sst s9;
	s0 =	simm.s32 @!p0 $0x0  }
0x12: {  	s1 =	sld [smem:$0x3F95];
	s0 =	simm.s32 @p0 $0x1  }
0x13: {  	[smem:$0x3FB0] =	sst s0;
	s0 =	simm.s32 @!p1 $0x0  }
0x14: {  	s2 =	sld [smem:$0x3F94];
	s0 =	simm.s32 @p1 $0x1  }
0x15: {  	[smem:$0x3FB1] =	sst s0;
	s0 =	simm.s32 @!p2 $0x0  }
0x16: {  	s3 =	sld [smem:$0x3FDB];
	s0 =	simm.s32 @p2 $0x1  }
0x17: {  	s4 =	simm.s32 $0x1BF5;
	[smem:$0x3FB3] =	sst s0  }
0x18: {  	s0 =	sld [smem:$0x3F96];
	_ =	swait.ge [sflag:s4], $0x0  }
0x19: {  	s7 =	sld [smem:$0x3F97]  }
0x1a: {  	s8 =	sadd.s32 $0xFFFFE003, lr  }
0x1b: {  	s9 =	sadd.s32 $0xFFFFFEF7, lr;
	s5 =	simm.s32 $0xFFFFFFFF;
	p2 =	slt.u32 s8, $0xFFFFF086  }
0x1c: {  	p1 =	slt.u32 s9, $0xF7A;
	s5 =	simm.s32 @!p2 $0x0  }
0x1d: {  	s5 =	simm.s32 @p1 $0x1;
	p0 =	seq.s32 s7, s2  }
0x1e: {  	s7 =	smul.u32 @!p0 $0xF7A, s2;
	p2 =	seq.s32 @!p0 s5, $0x0  }
0x1f: {  	s9 =	smul.u32 $0xF7A, s1;
	s8 =	simm.s32 @!p0 $0x1BF5;
	p2 =	por !p2, p0  }
0x20: {  	[sflag:s8] =	ssyncset.s32 @!p0 $0xFFFFF086;
	s6 =	sadd.s32 @!p0 s3, s7;
	s7 =	simm.s32 @!p0 $0x108  }
0x21: {  	s3 =	sadd.s32 s3, s9;
	s6 =	sadd.s32 @!p0 $0x88, s6;
	s7 =	simm.s32 @p2 $0x1082  }
0x22: {  	[simem:s7], [sflag:s8] =	dma.local @!p0 [hbm:s6], $0xF7A  }
0x23: {  	s9 =	sor.u32 $0xD0000000, s2;
	s6 =	simm.s32 $0x108;
	_ =	swait.ge @!p0 [sflag:s8], $0x0  }
0x24: {  	s3 =	sadd.s32 $0x88, s3;
	s6 =	simm.s32 @!p1 $0x1082;
	[sflag:s4] =	ssyncset.s32 $0xFFFFF086  }
0x25: {  	[simem:s6], [sflag:s4] =	dma.local [hbm:s3], $0xF7A  }
0x26: {  	[smem:$0x3F97] =	sst s1;
	(tag) =	ssettag s2;
	_ =	strace s9  }
0x27: {  	s1 =	sld [smem:$0x3FA7]  }
0x28: {  	s2 =	sld [smem:$0x3FA8]  }
0x29: {  	s4 =	sld [smem:$0x3FAA]  }
0x2a: {  	p0 =	seq.s32 s5, $0x0;
	s5 =	sld [smem:$0x3FAB]  }
0x2b: {  	s6 =	sld [smem:$0x3FAC]  }
0x2c: {  	s7 =	sld [smem:$0x3FAD]  }
0x2d: {  	s3 =	simm.s32 $0x108;
	s8 =	sld [smem:$0x3FAE]  }
0x2e: {  	s3 =	simm.s32 @!p0 $0x1082;
	s9 =	sld [smem:$0x3FAF]  }
0x2f: {  	lr =	sadd.s32 s0, s3;
	s0 =	sld [smem:$0x3FA6]  }
0x30: {  	s3 =	sld [smem:$0x3FA9]  }
0x31: {  	[smem:$0x3FB2] =	sst s10  }
0x32: {  	s10 =	sld [smem:$0x3FB0];
	_ =	sdelay $0x3  }
0x33: {  	p0 =	seq.s32 s10, $0x1;
	s10 =	sld [smem:$0x3FB2];
	_ =	sdelay $0x3  }
0x34: {  	[smem:$0x3FB2] =	sst s10  }
0x35: {  	s10 =	sld [smem:$0x3FB1];
	_ =	sdelay $0x3  }
0x36: {  	p1 =	seq.s32 s10, $0x1;
	s10 =	sld [smem:$0x3FB2];
	_ =	sdelay $0x3  }
0x37: {  	[smem:$0x3FB2] =	sst s10  }
0x38: {  	s10 =	sld [smem:$0x3FB3]  }
0x39: {  	_ = 	snop;
	(pc) =	sbr.ind lr, $3  }
0x3a: {  	_ = 	snop  }
0x3b: {  	_ = 	snop  }
0x3c: {  	p2 =	seq.s32 s10, $0x1;
	s10 =	sld [smem:$0x3FB2]  }
0x3d: {  	_ =	shalt  }
0x3e: {  	_ =	shalt  }
0x3f: {  	_ =	shalt  }
0x40: {  	_ =	shalt  }
0x41: {  	_ =	shalt  }
0x42: {  	_ =	shalt  }
0x43: {  	_ =	shalt  }
0x44: {  	_ =	shalt  }
0x45: {  	_ =	shalt  }
0x46: {  	_ =	shalt  }
0x47: {  	_ =	shalt  }
0x48: {  	_ =	shalt  }
0x49: {  	_ =	shalt  }
0x4a: {  	_ =	shalt  }
0x4b: {  	_ =	shalt  }
0x4c: {  	_ =	shalt  }
0x4d: {  	_ =	shalt  }
0x4e: {  	_ =	shalt  }
0x4f: {  	_ =	shalt  }
0x50: {  	_ =	shalt  }
0x51: {  	_ =	shalt  }
0x52: {  	_ =	shalt  }
0x53: {  	_ =	shalt  }
0x54: {  	_ =	shalt  }
0x55: {  	_ =	shalt  }
0x56: {  	_ =	shalt  }
0x57: {  	_ =	shalt  }
0x58: {  	_ =	shalt  }
0x59: {  	_ =	shalt  }
0x5a: {  	_ =	shalt  }
0x5b: {  	_ =	shalt  }
0x5c: {  	_ =	shalt  }
0x5d: {  	_ =	shalt  }
0x5e: {  	_ =	shalt  }
0x5f: {  	_ =	shalt  }
0x60: {  	_ =	shalt  }
0x61: {  	_ =	shalt  }
0x62: {  	_ =	shalt  }
0x63: {  	_ =	shalt  }
0x64: {  	_ =	shalt  }
0x65: {  	_ =	shalt  }
0x66: {  	_ =	shalt  }
0x67: {  	_ =	shalt  }
0x68: {  	_ =	shalt  }
0x69: {  	_ =	shalt  }
0x6a: {  	_ =	shalt  }
0x6b: {  	_ =	shalt  }
0x6c: {  	_ =	shalt  }
0x6d: {  	_ =	shalt  }
0x6e: {  	_ =	shalt  }
0x6f: {  	_ =	shalt  }
0x70: {  	_ =	shalt  }
0x71: {  	_ =	shalt  }
0x72: {  	_ =	shalt  }
0x73: {  	_ =	shalt  }
0x74: {  	_ =	shalt  }
0x75: {  	_ =	shalt  }
0x76: {  	_ =	shalt  }
0x77: {  	_ =	shalt  }
0x78: {  	_ =	shalt  }
0x79: {  	_ =	shalt  }
0x7a: {  	_ =	shalt  }
0x7b: {  	_ =	shalt  }
0x7c: {  	_ =	shalt  }
0x7d: {  	_ =	shalt  }
0x7e: {  	_ =	shalt  }
0x7f: {  	_ =	shalt  }
0x80: {  	_ =	shalt  }
0x81: {  	_ =	shalt  }
0x82: {  	_ =	shalt  }
0x83: {  	_ =	shalt  }
0x84: {  	_ =	shalt  }
0x85: {  	_ =	shalt  }
0x86: {  	_ =	shalt  }
0x87: {  	_ =	shalt  }
.Lfunc_end0:
.L_simem_size_0:
called_computation.2_lowered:
.L_overlay_start_0:
0x88: {  	s2 =	sld [smem:$0x3FD9]  }
0x89: {  	s3 =	sld [smem:$0x3FFE];
	_ =	sdelay $0x1  }
0x8a: {  	s1 =	srdreg.scid  }
0x8b: {  	s0 =	sand.u32 $0x1, s1  }
0x8c: {  	s16 =	sshll.u32 s0, $0xA;
	s2 =	sadd.s32 s3, s2  }
0x8d: {  	s2 =	sadd.s32 s2, s16  }
0x8e: {  	[smem:$0x3FBE] =	sst s2  }
0x8f: {  	_ = 	snop  }
0x90: {  	(tm) =	ssettm $0x1  }
0x91: {  	s17 =	sld [smem:$0x3FFB];
	_ =	sdelay $0x3  }
0x92: {  	_ =	strace s17  }
0x93: {  	s2 =	sld [smem:$0x3FFC];
	_ =	sdelay $0x3  }
0x94: {  	_ =	strace s2  }
0x95: {  	s2 =	sld [smem:$0x3FFD];
	_ =	sdelay $0x3  }
0x96: {  	_ =	strace s2  }
0x97: {  	_ =	strace $0x8FFFFFFF  }
0x98: {  	s18 =	sld [smem:$0x3FDB];
	_ =	sdelay $0x1  }
0x99: {  	s19 =	simm.s32 $_scs_section_size  }
0x9a: {  	s4 =	simm.s32 $_size__tile_overlayer_lowered;
	s5 =	simm.s32 $_tile_overlayer_lowered  }
0x9b: {  	s22 =	simm.s32 $0x1BFF;
	s21 =	sshll.u32 s5, $0x1;
	s2 =	sadd.s32 s19, s18  }
0x9c: {  	s6 =	simm.s32 $0x0;
	s20 =	sshll.u32 s4, $0x1;
	s4 =	sadd.s32 s21, s2  }
0x9d: {  	[timem:s6], [sflag:s22] =	dma.local [hbm:s4], s20  }
0x9e: {  	_ =	swait.ge [sflag:s22], s20  }
0x9f: {  	s3 =	ssub.s32 $0x0, s20;
	[sflag:s22] =	ssyncset.done $0x0  }
0xa0: {  	[sflag:s22] =	ssyncadd.s32 s3;
	_ =	sdelay $0x1  }
0xa1: {  	s23 =	simm.s32 $0x1B8B  }
0xa2: {  	_ =	swait.ge [sflag:s23], $0x1  }
0xa3: {  	[sflag:s23] =	ssyncset.done $0x0  }
0xa4: {  	s25 =	simm.s32 $0x1B8E;
	s24 =	sld [smem:$0x3FFE];
	[sflag:s23] =	ssyncadd.s32 $0xFFFFFFFF  }
0xa5: {  	s26 =	simm.s32 $execute0_lowered;
	[smem:$0x3FD2] =	sst s25  }
0xa6: {  	s4 =	sshll.u32 s26, $0x1;
	_ =	strace $0x8000004C;
	[dreg:$0x1] =	wrdreg $0xFFFFFFFF  }
0xa7: {  	s28 =	simm.s32 $_size_execute0_lowered;
	s2 =	sadd.s32 s2, s4;
	[dreg:$0x0] =	wrdreg $0x0  }
0xa8: {  	s4 =	sshll.u32 s28, $0x1;
	[dreg:$0x2] =	wrdreg s2  }
0xa9: {  	[dreg:$0x3] =	wrdreg s4  }
0xaa: {  	[dreg:$0x4] =	wrdreg $0xC0  }
0xab: {  	_ =	task [dreg:s6], $0x5FFFF  }
0xac: {  	[dreg:$0x1] =	wrdreg $0xFFFFFFFF  }
0xad: {  	[dreg:$0x0] =	wrdreg $0x60  }
0xae: {  	[dreg:$0x2] =	wrdreg s24  }
0xaf: {  	[dreg:$0x3] =	wrdreg $0xE8000  }
0xb0: {  	[dreg:$0x4] =	wrdreg $0x9  }
0xb1: {  	_ =	task.clear_ibuf [dreg:s6], $0x5FFFF;
	_ =	strace $0x9000004C  }
0xb2: {  	s29 =	simm.s32 $0x9;
	_ =	strace $0x8000004E  }
0xb3: {  	_ =	swait.ge [sflag:s29], $0x1  }
0xb4: {  	[sflag:s29] =	ssyncadd.s32 $0xFFFFFFFF  }
0xb5: {  	_ =	strace $0x9000004E  }
0xb6: {  	_ =	sfence  }
0xb7: {  	s30 =	sld [smem:$0x0];
	_ =	sdelay $0x2  }
0xb8: {  	s31 =	sshll.u32 s1, $0xD;
	s1 =	sshrl.u32 s1, $0x2  }
0xb9: {  	s3 =	sand.u32 $0x4000, s31;
	s1 =	sadd.s32 s1, s30  }
0xba: {  	s0 =	sor.u32 s3, s0;
	s1 =	sshll.u32 s1, $0x11  }
0xbb: {  	s0 =	sor.u32 s1, s0  }
0xbc: {  	s0 =	sadd.s32 $0x8F2B, s0  }
0xbd: {  	[sflag:s0] =	ssyncadd.remote.s32 $0x1  }
0xbe: {  	_ =	sfence.sel $0xFFFF  }
0xbf: {  	[dreg:$0x0] =	wrdreg $0xFFFFFFFF;
	(pc) =	sbr.abs _section_cstart, $3  }
0xc0: {  	[dreg:$0x1] =	wrdreg $0xFFFFFFFF  }
0xc1: {  	_ =	task.clear_ibuf [dreg:s6], $0x2FFFF;
	_ =	strace $0x9FFFFFFF  }
0xc2: {  	(tm) =	ssettm $0x7FFFFFFF  }
0xc3: {  	_ =	shalt  }
tec
execute0_lowered:
.L_overlay_start_1:
0x0: {  	(tag) =	ssettag $0x1  }
0x1: {  	s0 =	rddreg [dreg:$0x0]  }
0x2: {  	s1 =	srdreg.scid;
	s7 =	stileid.u32  }
0x3: {  	s2 =	rddreg [dreg:$0x1];
	s4 =	simm.s32 $0x0;
	s15 =	simm.s32 $0x12  }
0x4: {  	s17 =	simm.s32 $0x80;
	s28 =	simm.s32 $0xC000;
	s30 =	simm.s32 $0xC800  }
0x5: {  	s29 =	simm.s32 $0x4;
	s31 =	simm.s32 $0x5;
	s8 =	simm.s32 $0xA  }
0x6: {  	s13 =	simm.s32 $0xB;
	s9 =	simm.s32 $0xC;
	s10 =	simm.s32 $0xD  }
0x7: {  	s11 =	simm.s32 $0xE;
	s12 =	simm.s32 $0xF;
	s14 =	simm.s32 $0x0  }
0x8: {  	s1 =	sand.u32 $0x1, s1;
	s3 =	sshll.u32 s7, $0x1;
	s6 =	smul.u32 $0xA000, s7  }
0x9: {  	[smem:$0x7FF] =	sst s4;
	s4 =	sadd.s32 $0x2A400, s0;
	s19 =	smul.u32 $0x2800, s7  }
0xa: {  	s3 =	sor.u32 s1, s3;
	s5 =	smul.u32 $0x5000, s1;
	s1 =	ssub.s32 $0x2, s1  }
0xb: {  	_ =	strace $0x8000004D;
	s3 =	smul.u32 $0xA00, s3;
	s18 =	sshrl.u32 s1, $0x1  }
0xc: {  	s6 =	sshrl.u32 s6, $0x2;
	s22 =	sadd.s32 s19, s2;
	s26 =	sshrl.u32 s19, $0x3  }
0xd: {  	s19 =	simm.s32 $0x6;
	s1 =	ssub.s32 s1, s18;
	s21 =	sadd.s32 s6, s2  }
0xe: {  	[dreg:$0x5] =	wrdreg s22;
	s18 =	simm.s32 $0xA000;
	s22 =	simm.s32 $0xB000  }
0xf: {  	s6 =	simm.s32 $0x9;
	s3 =	sadd.s32 s3, s0;
	s23 =	sadd.s32 $0x800, s21  }
0x10: {  	s0 =	sadd.s32 s5, s0;
	s24 =	sadd.s32 $0x1000, s21;
	[dreg:$0x6] =	wrdreg s23  }
0x11: {  	s25 =	sadd.s32 $0x1800, s21;
	s1 =	smax.u32 s1, $0x1;
	[dreg:$0x7] =	wrdreg s24  }
0x12: {  	s5 =	simm.s32 $0x8;
	s20 =	sadd.s32 $0x16400, s3;
	[dreg:$0x8] =	wrdreg s25  }
0x13: {  	s3 =	sadd.s32 $0x2400, s3;
	s0 =	sadd.s32 $0x2F400, s0;
	[dreg:$0xa] =	wrdreg s1  }
0x14: {  	s25 =	simm.s32 $0xB800;
	s1 =	simm.s32 $0xD000;
	[dreg:$0x3] =	wrdreg s20  }
0x15: {  	s23 =	simm.s32 $0x1;
	s24 =	simm.s32 $0x10;
	[dreg:$0x4] =	wrdreg s3  }
0x16: {  	s3 =	sadd.s32 $0x2000, s21;
	s20 =	simm.s32 $0xA800;
	s0 =	sadd.s32 s26, s0  }
0x17: {  	s21 =	simm.s32 $0xD800;
	s26 =	simm.s32 $0x2;
	[dreg:$0x9] =	wrdreg s3  }
0x18: {  	v0 =	vimm.f32 $0.0e+00;
	[dreg:$0xb] =	wrdreg s0;
	s0 =	simm.s32 $0x3;
	s3 =	simm.s32 $0x7  }
.LBB2_1:
0x19: {  	[dreg:$0xc] =	wrdreg s14  }
0x1a: {  	s7 =	simm.s32 $0x0;
	s16 =	rddreg [dreg:$0x3]  }
0x1b: {  	[tilespmem:s7], [sflag:$0x11] =	stream.linear.gather [hbm4b:s16+s7], $0x5000, $0x38;
	[tilespmem:$0x11000] =	vst v63  }
0x1c: {  	s14 =	rddreg [dreg:$0x4];
	s16 =	simm.s32 $0x5000  }
0x1d: {  	[tilespmem:s16], [sflag:$0x11] =	stream.linear.gather [hbm4b:s14+s7], $0x5000, $0x38;
	[tilespmem:$0x11000] =	vst v63  }
0x1e: {  	s14 =	simm.s32 $0x40;
	s16 =	simm.s32 $0x0  }
.LBB2_2:
0x1f: {  	p0 =	sne.s32 s14, $0x1FC0;
	[tilespmem:s16+$0xE000] =	vst v0;
	s16 =	smov.u32 s14;
	s14 =	sadd.s32 $0x40, s14  }
.Ltmp0:
0x20: {  	(pc) =	sbr.rel @p0 .LBB2_2-.Ltmp0, $2  }
0x21: {  	_ =	sdelay $0x2  }
0x22: {  	s16 =	sshra.s32 s16, $0x2  }
0x23: {  	[tilespmem:s16+$0xE000] =	vst v0;
	s7 =	rddreg [dreg:$0x5];
	s14 =	simm.s32 $0xE000  }
0x24: {  	[spmem:s7] =	stream.linear.scatter [tilespmem:s14], [sflag:$0x12], $0x800, $0x38;
	[tilespmem:$0x11000] =	vst v63  }
0x25: {  	_ =	swait.ge [sflag:s15], $0x800  }
0x26: {  	[sflag:s15] =	ssyncset.done $0x0  }
0x27: {  	s16 =	rddreg [dreg:$0x6];
	[sflag:s15] =	ssyncadd.s32 $0xFFFFF800  }
0x28: {  	[spmem:s16] =	stream.linear.scatter [tilespmem:s14], [sflag:$0x12], $0x800, $0x38;
	[tilespmem:$0x11000] =	vst v63  }
0x29: {  	_ =	swait.ge [sflag:s15], $0x800  }
0x2a: {  	[sflag:s15] =	ssyncset.done $0x0  }
0x2b: {  	s16 =	rddreg [dreg:$0x7];
	[sflag:s15] =	ssyncadd.s32 $0xFFFFF800  }
0x2c: {  	[spmem:s16] =	stream.linear.scatter [tilespmem:s14], [sflag:$0x12], $0x800, $0x38;
	[tilespmem:$0x11000] =	vst v63  }
0x2d: {  	_ =	swait.ge [sflag:s15], $0x800  }
0x2e: {  	[sflag:s15] =	ssyncset.done $0x0  }
0x2f: {  	s16 =	rddreg [dreg:$0x8];
	[sflag:s15] =	ssyncadd.s32 $0xFFFFF800  }
0x30: {  	[spmem:s16] =	stream.linear.scatter [tilespmem:s14], [sflag:$0x12], $0x800, $0x38;
	[tilespmem:$0x11000] =	vst v63  }
0x31: {  	_ =	swait.ge [sflag:s15], $0x800  }
0x32: {  	[sflag:s15] =	ssyncset.done $0x0  }
0x33: {  	s16 =	rddreg [dreg:$0x9];
	[sflag:s15] =	ssyncadd.s32 $0xFFFFF800  }
0x34: {  	[spmem:s16] =	stream.linear.scatter [tilespmem:s14], [sflag:$0x12], $0x800, $0x38;
	[tilespmem:$0x11000] =	vst v63  }
0x35: {  	_ =	swait.ge [sflag:s15], $0x800  }
0x36: {  	[sflag:s15] =	ssyncset.done $0x0  }
0x37: {  	s14 =	simm.s32 $0x11;
	[sflag:s15] =	ssyncadd.s32 $0xFFFFF800  }
0x38: {  	_ =	swait.ge [sflag:s14], $0x5000  }
0x39: {  	[sflag:s14] =	ssyncset.done $0x0  }
0x3a: {  	[sflag:s14] =	ssyncadd.s32 $0xFFFFB000  }
0x3b: {  	_ =	swait.ge [sflag:s14], $0x5000  }
0x3c: {  	[sflag:s14] =	ssyncset.done $0x0  }
0x3d: {  	[sflag:s14] =	ssyncadd.s32 $0xFFFFB000  }
0x3e: {  	s16 =	simm.s32 $0x5000;
	[bflag:$0x0] =	sbarrier.arrive $0xFFFF  }
0x3f: {  	[tilespmem:s18], [sflag:$0x1] =	stream.indirect.gather [hbm4b:s4+s17], $0x10, s16, s17, $0xb8;
	[tilespmem:$0x11000] =	vst v63  }
0x40: {  	s14 =	simm.s32 $0x5080  }
0x41: {  	[tilespmem:s20], [sflag:$0x2] =	stream.indirect.gather [hbm4b:s4+s17], $0x10, s14, s17, $0xb8;
	[tilespmem:$0x11000] =	vst v63  }
0x42: {  	s16 =	simm.s32 $0x5100  }
0x43: {  	[tilespmem:s22], [sflag:$0x3] =	stream.indirect.gather [hbm4b:s4+s17], $0x10, s16, s17, $0xb8;
	[tilespmem:$0x11000] =	vst v63  }
0x44: {  	s14 =	simm.s32 $0x5180  }
0x45: {  	[tilespmem:s25], [sflag:$0x4] =	stream.indirect.gather [hbm4b:s4+s17], $0x10, s14, s17, $0xb8;
	[tilespmem:$0x11000] =	vst v63  }
0x46: {  	s16 =	simm.s32 $0x5200  }
0x47: {  	[tilespmem:s28], [sflag:$0x5] =	stream.indirect.gather [hbm4b:s4+s17], $0x10, s16, s17, $0xb8;
	[tilespmem:$0x11000] =	vst v63  }
0x48: {  	s14 =	simm.s32 $0x5280  }
0x49: {  	[tilespmem:s30], [sflag:$0x6] =	stream.indirect.gather [hbm4b:s4+s17], $0x10, s14, s17, $0xb8;
	[tilespmem:$0x11000] =	vst v63  }
0x4a: {  	s16 =	simm.s32 $0x5300  }
0x4b: {  	[tilespmem:s1], [sflag:$0x7] =	stream.indirect.gather [hbm4b:s4+s17], $0x10, s16, s17, $0xb8;
	[tilespmem:$0x11000] =	vst v63  }
0x4c: {  	s14 =	simm.s32 $0x5380  }
0x4d: {  	[tilespmem:s21], [sflag:$0x8] =	stream.indirect.gather [hbm4b:s4+s17], $0x10, s14, s17, $0xb8;
	[tilespmem:$0x11000] =	vst v63  }
0x4e: {  	_ =	swait.ge [sflag:s23], $0x800  }
0x4f: {  	[sflag:s23] =	ssyncset.done $0x0  }
0x50: {  	s16 =	simm.s32 $0x0;
	[sflag:s23] =	ssyncadd.s32 $0xFFFFF800  }
0x51: {  	[spmem:s2] =	stream.indirect.scatter.add.f32 [tilespmem:s18], [sflag:$0x9], $0x10, s16, s17, $0xb8;
	[tilespmem:$0x11000] =	vst v63  }
0x52: {  	_ =	swait.ge [sflag:s26], $0x800  }
0x53: {  	[sflag:s26] =	ssyncset.done $0x0  }
0x54: {  	s7 =	simm.s32 $0x80;
	[sflag:s26] =	ssyncadd.s32 $0xFFFFF800  }
0x55: {  	[spmem:s2] =	stream.indirect.scatter.add.f32 [tilespmem:s20], [sflag:$0xA], $0x10, s7, s17, $0xb8;
	[tilespmem:$0x11000] =	vst v63  }
0x56: {  	_ =	swait.ge [sflag:s0], $0x800  }
0x57: {  	[sflag:s0] =	ssyncset.done $0x0  }
0x58: {  	s16 =	simm.s32 $0x100;
	[sflag:s0] =	ssyncadd.s32 $0xFFFFF800  }
0x59: {  	[spmem:s2] =	stream.indirect.scatter.add.f32 [tilespmem:s22], [sflag:$0xB], $0x10, s16, s17, $0xb8;
	[tilespmem:$0x11000] =	vst v63  }
0x5a: {  	_ =	swait.ge [sflag:s29], $0x800  }
0x5b: {  	[sflag:s29] =	ssyncset.done $0x0  }
0x5c: {  	s7 =	simm.s32 $0x180;
	[sflag:s29] =	ssyncadd.s32 $0xFFFFF800  }
0x5d: {  	[spmem:s2] =	stream.indirect.scatter.add.f32 [tilespmem:s25], [sflag:$0xC], $0x10, s7, s17, $0xb8;
	[tilespmem:$0x11000] =	vst v63  }
0x5e: {  	_ =	swait.ge [sflag:s31], $0x800  }
0x5f: {  	[sflag:s31] =	ssyncset.done $0x0  }
0x60: {  	s16 =	simm.s32 $0x200;
	[sflag:s31] =	ssyncadd.s32 $0xFFFFF800  }
0x61: {  	[spmem:s2] =	stream.indirect.scatter.add.f32 [tilespmem:s28], [sflag:$0xD], $0x10, s16, s17, $0xb8;
	[tilespmem:$0x11000] =	vst v63  }
0x62: {  	_ =	swait.ge [sflag:s19], $0x800  }
0x63: {  	[sflag:s19] =	ssyncset.done $0x0  }
0x64: {  	s7 =	simm.s32 $0x280;
	[sflag:s19] =	ssyncadd.s32 $0xFFFFF800  }
0x65: {  	[spmem:s2] =	stream.indirect.scatter.add.f32 [tilespmem:s30], [sflag:$0xE], $0x10, s7, s17, $0xb8;
	[tilespmem:$0x11000] =	vst v63  }
0x66: {  	_ =	swait.ge [sflag:s3], $0x800  }
0x67: {  	[sflag:s3] =	ssyncset.done $0x0  }
0x68: {  	s16 =	simm.s32 $0x300;
	[sflag:s3] =	ssyncadd.s32 $0xFFFFF800  }
0x69: {  	[spmem:s2] =	stream.indirect.scatter.add.f32 [tilespmem:s1], [sflag:$0xF], $0x10, s16, s17, $0xb8;
	[tilespmem:$0x11000] =	vst v63  }
0x6a: {  	_ =	swait.ge [sflag:s5], $0x800  }
0x6b: {  	[sflag:s5] =	ssyncset.done $0x0  }
0x6c: {  	s7 =	simm.s32 $0x380;
	[sflag:s5] =	ssyncadd.s32 $0xFFFFF800  }
0x6d: {  	[spmem:s2] =	stream.indirect.scatter.add.f32 [tilespmem:s21], [sflag:$0x10], $0x10, s7, s17, $0xb8;
	[tilespmem:$0x11000] =	vst v63  }
0x6e: {  	_ =	swait.ge [sflag:s6], $0x800  }
0x6f: {  	[sflag:s6] =	ssyncset.done $0x0  }
0x70: {  	s16 =	simm.s32 $0x5400;
	[sflag:s6] =	ssyncadd.s32 $0xFFFFF800  }
0x71: {  	[tilespmem:s18], [sflag:$0x1] =	stream.indirect.gather [hbm4b:s4+s17], $0x10, s16, s17, $0xb8;
	[tilespmem:$0x11000] =	vst v63  }
0x72: {  	_ =	swait.ge [sflag:s8], $0x800  }
0x73: {  	[sflag:s8] =	ssyncset.done $0x0  }
0x74: {  	s7 =	simm.s32 $0x5480;
	[sflag:s8] =	ssyncadd.s32 $0xFFFFF800  }
0x75: {  	[tilespmem:s20], [sflag:$0x2] =	stream.indirect.gather [hbm4b:s4+s17], $0x10, s7, s17, $0xb8;
	[tilespmem:$0x11000] =	vst v63  }
0x76: {  	_ =	swait.ge [sflag:s13], $0x800  }
0x77: {  	[sflag:s13] =	ssyncset.done $0x0  }
0x78: {  	s16 =	simm.s32 $0x5500;
	[sflag:s13] =	ssyncadd.s32 $0xFFFFF800  }
0x79: {  	[tilespmem:s22], [sflag:$0x3] =	stream.indirect.gather [hbm4b:s4+s17], $0x10, s16, s17, $0xb8;
	[tilespmem:$0x11000] =	vst v63  }
0x7a: {  	_ =	swait.ge [sflag:s9], $0x800  }
0x7b: {  	[sflag:s9] =	ssyncset.done $0x0  }
0x7c: {  	s7 =	simm.s32 $0x5580;
	[sflag:s9] =	ssyncadd.s32 $0xFFFFF800  }
0x7d: {  	[tilespmem:s25], [sflag:$0x4] =	stream.indirect.gather [hbm4b:s4+s17], $0x10, s7, s17, $0xb8;
	[tilespmem:$0x11000] =	vst v63  }
0x7e: {  	_ =	swait.ge [sflag:s10], $0x800  }
0x7f: {  	[sflag:s10] =	ssyncset.done $0x0  }
0x80: {  	s16 =	simm.s32 $0x5600;
	[sflag:s10] =	ssyncadd.s32 $0xFFFFF800  }
0x81: {  	[tilespmem:s28], [sflag:$0x5] =	stream.indirect.gather [hbm4b:s4+s17], $0x10, s16, s17, $0xb8;
	[tilespmem:$0x11000] =	vst v63  }
0x82: {  	_ =	swait.ge [sflag:s11], $0x800  }
0x83: {  	[sflag:s11] =	ssyncset.done $0x0  }
0x84: {  	s7 =	simm.s32 $0x5680;
	[sflag:s11] =	ssyncadd.s32 $0xFFFFF800  }
0x85: {  	[tilespmem:s30], [sflag:$0x6] =	stream.indirect.gather [hbm4b:s4+s17], $0x10, s7, s17, $0xb8;
	[tilespmem:$0x11000] =	vst v63  }
0x86: {  	_ =	swait.ge [sflag:s12], $0x800  }
0x87: {  	[sflag:s12] =	ssyncset.done $0x0  }
0x88: {  	s16 =	simm.s32 $0x5700;
	[sflag:s12] =	ssyncadd.s32 $0xFFFFF800  }
0x89: {  	[tilespmem:s1], [sflag:$0x7] =	stream.indirect.gather [hbm4b:s4+s17], $0x10, s16, s17, $0xb8;
	[tilespmem:$0x11000] =	vst v63  }
0x8a: {  	_ =	swait.ge [sflag:s24], $0x800  }
0x8b: {  	[sflag:s24] =	ssyncset.done $0x0  }
0x8c: {  	s14 =	simm.s32 $0x1000;
	s16 =	simm.s32 $0x5780;
	[sflag:s24] =	ssyncadd.s32 $0xFFFFF800  }
.LBB2_4:
0x8d: {  	[tilespmem:s21], [sflag:$0x8] =	stream.indirect.gather [hbm4b:s4+s17], $0x10, s16, s17, $0xb8;
	[tilespmem:$0x11000] =	vst v63  }
0x8e: {  	s16 =	smov.u32 s14  }
0x8f: {  	p0 =	sne.s32 s14, $0x12000;
	s14 =	sadd.s32 $0x1000, s14;
	_ =	swait.ge [sflag:s23], $0x800  }
0x90: {  	[sflag:s23] =	ssyncset.done $0x0  }
0x91: {  	s16 =	sshra.s32 s16, $0x2;
	[sflag:s23] =	ssyncadd.s32 $0xFFFFF800  }
0x92: {  	[spmem:s2] =	stream.indirect.scatter.add.f32 [tilespmem:s18], [sflag:$0x9], $0x10, s16, s17, $0xb8;
	[tilespmem:$0x11000] =	vst v63  }
0x93: {  	_ =	swait.ge [sflag:s26], $0x800  }
0x94: {  	[sflag:s26] =	ssyncset.done $0x0  }
0x95: {  	s7 =	sadd.s32 $0x80, s16;
	[sflag:s26] =	ssyncadd.s32 $0xFFFFF800  }
0x96: {  	[spmem:s2] =	stream.indirect.scatter.add.f32 [tilespmem:s20], [sflag:$0xA], $0x10, s7, s17, $0xb8;
	[tilespmem:$0x11000] =	vst v63  }
0x97: {  	_ =	swait.ge [sflag:s0], $0x800  }
0x98: {  	[sflag:s0] =	ssyncset.done $0x0  }
0x99: {  	s7 =	sadd.s32 $0x100, s16;
	[sflag:s0] =	ssyncadd.s32 $0xFFFFF800  }
0x9a: {  	[spmem:s2] =	stream.indirect.scatter.add.f32 [tilespmem:s22], [sflag:$0xB], $0x10, s7, s17, $0xb8;
	[tilespmem:$0x11000] =	vst v63  }
0x9b: {  	_ =	swait.ge [sflag:s29], $0x800  }
0x9c: {  	[sflag:s29] =	ssyncset.done $0x0  }
0x9d: {  	s7 =	sadd.s32 $0x180, s16;
	[sflag:s29] =	ssyncadd.s32 $0xFFFFF800  }
0x9e: {  	[spmem:s2] =	stream.indirect.scatter.add.f32 [tilespmem:s25], [sflag:$0xC], $0x10, s7, s17, $0xb8;
	[tilespmem:$0x11000] =	vst v63  }
0x9f: {  	_ =	swait.ge [sflag:s31], $0x800  }
0xa0: {  	[sflag:s31] =	ssyncset.done $0x0  }
0xa1: {  	s7 =	sadd.s32 $0x200, s16;
	[sflag:s31] =	ssyncadd.s32 $0xFFFFF800  }
0xa2: {  	[spmem:s2] =	stream.indirect.scatter.add.f32 [tilespmem:s28], [sflag:$0xD], $0x10, s7, s17, $0xb8;
	[tilespmem:$0x11000] =	vst v63  }
0xa3: {  	_ =	swait.ge [sflag:s19], $0x800  }
0xa4: {  	[sflag:s19] =	ssyncset.done $0x0  }
0xa5: {  	s7 =	sadd.s32 $0x280, s16;
	[sflag:s19] =	ssyncadd.s32 $0xFFFFF800  }
0xa6: {  	[spmem:s2] =	stream.indirect.scatter.add.f32 [tilespmem:s30], [sflag:$0xE], $0x10, s7, s17, $0xb8;
	[tilespmem:$0x11000] =	vst v63  }
0xa7: {  	_ =	swait.ge [sflag:s3], $0x800  }
0xa8: {  	[sflag:s3] =	ssyncset.done $0x0  }
0xa9: {  	s7 =	sadd.s32 $0x300, s16;
	[sflag:s3] =	ssyncadd.s32 $0xFFFFF800  }
0xaa: {  	[spmem:s2] =	stream.indirect.scatter.add.f32 [tilespmem:s1], [sflag:$0xF], $0x10, s7, s17, $0xb8;
	[tilespmem:$0x11000] =	vst v63  }
0xab: {  	_ =	swait.ge [sflag:s5], $0x800  }
0xac: {  	[sflag:s5] =	ssyncset.done $0x0  }
0xad: {  	s7 =	sadd.s32 $0x380, s16;
	[sflag:s5] =	ssyncadd.s32 $0xFFFFF800  }
0xae: {  	[spmem:s2] =	stream.indirect.scatter.add.f32 [tilespmem:s21], [sflag:$0x10], $0x10, s7, s17, $0xb8;
	[tilespmem:$0x11000] =	vst v63  }
0xaf: {  	_ =	swait.ge [sflag:s6], $0x800  }
0xb0: {  	[sflag:s6] =	ssyncset.done $0x0  }
0xb1: {  	s7 =	sadd.s32 $0x5400, s16;
	[sflag:s6] =	ssyncadd.s32 $0xFFFFF800  }
0xb2: {  	[tilespmem:s18], [sflag:$0x1] =	stream.indirect.gather [hbm4b:s4+s17], $0x10, s7, s17, $0xb8;
	[tilespmem:$0x11000] =	vst v63  }
0xb3: {  	_ =	swait.ge [sflag:s8], $0x800  }
0xb4: {  	[sflag:s8] =	ssyncset.done $0x0  }
0xb5: {  	s7 =	sadd.s32 $0x5480, s16;
	[sflag:s8] =	ssyncadd.s32 $0xFFFFF800  }
0xb6: {  	[tilespmem:s20], [sflag:$0x2] =	stream.indirect.gather [hbm4b:s4+s17], $0x10, s7, s17, $0xb8;
	[tilespmem:$0x11000] =	vst v63  }
0xb7: {  	_ =	swait.ge [sflag:s13], $0x800  }
0xb8: {  	[sflag:s13] =	ssyncset.done $0x0  }
0xb9: {  	s7 =	sadd.s32 $0x5500, s16;
	[sflag:s13] =	ssyncadd.s32 $0xFFFFF800  }
0xba: {  	[tilespmem:s22], [sflag:$0x3] =	stream.indirect.gather [hbm4b:s4+s17], $0x10, s7, s17, $0xb8;
	[tilespmem:$0x11000] =	vst v63  }
0xbb: {  	_ =	swait.ge [sflag:s9], $0x800  }
0xbc: {  	[sflag:s9] =	ssyncset.done $0x0  }
0xbd: {  	s7 =	sadd.s32 $0x5580, s16;
	[sflag:s9] =	ssyncadd.s32 $0xFFFFF800  }
0xbe: {  	[tilespmem:s25], [sflag:$0x4] =	stream.indirect.gather [hbm4b:s4+s17], $0x10, s7, s17, $0xb8;
	[tilespmem:$0x11000] =	vst v63  }
0xbf: {  	_ =	swait.ge [sflag:s10], $0x800  }
0xc0: {  	[sflag:s10] =	ssyncset.done $0x0  }
0xc1: {  	s7 =	sadd.s32 $0x5600, s16;
	[sflag:s10] =	ssyncadd.s32 $0xFFFFF800  }
0xc2: {  	[tilespmem:s28], [sflag:$0x5] =	stream.indirect.gather [hbm4b:s4+s17], $0x10, s7, s17, $0xb8;
	[tilespmem:$0x11000] =	vst v63  }
0xc3: {  	_ =	swait.ge [sflag:s11], $0x800  }
0xc4: {  	[sflag:s11] =	ssyncset.done $0x0  }
0xc5: {  	s7 =	sadd.s32 $0x5680, s16;
	[sflag:s11] =	ssyncadd.s32 $0xFFFFF800  }
0xc6: {  	[tilespmem:s30], [sflag:$0x6] =	stream.indirect.gather [hbm4b:s4+s17], $0x10, s7, s17, $0xb8;
	[tilespmem:$0x11000] =	vst v63  }
0xc7: {  	_ =	swait.ge [sflag:s12], $0x800  }
0xc8: {  	[sflag:s12] =	ssyncset.done $0x0  }
.Ltmp1:
0xc9: {  	s7 =	sadd.s32 $0x5700, s16;
	[sflag:s12] =	ssyncadd.s32 $0xFFFFF800;
	(pc) =	sbr.rel @p0 .LBB2_4-.Ltmp1, $4  }
0xca: {  	[tilespmem:s1], [sflag:$0x7] =	stream.indirect.gather [hbm4b:s4+s17], $0x10, s7, s17, $0xb8;
	[tilespmem:$0x11000] =	vst v63  }
0xcb: {  	_ =	swait.ge [sflag:s24], $0x800  }
0xcc: {  	[sflag:s24] =	ssyncset.done $0x0  }
0xcd: {  	s16 =	sadd.s32 $0x5780, s16;
	[sflag:s24] =	ssyncadd.s32 $0xFFFFF800  }
0xce: {  	[tilespmem:s21], [sflag:$0x8] =	stream.indirect.gather [hbm4b:s4+s17], $0x10, s16, s17, $0xb8;
	[tilespmem:$0x11000] =	vst v63  }
0xcf: {  	_ =	swait.ge [sflag:s23], $0x800  }
0xd0: {  	[sflag:s23] =	ssyncset.done $0x0  }
0xd1: {  	s7 =	simm.s32 $0x4C00;
	[sflag:s23] =	ssyncadd.s32 $0xFFFFF800  }
0xd2: {  	[spmem:s2] =	stream.indirect.scatter.add.f32 [tilespmem:s18], [sflag:$0x9], $0x10, s7, s17, $0xb8;
	[tilespmem:$0x11000] =	vst v63  }
0xd3: {  	_ =	swait.ge [sflag:s26], $0x800  }
0xd4: {  	[sflag:s26] =	ssyncset.done $0x0  }
0xd5: {  	s14 =	simm.s32 $0x4C80;
	[sflag:s26] =	ssyncadd.s32 $0xFFFFF800  }
0xd6: {  	[spmem:s2] =	stream.indirect.scatter.add.f32 [tilespmem:s20], [sflag:$0xA], $0x10, s14, s17, $0xb8;
	[tilespmem:$0x11000] =	vst v63  }
0xd7: {  	_ =	swait.ge [sflag:s0], $0x800  }
0xd8: {  	[sflag:s0] =	ssyncset.done $0x0  }
0xd9: {  	s16 =	simm.s32 $0x4D00;
	[sflag:s0] =	ssyncadd.s32 $0xFFFFF800  }
0xda: {  	[spmem:s2] =	stream.indirect.scatter.add.f32 [tilespmem:s22], [sflag:$0xB], $0x10, s16, s17, $0xb8;
	[tilespmem:$0x11000] =	vst v63  }
0xdb: {  	_ =	swait.ge [sflag:s29], $0x800  }
0xdc: {  	[sflag:s29] =	ssyncset.done $0x0  }
0xdd: {  	s14 =	simm.s32 $0x4D80;
	[sflag:s29] =	ssyncadd.s32 $0xFFFFF800  }
0xde: {  	[spmem:s2] =	stream.indirect.scatter.add.f32 [tilespmem:s25], [sflag:$0xC], $0x10, s14, s17, $0xb8;
	[tilespmem:$0x11000] =	vst v63  }
0xdf: {  	_ =	swait.ge [sflag:s31], $0x800  }
0xe0: {  	[sflag:s31] =	ssyncset.done $0x0  }
0xe1: {  	s16 =	simm.s32 $0x4E00;
	[sflag:s31] =	ssyncadd.s32 $0xFFFFF800  }
0xe2: {  	[spmem:s2] =	stream.indirect.scatter.add.f32 [tilespmem:s28], [sflag:$0xD], $0x10, s16, s17, $0xb8;
	[tilespmem:$0x11000] =	vst v63  }
0xe3: {  	_ =	swait.ge [sflag:s19], $0x800  }
0xe4: {  	[sflag:s19] =	ssyncset.done $0x0  }
0xe5: {  	s14 =	simm.s32 $0x4E80;
	[sflag:s19] =	ssyncadd.s32 $0xFFFFF800  }
0xe6: {  	[spmem:s2] =	stream.indirect.scatter.add.f32 [tilespmem:s30], [sflag:$0xE], $0x10, s14, s17, $0xb8;
	[tilespmem:$0x11000] =	vst v63  }
0xe7: {  	_ =	swait.ge [sflag:s3], $0x800  }
0xe8: {  	[sflag:s3] =	ssyncset.done $0x0  }
0xe9: {  	s16 =	simm.s32 $0x4F00;
	[sflag:s3] =	ssyncadd.s32 $0xFFFFF800  }
0xea: {  	[spmem:s2] =	stream.indirect.scatter.add.f32 [tilespmem:s1], [sflag:$0xF], $0x10, s16, s17, $0xb8;
	[tilespmem:$0x11000] =	vst v63  }
0xeb: {  	_ =	swait.ge [sflag:s5], $0x800  }
0xec: {  	[sflag:s5] =	ssyncset.done $0x0  }
0xed: {  	s14 =	simm.s32 $0x4F80;
	[sflag:s5] =	ssyncadd.s32 $0xFFFFF800  }
0xee: {  	[spmem:s2] =	stream.indirect.scatter.add.f32 [tilespmem:s21], [sflag:$0x10], $0x10, s14, s17, $0xb8;
	[tilespmem:$0x11000] =	vst v63  }
0xef: {  	_ =	swait.ge [sflag:s6], $0x800  }
0xf0: {  	[sflag:s6] =	ssyncset.done $0x0  }
0xf1: {  	[sflag:s6] =	ssyncadd.s32 $0xFFFFF800  }
0xf2: {  	_ =	swait.ge [sflag:s8], $0x800  }
0xf3: {  	[sflag:s8] =	ssyncset.done $0x0  }
0xf4: {  	[sflag:s8] =	ssyncadd.s32 $0xFFFFF800  }
0xf5: {  	_ =	swait.ge [sflag:s13], $0x800  }
0xf6: {  	[sflag:s13] =	ssyncset.done $0x0  }
0xf7: {  	[sflag:s13] =	ssyncadd.s32 $0xFFFFF800  }
0xf8: {  	_ =	swait.ge [sflag:s9], $0x800  }
0xf9: {  	[sflag:s9] =	ssyncset.done $0x0  }
0xfa: {  	[sflag:s9] =	ssyncadd.s32 $0xFFFFF800  }
0xfb: {  	_ =	swait.ge [sflag:s10], $0x800  }
0xfc: {  	[sflag:s10] =	ssyncset.done $0x0  }
0xfd: {  	[sflag:s10] =	ssyncadd.s32 $0xFFFFF800  }
0xfe: {  	_ =	swait.ge [sflag:s11], $0x800  }
0xff: {  	[sflag:s11] =	ssyncset.done $0x0  }
0x100: {  	[sflag:s11] =	ssyncadd.s32 $0xFFFFF800  }
0x101: {  	_ =	swait.ge [sflag:s12], $0x800  }
0x102: {  	[sflag:s12] =	ssyncset.done $0x0  }
0x103: {  	[sflag:s12] =	ssyncadd.s32 $0xFFFFF800  }
0x104: {  	_ =	swait.ge [sflag:s24], $0x800  }
0x105: {  	[sflag:s24] =	ssyncset.done $0x0  }
0x106: {  	[sflag:s24] =	ssyncadd.s32 $0xFFFFF800  }
0x107: {  	s16 =	stileid.u32;
	[bflag:$0x0] =	sbarrier.arrive $0xFFFF  }
0x108: {  	s7 =	sshll.u32 s16, $0x6;
	s14 =	rddreg [dreg:$0x5]  }
0x109: {  	s7 =	sor.u32 $0x1C12, s7;
	s16 =	rddreg [dreg:$0xb];
	s14 =	sshrl.u32 s14, $0x3  }
0x10a: {  	[hbm:s16], [sflag:s7] =	dma.local [spmem:s14], $0x500  }
0x10b: {  	_ =	swait.ge [sflag:s15], $0x500  }
0x10c: {  	s7 =	rddreg [dreg:$0xc]  }
0x10d: {  	s16 =	rddreg [dreg:$0xa];
	s14 =	sadd.s32 $0x1, s7  }
0x10e: {  	p0 =	sne.s32 s14, s16  }
.Ltmp2:
0x10f: {  	_ = 	snop;
	(pc) =	sbr.rel @p0 .LBB2_1-.Ltmp2, $3  }
0x110: {  	_ =	sdelay $0x1  }
0x111: {  	[sflag:s15] =	ssyncset.done $0x0  }
0x112: {  	[sflag:s15] =	ssyncadd.s32 $0xFFFFFB00  }
0x113: {  	_ =	sfence.sel $0x180000  }
0x114: {  	[bflag:$0x0] =	sbarrier.arrive $0xFFFF  }
0x115: {  	_ =	strace $0x9000004D  }
0x116: {  	s0 =	stileid.u32;
	[bflag:$0x2] =	sbarrier.arrive $0xFFFF  }
0x117: {  	p0 =	sne.s32 s0, $0x0;
	s0 =	rddreg [dreg:$0x2]  }
0x118: {  	s0 =	sadd.s32 @!p0 $0x100000, s0  }
0x119: {  	[sflag:s0] =	ssyncadd.tile.s32 @!p0 $0x1;
	_ =	shalt  }
.Lfunc_end2:
_tile_overlayer_lowered:
.L_overlay_start_2:
0x11a: {  	(tag) =	ssettag $0x2  }
0x11b: {  	s0 =	rddreg [dreg:$0x0];
	s2 =	stileid.u32  }
0x11c: {  	s1 =	rddreg [dreg:$0x1];
	p0 =	sne.s32 s2, $0x0  }
0x11d: {  	s3 =	rddreg [dreg:$0x2];
	[bflag:$0x3] =	sbarrier.arrive $0xFFFF;
	s2 =	simm.s32 @!p0 $0x1C12  }
0x11e: {  	[timem:s3], [sflag:s2] =	dma.local @!p0 [hbm:s0], s1  }
0x11f: {  	s0 =	simm.s32 @!p0 $0x12  }
0x120: {  	_ =	swait.ge @!p0 [sflag:s0], s1  }
0x121: {  	s1 =	ssub.s32 @!p0 $0x0, s1;
	[sflag:s0] =	ssyncset.done @!p0 $0x0  }
0x122: {  	[sflag:s0] =	ssyncadd.s32 @!p0 s1  }
0x123: {  	[bflag:$0x3] =	sbarrier.arrive $0xFFFF  }
0x124: {  	_ =	shalt  }

// kernel: kernel.8.cloned.1.call-start
scs
__scs_entry_jumppad:
0x0: {  	(pc) =	sbr.rel $0x88, $3  }
0x1: {  	(tag) =	ssettag $0x0;
	lr =	simm.s32 $0x1  }
0x2: {  	[smem:$0x3F97] =	sst lr;
	_ =	strace $0xD0000000  }
0x3: {  	_ = 	snop  }
0x4: {  	_ = 	snop  }
0x5: {  	_ = 	snop  }
0x6: {  	_ = 	snop  }
0x7: {  	_ = 	snop  }
__scs_overlays_trampoline_lowered:
0x8: {  	[smem:$0x3FA6] =	sst s0  }
0x9: {  	[smem:$0x3FA7] =	sst s1  }
0xa: {  	[smem:$0x3FA8] =	sst s2  }
0xb: {  	[smem:$0x3FA9] =	sst s3  }
0xc: {  	[smem:$0x3FAA] =	sst s4  }
0xd: {  	[smem:$0x3FAB] =	sst s5  }
0xe: {  	[smem:$0x3FAC] =	sst s6  }
0xf: {  	[smem:$0x3FAD] =	sst s7  }
0x10: {  	[smem:$0x3FAE] =	sst s8  }
0x11: {  	[smem:$0x3FAF] =	sst s9;
	s0 =	simm.s32 @!p0 $0x0  }
0x12: {  	s1 =	sld [smem:$0x3F95];
	s0 =	simm.s32 @p0 $0x1  }
0x13: {  	[smem:$0x3FB0] =	sst s0;
	s0 =	simm.s32 @!p1 $0x0  }
0x14: {  	s2 =	sld [smem:$0x3F94];
	s0 =	simm.s32 @p1 $0x1  }
0x15: {  	[smem:$0x3FB1] =	sst s0;
	s0 =	simm.s32 @!p2 $0x0  }
0x16: {  	s3 =	sld [smem:$0x3FDB];
	s0 =	simm.s32 @p2 $0x1  }
0x17: {  	s4 =	simm.s32 $0x1BF5;
	[smem:$0x3FB3] =	sst s0  }
0x18: {  	s0 =	sld [smem:$0x3F96];
	_ =	swait.ge [sflag:s4], $0x0  }
0x19: {  	s7 =	sld [smem:$0x3F97]  }
0x1a: {  	s8 =	sadd.s32 $0xFFFFE003, lr  }
0x1b: {  	s9 =	sadd.s32 $0xFFFFFEF7, lr;
	s5 =	simm.s32 $0xFFFFFFFF;
	p2 =	slt.u32 s8, $0xFFFFF086  }
0x1c: {  	p1 =	slt.u32 s9, $0xF7A;
	s5 =	simm.s32 @!p2 $0x0  }
0x1d: {  	s5 =	simm.s32 @p1 $0x1;
	p0 =	seq.s32 s7, s2  }
0x1e: {  	s7 =	smul.u32 @!p0 $0xF7A, s2;
	p2 =	seq.s32 @!p0 s5, $0x0  }
0x1f: {  	s9 =	smul.u32 $0xF7A, s1;
	s8 =	simm.s32 @!p0 $0x1BF5;
	p2 =	por !p2, p0  }
0x20: {  	[sflag:s8] =	ssyncset.s32 @!p0 $0xFFFFF086;
	s6 =	sadd.s32 @!p0 s3, s7;
	s7 =	simm.s32 @!p0 $0x108  }
0x21: {  	s3 =	sadd.s32 s3, s9;
	s6 =	sadd.s32 @!p0 $0x88, s6;
	s7 =	simm.s32 @p2 $0x1082  }
0x22: {  	[simem:s7], [sflag:s8] =	dma.local @!p0 [hbm:s6], $0xF7A  }
0x23: {  	s9 =	sor.u32 $0xD0000000, s2;
	s6 =	simm.s32 $0x108;
	_ =	swait.ge @!p0 [sflag:s8], $0x0  }
0x24: {  	s3 =	sadd.s32 $0x88, s3;
	s6 =	simm.s32 @!p1 $0x1082;
	[sflag:s4] =	ssyncset.s32 $0xFFFFF086  }
0x25: {  	[simem:s6], [sflag:s4] =	dma.local [hbm:s3], $0xF7A  }
0x26: {  	[smem:$0x3F97] =	sst s1;
	(tag) =	ssettag s2;
	_ =	strace s9  }
0x27: {  	s1 =	sld [smem:$0x3FA7]  }
0x28: {  	s2 =	sld [smem:$0x3FA8]  }
0x29: {  	s4 =	sld [smem:$0x3FAA]  }
0x2a: {  	p0 =	seq.s32 s5, $0x0;
	s5 =	sld [smem:$0x3FAB]  }
0x2b: {  	s6 =	sld [smem:$0x3FAC]  }
0x2c: {  	s7 =	sld [smem:$0x3FAD]  }
0x2d: {  	s3 =	simm.s32 $0x108;
	s8 =	sld [smem:$0x3FAE]  }
0x2e: {  	s3 =	simm.s32 @!p0 $0x1082;
	s9 =	sld [smem:$0x3FAF]  }
0x2f: {  	lr =	sadd.s32 s0, s3;
	s0 =	sld [smem:$0x3FA6]  }
0x30: {  	s3 =	sld [smem:$0x3FA9]  }
0x31: {  	[smem:$0x3FB2] =	sst s10  }
0x32: {  	s10 =	sld [smem:$0x3FB0];
	_ =	sdelay $0x3  }
0x33: {  	p0 =	seq.s32 s10, $0x1;
	s10 =	sld [smem:$0x3FB2];
	_ =	sdelay $0x3  }
0x34: {  	[smem:$0x3FB2] =	sst s10  }
0x35: {  	s10 =	sld [smem:$0x3FB1];
	_ =	sdelay $0x3  }
0x36: {  	p1 =	seq.s32 s10, $0x1;
	s10 =	sld [smem:$0x3FB2];
	_ =	sdelay $0x3  }
0x37: {  	[smem:$0x3FB2] =	sst s10  }
0x38: {  	s10 =	sld [smem:$0x3FB3]  }
0x39: {  	_ = 	snop;
	(pc) =	sbr.ind lr, $3  }
0x3a: {  	_ = 	snop  }
0x3b: {  	_ = 	snop  }
0x3c: {  	p2 =	seq.s32 s10, $0x1;
	s10 =	sld [smem:$0x3FB2]  }
0x3d: {  	_ =	shalt  }
0x3e: {  	_ =	shalt  }
0x3f: {  	_ =	shalt  }
0x40: {  	_ =	shalt  }
0x41: {  	_ =	shalt  }
0x42: {  	_ =	shalt  }
0x43: {  	_ =	shalt  }
0x44: {  	_ =	shalt  }
0x45: {  	_ =	shalt  }
0x46: {  	_ =	shalt  }
0x47: {  	_ =	shalt  }
0x48: {  	_ =	shalt  }
0x49: {  	_ =	shalt  }
0x4a: {  	_ =	shalt  }
0x4b: {  	_ =	shalt  }
0x4c: {  	_ =	shalt  }
0x4d: {  	_ =	shalt  }
0x4e: {  	_ =	shalt  }
0x4f: {  	_ =	shalt  }
0x50: {  	_ =	shalt  }
0x51: {  	_ =	shalt  }
0x52: {  	_ =	shalt  }
0x53: {  	_ =	shalt  }
0x54: {  	_ =	shalt  }
0x55: {  	_ =	shalt  }
0x56: {  	_ =	shalt  }
0x57: {  	_ =	shalt  }
0x58: {  	_ =	shalt  }
0x59: {  	_ =	shalt  }
0x5a: {  	_ =	shalt  }
0x5b: {  	_ =	shalt  }
0x5c: {  	_ =	shalt  }
0x5d: {  	_ =	shalt  }
0x5e: {  	_ =	shalt  }
0x5f: {  	_ =	shalt  }
0x60: {  	_ =	shalt  }
0x61: {  	_ =	shalt  }
0x62: {  	_ =	shalt  }
0x63: {  	_ =	shalt  }
0x64: {  	_ =	shalt  }
0x65: {  	_ =	shalt  }
0x66: {  	_ =	shalt  }
0x67: {  	_ =	shalt  }
0x68: {  	_ =	shalt  }
0x69: {  	_ =	shalt  }
0x6a: {  	_ =	shalt  }
0x6b: {  	_ =	shalt  }
0x6c: {  	_ =	shalt  }
0x6d: {  	_ =	shalt  }
0x6e: {  	_ =	shalt  }
0x6f: {  	_ =	shalt  }
0x70: {  	_ =	shalt  }
0x71: {  	_ =	shalt  }
0x72: {  	_ =	shalt  }
0x73: {  	_ =	shalt  }
0x74: {  	_ =	shalt  }
0x75: {  	_ =	shalt  }
0x76: {  	_ =	shalt  }
0x77: {  	_ =	shalt  }
0x78: {  	_ =	shalt  }
0x79: {  	_ =	shalt  }
0x7a: {  	_ =	shalt  }
0x7b: {  	_ =	shalt  }
0x7c: {  	_ =	shalt  }
0x7d: {  	_ =	shalt  }
0x7e: {  	_ =	shalt  }
0x7f: {  	_ =	shalt  }
0x80: {  	_ =	shalt  }
0x81: {  	_ =	shalt  }
0x82: {  	_ =	shalt  }
0x83: {  	_ =	shalt  }
0x84: {  	_ =	shalt  }
0x85: {  	_ =	shalt  }
0x86: {  	_ =	shalt  }
0x87: {  	_ =	shalt  }
.Lfunc_end0:
.L_simem_size_0:
called_computation_lowered:
.L_overlay_start_0:
0x88: {  	s2 =	sld [smem:$0x3FD9]  }
0x89: {  	s3 =	sld [smem:$0x3FFE];
	_ =	sdelay $0x1  }
0x8a: {  	s1 =	srdreg.scid  }
0x8b: {  	s0 =	sand.u32 $0x1, s1  }
0x8c: {  	s16 =	sshll.u32 s0, $0xA;
	s2 =	sadd.s32 s3, s2  }
0x8d: {  	s2 =	sadd.s32 s2, s16  }
0x8e: {  	[smem:$0x3FBE] =	sst s2  }
0x8f: {  	_ = 	snop  }
0x90: {  	(tm) =	ssettm $0x1  }
0x91: {  	s17 =	sld [smem:$0x3FFB];
	_ =	sdelay $0x3  }
0x92: {  	_ =	strace s17  }
0x93: {  	s2 =	sld [smem:$0x3FFC];
	_ =	sdelay $0x3  }
0x94: {  	_ =	strace s2  }
0x95: {  	s2 =	sld [smem:$0x3FFD];
	_ =	sdelay $0x3  }
0x96: {  	_ =	strace s2  }
0x97: {  	_ =	strace $0x8FFFFFFF  }
0x98: {  	s18 =	sld [smem:$0x3FDB];
	_ =	sdelay $0x1  }
0x99: {  	s19 =	simm.s32 $_scs_section_size  }
0x9a: {  	s4 =	simm.s32 $_size__tile_overlayer_lowered;
	s5 =	simm.s32 $_tile_overlayer_lowered  }
0x9b: {  	s22 =	simm.s32 $0x1BFF;
	s21 =	sshll.u32 s5, $0x1;
	s2 =	sadd.s32 s19, s18  }
0x9c: {  	s6 =	simm.s32 $0x0;
	s20 =	sshll.u32 s4, $0x1;
	s4 =	sadd.s32 s21, s2  }
0x9d: {  	[timem:s6], [sflag:s22] =	dma.local [hbm:s4], s20  }
0x9e: {  	_ =	swait.ge [sflag:s22], s20  }
0x9f: {  	s3 =	ssub.s32 $0x0, s20;
	[sflag:s22] =	ssyncset.done $0x0  }
0xa0: {  	[sflag:s22] =	ssyncadd.s32 s3;
	_ =	sdelay $0x1  }
0xa1: {  	s23 =	simm.s32 $0x1B8B  }
0xa2: {  	_ =	swait.ge [sflag:s23], $0x1  }
0xa3: {  	[sflag:s23] =	ssyncset.done $0x0  }
0xa4: {  	s25 =	simm.s32 $0x1B8E;
	s24 =	sld [smem:$0x3FFE];
	[sflag:s23] =	ssyncadd.s32 $0xFFFFFFFF  }
0xa5: {  	s26 =	simm.s32 $execute0_lowered;
	[smem:$0x3FD2] =	sst s25  }
0xa6: {  	s4 =	sshll.u32 s26, $0x1;
	_ =	strace $0x80000046;
	[dreg:$0x1] =	wrdreg $0xFFFFFFFF  }
0xa7: {  	s28 =	simm.s32 $_size_execute0_lowered;
	s2 =	sadd.s32 s2, s4;
	[dreg:$0x0] =	wrdreg $0x0  }
0xa8: {  	s4 =	sshll.u32 s28, $0x1;
	[dreg:$0x2] =	wrdreg s2  }
0xa9: {  	[dreg:$0x3] =	wrdreg s4  }
0xaa: {  	[dreg:$0x4] =	wrdreg $0xC0  }
0xab: {  	_ =	task [dreg:s6], $0x5FFFF  }
0xac: {  	[dreg:$0x1] =	wrdreg $0xFFFFFFFF  }
0xad: {  	[dreg:$0x0] =	wrdreg $0x60  }
0xae: {  	[dreg:$0x2] =	wrdreg s24  }
0xaf: {  	[dreg:$0x3] =	wrdreg $0x60000  }
0xb0: {  	[dreg:$0x4] =	wrdreg $0x9  }
0xb1: {  	_ =	task.clear_ibuf [dreg:s6], $0x5FFFF;
	_ =	strace $0x90000046  }
0xb2: {  	s29 =	simm.s32 $0x9;
	_ =	strace $0x80000048  }
0xb3: {  	_ =	swait.ge [sflag:s29], $0x1  }
0xb4: {  	[sflag:s29] =	ssyncadd.s32 $0xFFFFFFFF  }
0xb5: {  	_ =	strace $0x90000048  }
0xb6: {  	_ =	sfence  }
0xb7: {  	s30 =	sld [smem:$0x0];
	_ =	sdelay $0x2  }
0xb8: {  	s31 =	sshll.u32 s1, $0xD;
	s1 =	sshrl.u32 s1, $0x2  }
0xb9: {  	s3 =	sand.u32 $0x4000, s31;
	s1 =	sadd.s32 s1, s30  }
0xba: {  	s0 =	sor.u32 s3, s0;
	s1 =	sshll.u32 s1, $0x11  }
0xbb: {  	s0 =	sor.u32 s1, s0  }
0xbc: {  	s0 =	sadd.s32 $0x8F2B, s0  }
0xbd: {  	[sflag:s0] =	ssyncadd.remote.s32 $0x1  }
0xbe: {  	_ =	sfence.sel $0xFFFF  }
0xbf: {  	[dreg:$0x0] =	wrdreg $0xFFFFFFFF;
	(pc) =	sbr.abs _section_cstart, $3  }
0xc0: {  	[dreg:$0x1] =	wrdreg $0xFFFFFFFF  }
0xc1: {  	_ =	task.clear_ibuf [dreg:s6], $0x2FFFF;
	_ =	strace $0x9FFFFFFF  }
0xc2: {  	(tm) =	ssettm $0x7FFFFFFF  }
0xc3: {  	_ =	shalt  }
tec
execute0_lowered:
.L_overlay_start_1:
0x0: {  	(tag) =	ssettag $0x1  }
0x1: {  	s1 =	srdreg.scid  }
0x2: {  	s0 =	stileid.u32;
	s4 =	rddreg [dreg:$0x0]  }
0x3: {  	s2 =	rddreg [dreg:$0x1];
	s3 =	simm.s32 $0x0;
	s13 =	simm.s32 $0x1  }
0x4: {  	s14 =	simm.s32 $0x80;
	s15 =	simm.s32 $0x5000;
	s16 =	simm.s32 $0x2  }
0x5: {  	s20 =	simm.s32 $0x0;
	s5 =	sand.u32 $0x1, s1;
	s1 =	rddreg [dreg:$0x2]  }
0x6: {  	s28 =	sshll.u32 s0, $0x1;
	[smem:$0x7FF] =	sst s3;
	s8 =	smul.u32 $0xA000, s0  }
0x7: {  	s10 =	smul.u32 $0x2800, s0;
	s31 =	sshll.u32 s0, $0x6;
	s6 =	sor.u32 s5, s28  }
0x8: {  	s7 =	smul.u32 $0x5000, s5;
	_ =	strace $0x80000047;
	s5 =	ssub.s32 $0x2, s5  }
0x9: {  	s6 =	smul.u32 $0xA00, s6;
	s9 =	sshrl.u32 s5, $0x1;
	s29 =	sshrl.u32 s8, $0x2  }
0xa: {  	s18 =	sshrl.u32 s10, $0x3;
	s11 =	sadd.s32 s7, s4;
	s12 =	ssub.s32 s5, s9  }
0xb: {  	s5 =	sadd.s32 s10, s2;
	s30 =	sadd.s32 s29, s2;
	s6 =	sadd.s32 s6, s4  }
0xc: {  	s7 =	sadd.s32 $0x1000, s30;
	s8 =	sadd.s32 $0x1800, s30;
	s9 =	sadd.s32 $0x2000, s30  }
0xd: {  	s17 =	sadd.s32 $0x2A400, s11;
	s10 =	smax.u32 s12, $0x1;
	s11 =	simm.s32 $0x5800  }
0xe: {  	s12 =	simm.s32 $0x3;
	s19 =	sshrl.u32 s5, $0x3;
	s4 =	sadd.s32 $0x16400, s6  }
0xf: {  	v0 =	vimm.f32 $1.000000000e+00;
	v1 =	vimm.f32 $0.0e+00;
	s6 =	sadd.s32 $0x800, s30;
	s17 =	sadd.s32 s18, s17;
	s18 =	sor.u32 $0x1C03, s31  }
.LBB2_1:
0x10: {  	[tilespmem:s3], [sflag:$0x1] =	stream.linear.gather [hbm4b:s4+s3], $0x5000, $0x38;
	[tilespmem:$0x8800] =	vst v63  }
0x11: {  	s21 =	simm.s32 $0x40;
	s22 =	simm.s32 $0x0  }
.LBB2_2:
0x12: {  	p0 =	sne.s32 s21, $0x1FC0;
	[tilespmem:s22+$0x5000] =	vst v0;
	s23 =	smov.u32 s21;
	s21 =	sadd.s32 $0x40, s21  }
.Ltmp0:
0x13: {  	[tilespmem:s22+$0x5800] =	vst v1;
	(pc) =	sbr.rel @p0 .LBB2_2-.Ltmp0, $2  }
0x14: {  	_ =	sdelay $0x2  }
0x15: {  	s22 =	sshra.s32 s23, $0x2  }
0x16: {  	[tilespmem:s22+$0x5000] =	vst v0  }
0x17: {  	[tilespmem:s22+$0x5800] =	vst v1  }
0x18: {  	[spmem:s5] =	stream.linear.scatter [tilespmem:s11], [sflag:$0x3], $0x800, $0x38;
	[tilespmem:$0x8800] =	vst v63  }
0x19: {  	_ =	swait.ge [sflag:s12], $0x800  }
0x1a: {  	[sflag:s12] =	ssyncset.done $0x0  }
0x1b: {  	[sflag:s12] =	ssyncadd.s32 $0xFFFFF800  }
0x1c: {  	[spmem:s6] =	stream.linear.scatter [tilespmem:s11], [sflag:$0x3], $0x800, $0x38;
	[tilespmem:$0x8800] =	vst v63  }
0x1d: {  	_ =	swait.ge [sflag:s12], $0x800  }
0x1e: {  	[sflag:s12] =	ssyncset.done $0x0  }
0x1f: {  	[sflag:s12] =	ssyncadd.s32 $0xFFFFF800  }
0x20: {  	[spmem:s7] =	stream.linear.scatter [tilespmem:s11], [sflag:$0x3], $0x800, $0x38;
	[tilespmem:$0x8800] =	vst v63  }
0x21: {  	_ =	swait.ge [sflag:s12], $0x800  }
0x22: {  	[sflag:s12] =	ssyncset.done $0x0  }
0x23: {  	[sflag:s12] =	ssyncadd.s32 $0xFFFFF800  }
0x24: {  	[spmem:s8] =	stream.linear.scatter [tilespmem:s11], [sflag:$0x3], $0x800, $0x38;
	[tilespmem:$0x8800] =	vst v63  }
0x25: {  	_ =	swait.ge [sflag:s12], $0x800  }
0x26: {  	[sflag:s12] =	ssyncset.done $0x0  }
0x27: {  	[sflag:s12] =	ssyncadd.s32 $0xFFFFF800  }
0x28: {  	[spmem:s9] =	stream.linear.scatter [tilespmem:s11], [sflag:$0x3], $0x800, $0x38;
	[tilespmem:$0x8800] =	vst v63  }
0x29: {  	_ =	swait.ge [sflag:s12], $0x800  }
0x2a: {  	[sflag:s12] =	ssyncset.done $0x0  }
0x2b: {  	[sflag:s12] =	ssyncadd.s32 $0xFFFFF800  }
0x2c: {  	_ =	swait.ge [sflag:s13], $0x5000  }
0x2d: {  	[sflag:s13] =	ssyncset.done $0x0  }
0x2e: {  	[sflag:s13] =	ssyncadd.s32 $0xFFFFB000  }
0x2f: {  	s21 =	simm.s32 $0x0;
	[bflag:$0x0] =	sbarrier.arrive $0xFFFF  }
0x30: {  	[spmem:s2] =	stream.indirect.scatter.add.f32 [tilespmem:s15], [sflag:$0x2], $0x10, s21, s14, $0xb8;
	[tilespmem:$0x8800] =	vst v63  }
0x31: {  	s24 =	simm.s32 $0x80  }
0x32: {  	[spmem:s2] =	stream.indirect.scatter.add.f32 [tilespmem:s15], [sflag:$0x2], $0x10, s24, s14, $0xb8;
	[tilespmem:$0x8800] =	vst v63  }
0x33: {  	s25 =	simm.s32 $0x100  }
0x34: {  	[spmem:s2] =	stream.indirect.scatter.add.f32 [tilespmem:s15], [sflag:$0x2], $0x10, s25, s14, $0xb8;
	[tilespmem:$0x8800] =	vst v63  }
0x35: {  	s26 =	simm.s32 $0x180  }
0x36: {  	[spmem:s2] =	stream.indirect.scatter.add.f32 [tilespmem:s15], [sflag:$0x2], $0x10, s26, s14, $0xb8;
	[tilespmem:$0x8800] =	vst v63  }
0x37: {  	s28 =	simm.s32 $0x200  }
0x38: {  	[spmem:s2] =	stream.indirect.scatter.add.f32 [tilespmem:s15], [sflag:$0x2], $0x10, s28, s14, $0xb8;
	[tilespmem:$0x8800] =	vst v63  }
0x39: {  	s29 =	simm.s32 $0x280  }
0x3a: {  	[spmem:s2] =	stream.indirect.scatter.add.f32 [tilespmem:s15], [sflag:$0x2], $0x10, s29, s14, $0xb8;
	[tilespmem:$0x8800] =	vst v63  }
0x3b: {  	s30 =	simm.s32 $0x300  }
0x3c: {  	[spmem:s2] =	stream.indirect.scatter.add.f32 [tilespmem:s15], [sflag:$0x2], $0x10, s30, s14, $0xb8;
	[tilespmem:$0x8800] =	vst v63  }
0x3d: {  	s31 =	simm.s32 $0x380  }
0x3e: {  	[spmem:s2] =	stream.indirect.scatter.add.f32 [tilespmem:s15], [sflag:$0x2], $0x10, s31, s14, $0xb8;
	[tilespmem:$0x8800] =	vst v63  }
0x3f: {  	_ =	swait.ge [sflag:s16], $0x800  }
0x40: {  	[sflag:s16] =	ssyncset.done $0x0  }
0x41: {  	[sflag:s16] =	ssyncadd.s32 $0xFFFFF800  }
0x42: {  	_ =	swait.ge [sflag:s16], $0x800  }
0x43: {  	[sflag:s16] =	ssyncset.done $0x0  }
0x44: {  	[sflag:s16] =	ssyncadd.s32 $0xFFFFF800  }
0x45: {  	_ =	swait.ge [sflag:s16], $0x800  }
0x46: {  	[sflag:s16] =	ssyncset.done $0x0  }
0x47: {  	[sflag:s16] =	ssyncadd.s32 $0xFFFFF800  }
0x48: {  	_ =	swait.ge [sflag:s16], $0x800  }
0x49: {  	[sflag:s16] =	ssyncset.done $0x0  }
0x4a: {  	[sflag:s16] =	ssyncadd.s32 $0xFFFFF800  }
0x4b: {  	_ =	swait.ge [sflag:s16], $0x800  }
0x4c: {  	[sflag:s16] =	ssyncset.done $0x0  }
0x4d: {  	[sflag:s16] =	ssyncadd.s32 $0xFFFFF800  }
0x4e: {  	_ =	swait.ge [sflag:s16], $0x800  }
0x4f: {  	[sflag:s16] =	ssyncset.done $0x0  }
0x50: {  	[sflag:s16] =	ssyncadd.s32 $0xFFFFF800  }
0x51: {  	_ =	swait.ge [sflag:s16], $0x800  }
0x52: {  	[sflag:s16] =	ssyncset.done $0x0  }
0x53: {  	[sflag:s16] =	ssyncadd.s32 $0xFFFFF800  }
0x54: {  	_ =	swait.ge [sflag:s16], $0x800  }
0x55: {  	s23 =	simm.s32 $0x2000;
	s21 =	simm.s32 $0x1000;
	[sflag:s16] =	ssyncset.done $0x0  }
.LBB2_4:
0x56: {  	s24 =	sshra.s32 s21, $0x2  }
0x57: {  	[sflag:s16] =	ssyncadd.s32 $0xFFFFF800;
	s21 =	smov.u32 s23;
	s22 =	sadd.s32 $0x1000, s23  }
0x58: {  	[spmem:s2] =	stream.indirect.scatter.add.f32 [tilespmem:s15], [sflag:$0x2], $0x10, s24, s14, $0xb8;
	[tilespmem:$0x8800] =	vst v63  }
0x59: {  	p0 =	sne.s32 s23, $0x13000;
	s23 =	sadd.s32 $0x80, s24  }
0x5a: {  	[spmem:s2] =	stream.indirect.scatter.add.f32 [tilespmem:s15], [sflag:$0x2], $0x10, s23, s14, $0xb8;
	[tilespmem:$0x8800] =	vst v63  }
0x5b: {  	s23 =	sadd.s32 $0x100, s24  }
0x5c: {  	[spmem:s2] =	stream.indirect.scatter.add.f32 [tilespmem:s15], [sflag:$0x2], $0x10, s23, s14, $0xb8;
	[tilespmem:$0x8800] =	vst v63  }
0x5d: {  	s23 =	sadd.s32 $0x180, s24  }
0x5e: {  	[spmem:s2] =	stream.indirect.scatter.add.f32 [tilespmem:s15], [sflag:$0x2], $0x10, s23, s14, $0xb8;
	[tilespmem:$0x8800] =	vst v63  }
0x5f: {  	s23 =	sadd.s32 $0x200, s24  }
0x60: {  	[spmem:s2] =	stream.indirect.scatter.add.f32 [tilespmem:s15], [sflag:$0x2], $0x10, s23, s14, $0xb8;
	[tilespmem:$0x8800] =	vst v63  }
0x61: {  	s23 =	sadd.s32 $0x280, s24  }
0x62: {  	[spmem:s2] =	stream.indirect.scatter.add.f32 [tilespmem:s15], [sflag:$0x2], $0x10, s23, s14, $0xb8;
	[tilespmem:$0x8800] =	vst v63  }
0x63: {  	s23 =	sadd.s32 $0x300, s24  }
0x64: {  	[spmem:s2] =	stream.indirect.scatter.add.f32 [tilespmem:s15], [sflag:$0x2], $0x10, s23, s14, $0xb8;
	[tilespmem:$0x8800] =	vst v63  }
0x65: {  	s23 =	sadd.s32 $0x380, s24  }
0x66: {  	[spmem:s2] =	stream.indirect.scatter.add.f32 [tilespmem:s15], [sflag:$0x2], $0x10, s23, s14, $0xb8;
	[tilespmem:$0x8800] =	vst v63  }
0x67: {  	_ =	swait.ge [sflag:s16], $0x800  }
0x68: {  	[sflag:s16] =	ssyncset.done $0x0  }
0x69: {  	[sflag:s16] =	ssyncadd.s32 $0xFFFFF800  }
0x6a: {  	_ =	swait.ge [sflag:s16], $0x800  }
0x6b: {  	[sflag:s16] =	ssyncset.done $0x0  }
0x6c: {  	[sflag:s16] =	ssyncadd.s32 $0xFFFFF800  }
0x6d: {  	_ =	swait.ge [sflag:s16], $0x800  }
0x6e: {  	[sflag:s16] =	ssyncset.done $0x0  }
0x6f: {  	[sflag:s16] =	ssyncadd.s32 $0xFFFFF800  }
0x70: {  	_ =	swait.ge [sflag:s16], $0x800  }
0x71: {  	[sflag:s16] =	ssyncset.done $0x0  }
0x72: {  	[sflag:s16] =	ssyncadd.s32 $0xFFFFF800  }
0x73: {  	_ =	swait.ge [sflag:s16], $0x800  }
0x74: {  	[sflag:s16] =	ssyncset.done $0x0  }
0x75: {  	[sflag:s16] =	ssyncadd.s32 $0xFFFFF800  }
0x76: {  	_ =	swait.ge [sflag:s16], $0x800  }
0x77: {  	[sflag:s16] =	ssyncset.done $0x0  }
0x78: {  	[sflag:s16] =	ssyncadd.s32 $0xFFFFF800  }
.Ltmp1:
0x79: {  	_ =	swait.ge [sflag:s16], $0x800;
	(pc) =	sbr.rel @p0 .LBB2_4-.Ltmp1, $4  }
0x7a: {  	[sflag:s16] =	ssyncset.done $0x0  }
0x7b: {  	[sflag:s16] =	ssyncadd.s32 $0xFFFFF800  }
0x7c: {  	_ =	swait.ge [sflag:s16], $0x800  }
0x7d: {  	s23 =	smov.u32 s22;
	[sflag:s16] =	ssyncset.done $0x0  }
0x7e: {  	s21 =	sshra.s32 s21, $0x2;
	[sflag:s16] =	ssyncadd.s32 $0xFFFFF800  }
0x7f: {  	[spmem:s2] =	stream.indirect.scatter.add.f32 [tilespmem:s15], [sflag:$0x2], $0x10, s21, s14, $0xb8;
	[tilespmem:$0x8800] =	vst v63  }
0x80: {  	s22 =	sadd.s32 $0x80, s21  }
0x81: {  	[spmem:s2] =	stream.indirect.scatter.add.f32 [tilespmem:s15], [sflag:$0x2], $0x10, s22, s14, $0xb8;
	[tilespmem:$0x8800] =	vst v63  }
0x82: {  	s26 =	sadd.s32 $0x100, s21  }
0x83: {  	[spmem:s2] =	stream.indirect.scatter.add.f32 [tilespmem:s15], [sflag:$0x2], $0x10, s26, s14, $0xb8;
	[tilespmem:$0x8800] =	vst v63  }
0x84: {  	s28 =	sadd.s32 $0x180, s21  }
0x85: {  	[spmem:s2] =	stream.indirect.scatter.add.f32 [tilespmem:s15], [sflag:$0x2], $0x10, s28, s14, $0xb8;
	[tilespmem:$0x8800] =	vst v63  }
0x86: {  	s29 =	sadd.s32 $0x200, s21  }
0x87: {  	[spmem:s2] =	stream.indirect.scatter.add.f32 [tilespmem:s15], [sflag:$0x2], $0x10, s29, s14, $0xb8;
	[tilespmem:$0x8800] =	vst v63  }
0x88: {  	s30 =	sadd.s32 $0x280, s21  }
0x89: {  	[spmem:s2] =	stream.indirect.scatter.add.f32 [tilespmem:s15], [sflag:$0x2], $0x10, s30, s14, $0xb8;
	[tilespmem:$0x8800] =	vst v63  }
0x8a: {  	s31 =	sadd.s32 $0x300, s21  }
0x8b: {  	[spmem:s2] =	stream.indirect.scatter.add.f32 [tilespmem:s15], [sflag:$0x2], $0x10, s31, s14, $0xb8;
	[tilespmem:$0x8800] =	vst v63  }
0x8c: {  	s21 =	sadd.s32 $0x380, s21  }
0x8d: {  	[spmem:s2] =	stream.indirect.scatter.add.f32 [tilespmem:s15], [sflag:$0x2], $0x10, s21, s14, $0xb8;
	[tilespmem:$0x8800] =	vst v63  }
0x8e: {  	_ =	swait.ge [sflag:s16], $0x800  }
0x8f: {  	[sflag:s16] =	ssyncset.done $0x0  }
0x90: {  	[sflag:s16] =	ssyncadd.s32 $0xFFFFF800  }
0x91: {  	_ =	swait.ge [sflag:s16], $0x800  }
0x92: {  	[sflag:s16] =	ssyncset.done $0x0  }
0x93: {  	[sflag:s16] =	ssyncadd.s32 $0xFFFFF800  }
0x94: {  	_ =	swait.ge [sflag:s16], $0x800  }
0x95: {  	[sflag:s16] =	ssyncset.done $0x0  }
0x96: {  	[sflag:s16] =	ssyncadd.s32 $0xFFFFF800  }
0x97: {  	_ =	swait.ge [sflag:s16], $0x800  }
0x98: {  	[sflag:s16] =	ssyncset.done $0x0  }
0x99: {  	[sflag:s16] =	ssyncadd.s32 $0xFFFFF800  }
0x9a: {  	_ =	swait.ge [sflag:s16], $0x800  }
0x9b: {  	[sflag:s16] =	ssyncset.done $0x0  }
0x9c: {  	[sflag:s16] =	ssyncadd.s32 $0xFFFFF800  }
0x9d: {  	_ =	swait.ge [sflag:s16], $0x800  }
0x9e: {  	[sflag:s16] =	ssyncset.done $0x0  }
0x9f: {  	[sflag:s16] =	ssyncadd.s32 $0xFFFFF800  }
0xa0: {  	_ =	swait.ge [sflag:s16], $0x800  }
0xa1: {  	[sflag:s16] =	ssyncset.done $0x0  }
0xa2: {  	[sflag:s16] =	ssyncadd.s32 $0xFFFFF800  }
0xa3: {  	_ =	swait.ge [sflag:s16], $0x800  }
0xa4: {  	s20 =	sadd.s32 $0x1, s20;
	[sflag:s16] =	ssyncset.done $0x0  }
0xa5: {  	p0 =	sne.s32 s20, s10;
	[sflag:s16] =	ssyncadd.s32 $0xFFFFF800  }
.Ltmp2:
0xa6: {  	[bflag:$0x0] =	sbarrier.arrive $0xFFFF;
	(pc) =	sbr.rel @p0 .LBB2_1-.Ltmp2, $4  }
0xa7: {  	[hbm:s17], [sflag:s18] =	dma.local [spmem:s19], $0x500  }
0xa8: {  	_ =	swait.ge [sflag:s12], $0x500  }
0xa9: {  	[sflag:s12] =	ssyncset.done $0x0  }
0xaa: {  	[sflag:s12] =	ssyncadd.s32 $0xFFFFFB00  }
0xab: {  	_ =	sfence.sel $0x180000  }
0xac: {  	[bflag:$0x0] =	sbarrier.arrive $0xFFFF  }
0xad: {  	p0 =	sne.s32 s0, $0x0;
	_ =	strace $0x90000047  }
0xae: {  	s0 =	sadd.s32 @!p0 $0x100000, s1;
	[bflag:$0x2] =	sbarrier.arrive $0xFFFF  }
0xaf: {  	[sflag:s0] =	ssyncadd.tile.s32 @!p0 $0x1;
	_ =	shalt  }
.Lfunc_end2:
_tile_overlayer_lowered:
.L_overlay_start_2:
0xb0: {  	(tag) =	ssettag $0x2  }
0xb1: {  	s0 =	rddreg [dreg:$0x0];
	s2 =	stileid.u32  }
0xb2: {  	s1 =	rddreg [dreg:$0x1];
	p0 =	sne.s32 s2, $0x0  }
0xb3: {  	s3 =	rddreg [dreg:$0x2];
	[bflag:$0x3] =	sbarrier.arrive $0xFFFF;
	s2 =	simm.s32 @!p0 $0x1C03  }
0xb4: {  	[timem:s3], [sflag:s2] =	dma.local @!p0 [hbm:s0], s1  }
0xb5: {  	s0 =	simm.s32 @!p0 $0x3  }
0xb6: {  	_ =	swait.ge @!p0 [sflag:s0], s1  }
0xb7: {  	s1 =	ssub.s32 @!p0 $0x0, s1;
	[sflag:s0] =	ssyncset.done @!p0 $0x0  }
0xb8: {  	[sflag:s0] =	ssyncadd.s32 @!p0 s1  }
0xb9: {  	[bflag:$0x3] =	sbarrier.arrive $0xFFFF  }
0xba: {  	_ =	shalt  }

</sc_bundles>
